<compile_context>
chip_gen: v7x
topology: tpu7x:2x2x1
jax: 0.10.2.dev20260603
libtpu: 0.0.44.dev20260713+nightly
codegen_flags: <defaults>
</compile_context>

<pallas_src>
import jax
import jax.numpy as jnp
from jax import lax
from jax.experimental import pallas as pl
from jax.experimental.pallas import tpu as pltpu
from jax.experimental.pallas import tpu_sc as plsc

N = 10000
NP = 10240
E = 40000
PATCH = 84
D = 32
FEAT = PATCH * D

NW = 32
ROWS_PW = FEAT // NW
FPP = 4
PASSES = ROWS_PW // FPP


def _vmesh():
    return plsc.VectorSubcoreMesh(core_axis_name="c", subcore_axis_name="s",
                                  num_cores=2, num_subcores=16)



def _prep_body(edge_ref, ns_ref, nd_ref, pk_ref, esrc, sbuf, dbuf, pbuf, hist):
    wid = lax.axis_index("s") * 2 + lax.axis_index("c")
    ones = jnp.full((16,), 1.0, jnp.float32)

    def hist_norm(row, out_hbm):
        pltpu.sync_copy(edge_ref.at[pl.ds(row * E, E)], esrc)

        def zero(i, _):
            hist[pl.ds(i * 16, 16)] = jnp.zeros((16,), jnp.float32)
            return 0
        lax.fori_loop(0, NP // 16, zero, 0)

        def acc(g, _):
            idx = esrc[pl.ds(g * 16, 16)]
            plsc.addupdate_scatter(hist, [idx], ones)
            return 0
        lax.fori_loop(0, E // 16, acc, 0)

        def norm(i, _):
            deg = hist[pl.ds(i * 16, 16)]
            m = jnp.maximum(deg, 1.0)
            bi = plsc.bitcast(m, jnp.int32)
            bi = jnp.int32(0x5F3759DF) - (bi >> 1)
            y = plsc.bitcast(bi, jnp.float32)
            for _ in range(4):
                y = y * (1.5 - 0.5 * m * y * y)
            hist[pl.ds(i * 16, 16)] = y
            return 0
        lax.fori_loop(0, NP // 16, norm, 0)
        pltpu.sync_copy(hist, out_hbm)

    @pl.when(wid == 0)
    def _():
        hist_norm(0, ns_ref)

    @pl.when(wid == 1)
    def _():
        hist_norm(1, nd_ref)

    @pl.when((wid >= 2) & (wid < 27))
    def _():
        off = (wid - 2) * (E // 25)
        pltpu.sync_copy(edge_ref.at[pl.ds(off, E // 25)], sbuf)
        pltpu.sync_copy(edge_ref.at[pl.ds(E + off, E // 25)], dbuf)

        def pk(g, _):
            s = sbuf[pl.ds(g * 16, 16)]
            d = dbuf[pl.ds(g * 16, 16)]
            pbuf[pl.ds(g * 16, 16)] = s | (d << 14)
            return 0
        lax.fori_loop(0, (E // 25) // 16, pk, 0)
        pltpu.sync_copy(pbuf, pk_ref.at[pl.ds(off, E // 25)])


_prep = pl.kernel(
    _prep_body,
    out_type=[
        jax.ShapeDtypeStruct((NP,), jnp.float32),
        jax.ShapeDtypeStruct((NP,), jnp.float32),
        jax.ShapeDtypeStruct((E,), jnp.int32),
    ],
    mesh=_vmesh(),
    scratch_types=[
        pltpu.VMEM((E,), jnp.int32),
        pltpu.VMEM((E // 25,), jnp.int32),
        pltpu.VMEM((E // 25,), jnp.int32),
        pltpu.VMEM((E // 25,), jnp.int32),
        pltpu.VMEM((NP,), jnp.float32),
    ],
    compiler_params=pltpu.CompilerParams(needs_layout_passes=False),
)



def _spmm_body(xt_ref, pk_ref, yt_ref, ebuf, x_buf, y_buf, xsem, ysem):
    wid = lax.axis_index("s") * 2 + lax.axis_index("c")
    pltpu.sync_copy(pk_ref, ebuf)
    base = wid * ROWS_PW
    mask14 = jnp.full((16,), 0x3FFF, jnp.int32)
    roffs = [jnp.full((16,), r * NP, jnp.int32) for r in range(FPP)]

    def one_pass(p, _):
        off0 = (base + p * FPP) * NP
        xcp = pltpu.async_copy(xt_ref.at[pl.ds(off0, FPP * NP)], x_buf, xsem)

        @pl.when(p > 0)
        def _():
            pltpu.make_async_copy(
                y_buf, yt_ref.at[pl.ds(off0 - FPP * NP, FPP * NP)], ysem).wait()

        @plsc.parallel_loop(0, FPP * NP // 16, unroll=4)
        def _zero(i):
            y_buf[pl.ds(i * 16, 16)] = jnp.zeros((16,), jnp.float32)

        xcp.wait()

        @plsc.parallel_loop(0, E // 16, unroll=8)
        def _edge(g):
            pe = ebuf[pl.ds(g * 16, 16)]
            s = pe & mask14
            d = lax.shift_right_logical(pe, 14)
            for r in range(FPP):
                v = plsc.load_gather(x_buf, [s + roffs[r]])
                plsc.addupdate_scatter(y_buf, [d + roffs[r]], v)

        pltpu.async_copy(y_buf, yt_ref.at[pl.ds(off0, FPP * NP)], ysem)
        return 0
    lax.fori_loop(0, PASSES, one_pass, 0)
    pltpu.make_async_copy(
        y_buf,
        yt_ref.at[pl.ds((base + (PASSES - 1) * FPP) * NP, FPP * NP)],
        ysem).wait()


_spmm = pl.kernel(
    _spmm_body,
    out_type=jax.ShapeDtypeStruct((FEAT * NP,), jnp.float32),
    mesh=_vmesh(),
    scratch_types=[
        pltpu.VMEM((E,), jnp.int32),
        pltpu.VMEM((FPP * NP,), jnp.float32),
        pltpu.VMEM((FPP * NP,), jnp.float32),
        pltpu.SemaphoreType.DMA,
        pltpu.SemaphoreType.DMA,
    ],
    compiler_params=pltpu.CompilerParams(needs_layout_passes=False),
)



def _tr_body(x_ref, ns_ref, o_ref):
    o_ref[...] = jnp.transpose(x_ref[...]) * ns_ref[...]


def _transpose_scale(x0, ns2):
    blk = 512
    return pl.pallas_call(
        _tr_body,
        grid=(NP // blk,),
        in_specs=[
            pl.BlockSpec((blk, FEAT), lambda g: (g, 0)),
            pl.BlockSpec((1, blk), lambda g: (0, g)),
        ],
        out_specs=pl.BlockSpec((FEAT, blk), lambda g: (0, g)),
        out_shape=jax.ShapeDtypeStruct((FEAT, NP), jnp.float32),
    )(x0, ns2)


def _d1_body(y_ref, nd_ref, ns_ref, w_ref, b_ref, o_ref):
    y = y_ref[...] * nd_ref[...]
    h = lax.dot_general(w_ref[...], y, (((0,), (0,)), ((), ())),
                        preferred_element_type=jnp.float32,
                        precision=lax.Precision.HIGHEST)
    h = h + b_ref[...]
    h = jnp.where(h >= 0, h, 0.01 * h)
    o_ref[...] = h * ns_ref[...]


def _mid_layer(y1, nd2, ns2, W1, b1c):
    return pl.pallas_call(
        _d1_body,
        grid=(PATCH,),
        in_specs=[
            pl.BlockSpec((D, NP), lambda p: (p, 0)),
            pl.BlockSpec((1, NP), lambda p: (0, 0)),
            pl.BlockSpec((1, NP), lambda p: (0, 0)),
            pl.BlockSpec((D, D), lambda p: (0, 0)),
            pl.BlockSpec((D, 1), lambda p: (0, 0)),
        ],
        out_specs=pl.BlockSpec((D, NP), lambda p: (p, 0)),
        out_shape=jax.ShapeDtypeStruct((FEAT, NP), jnp.float32),
    )(y1, nd2, ns2, W1, b1c)


def _d2_body(y_ref, nd_ref, w2_ref, b2_ref, wfc_ref, bfc_ref, o_ref):
    p = pl.program_id(0)
    y = y_ref[...] * nd_ref[...]
    h = lax.dot_general(w2_ref[...], y, (((0,), (0,)), ((), ())),
                        preferred_element_type=jnp.float32,
                        precision=lax.Precision.HIGHEST)
    h = h + b2_ref[...]
    h = jnp.where(h >= 0, h, 0.01 * h)
    mask = lax.broadcasted_iota(jnp.int32, (D, NP), 1) < N
    h = jnp.where(mask, h, 0.0)
    s = jnp.sum(h, axis=1, keepdims=True)
    contrib = lax.dot_general(s, wfc_ref[...], (((0,), (0,)), ((), ())),
                              preferred_element_type=jnp.float32,
                              precision=lax.Precision.HIGHEST)

    @pl.when(p == 0)
    def _():
        o_ref[...] = bfc_ref[...]

    o_ref[...] += contrib * (1.0 / N)


def _final_layer(y2, nd2, W2, b2c, W_fc_t, bfc2):
    return pl.pallas_call(
        _d2_body,
        grid=(PATCH,),
        in_specs=[
            pl.BlockSpec((D, NP), lambda p: (p, 0)),
            pl.BlockSpec((1, NP), lambda p: (0, 0)),
            pl.BlockSpec((D, D), lambda p: (0, 0)),
            pl.BlockSpec((D, 1), lambda p: (0, 0)),
            pl.BlockSpec((D, D), lambda p: (p, 0)),
            pl.BlockSpec((1, D), lambda p: (0, 0)),
        ],
        out_specs=pl.BlockSpec((1, D), lambda p: (0, 0)),
        out_shape=jax.ShapeDtypeStruct((1, D), jnp.float32),
    )(y2, nd2, W2, b2c, W_fc_t, bfc2)



def kernel(n_feat, edge_index, W1, b1, W2, b2, W_fc, b_fc):
    x0 = n_feat.reshape(N, FEAT)
    ns, nd, pk = _prep(edge_index.reshape(2 * E))
    ns2 = ns.reshape(1, NP)
    nd2 = nd.reshape(1, NP)
    xt = _transpose_scale(x0, ns2)
    y1 = _spmm(xt.reshape(FEAT * NP), pk).reshape(FEAT, NP)
    z1 = _mid_layer(y1, nd2, ns2, W1, b1.reshape(D, 1))
    y2 = _spmm(z1.reshape(FEAT * NP), pk).reshape(FEAT, NP)
    return _final_layer(y2, nd2, W2, b2.reshape(D, 1), W_fc.T, b_fc.reshape(1, D))

# --- scband reference (transcript-rebuilt; emitter-appended) ---
"""Pipeline reference for scband-patch-gcn2-34514357191324 (READ-ONLY COPY).

The authoritative reference and input builder live on the scoring server;
editing this copy changes nothing except your own understanding.
"""

import jax, jax.numpy as jnp
import numpy as np

N = 10000
E = 40000
D_IN = 32
D_H = 32
D_OUT = 32
PATCH = 84  # 3 * 28, hardcoded by the module's fc layer


def setup_inputs(seed: int = 0) -> dict:
    key = jax.random.key(seed)
    ks = jax.random.split(key, 8)
    n_feat = jax.random.normal(ks[0], (N, PATCH, D_IN), dtype=jnp.float32)
    edge_index = jax.random.randint(ks[1], (2, E), 0, N, dtype=jnp.int32)
    # GraphConv weights (glorot-like scale), biases zero (DGL default)
    W1 = jax.random.normal(ks[2], (D_IN, D_H), dtype=jnp.float32) * (1.0 / np.sqrt(D_IN))
    b1 = jnp.zeros((D_H,), dtype=jnp.float32)
    W2 = jax.random.normal(ks[3], (D_H, D_OUT), dtype=jnp.float32) * (1.0 / np.sqrt(D_H))
    b2 = jnp.zeros((D_OUT,), dtype=jnp.float32)
    # fc: nn.Linear(3*28*output_size, output_size) -> torch layout (out, in)
    W_fc = jax.random.normal(ks[4], (D_OUT, PATCH * D_OUT), dtype=jnp.float32) * (1.0 / np.sqrt(PATCH * D_OUT))
    b_fc = jax.random.normal(ks[5], (D_OUT,), dtype=jnp.float32) * 0.01
    return {"n_feat": n_feat, "edge_index": edge_index, "W1": W1, "b1": b1,
            "W2": W2, "b2": b2, "W_fc": W_fc, "b_fc": b_fc}


def _leaky_relu(x):
    return jnp.where(x >= 0, x, 0.01 * x)


def _graph_conv(x, W, b, src, dst):
    # DGL GraphConv with norm='both': D_dst^{-1/2} A D_src^{-1/2} X W + b
    ones = jnp.ones((src.shape[0],), dtype=x.dtype)
    deg_out = jax.ops.segment_sum(ones, src, num_segments=N)
    deg_in = jax.ops.segment_sum(ones, dst, num_segments=N)
    norm_src = jax.lax.rsqrt(jnp.maximum(deg_out, 1.0))
    norm_dst = jax.lax.rsqrt(jnp.maximum(deg_in, 1.0))
    in_f, out_f = W.shape
    h = x
    if in_f > out_f:
        h = h @ W  # DGL multiplies W first when it reduces dim
    h = h * norm_src[:, None, None]
    m = jnp.take(h, src, axis=0)            # gather per edge [E, 84, d]
    agg = jax.ops.segment_sum(m, dst, num_segments=N)  # scatter-add
    agg = agg * norm_dst[:, None, None]
    if in_f <= out_f:
        agg = agg @ W
    return agg + b


def reference(n_feat, edge_index, W1, b1, W2, b2, W_fc, b_fc):
    src = edge_index[0]
    dst = edge_index[1]
    # input_layer (e_feat=None)
    h = _graph_conv(n_feat, W1, b1, src, dst)
    h = _leaky_relu(h)
    # hidden_size has length 1 -> no middle layers
    # output_layer
    h = _graph_conv(h, W2, b2, src, dst)
    h = _leaky_relu(h)
    # Flatten: [N, 84, D_OUT] -> [N, 84*D_OUT]
    h = h.reshape(N, PATCH * D_OUT)
    # fc
    h = h @ W_fc.T + b_fc
    # dgl.mean_nodes over a single graph -> [1, D_OUT]
    return jnp.mean(h, axis=0, keepdims=True)

if __name__ == "__main__":
    import jax
    _d = setup_inputs()
    print(jax.jit(kernel)(*tuple(_d.values())))

</pallas_src>

<mosaic_0001>
#map = affine_map<(d0, d1) -> (0)>
module attributes {stable_mosaic.version = 14 : i64} {
  func.func @_spmm_body(%arg0: i32, %arg1: i32, %arg2: memref<27525120xf32, #tpu.memory_space<hbm>>, %arg3: memref<40000xi32, #tpu.memory_space<hbm>>, %arg4: memref<27525120xf32, #tpu.memory_space<hbm>>, %arg5: memref<40000xi32, #tpu.memory_space<vmem>>, %arg6: memref<40960xf32, #tpu.memory_space<vmem>>, %arg7: memref<40960xf32, #tpu.memory_space<vmem>>, %arg8: memref<!tpu.dma_semaphore, #tpu.memory_space<semaphore_mem>>, %arg9: memref<!tpu.dma_semaphore, #tpu.memory_space<semaphore_mem>>) attributes {dimension_semantics = [#tpu.dimension_semantics<core_parallel>, #tpu.dimension_semantics<subcore_parallel>], iteration_bounds = array<i64: 2, 16>, scalar_prefetch = 0 : i64, scratch_operands = 5 : i64, tpu.core_type = #tpu.core_type<sc_vector_subcore>, window_params = [{transform_indices = #map}, {transform_indices = #map}, {transform_indices = #map}]} {
    %mul3A = arith.constant 2 : i32
    %mul3A_0 = arith.muli %arg1, %mul3A : i32
    %add3A = arith.addi %mul3A_0, %arg0 : i32
    "tpu.region"() ({
      %run_scoped3A = tpu.sem_alloc : memref<!tpu.dma_semaphore, #tpu.memory_space<semaphore_mem>>
      tpu.enqueue_dma source(%arg3 : memref<40000xi32, #tpu.memory_space<hbm>>) target(%arg5 : memref<40000xi32, #tpu.memory_space<vmem>>) target_semaphore(%run_scoped3A : memref<!tpu.dma_semaphore, #tpu.memory_space<semaphore_mem>>)
      tpu.wait_dma2 semaphore(%run_scoped3A : memref<!tpu.dma_semaphore, #tpu.memory_space<semaphore_mem>>) src(%arg3 : memref<40000xi32, #tpu.memory_space<hbm>>) dst(%arg5 : memref<40000xi32, #tpu.memory_space<vmem>>)
      tpu.yield
    }) : () -> ()
    %mul3A_1 = arith.constant 84 : i32
    %mul3A_2 = arith.muli %add3A, %mul3A_1 : i32
    %broadcast_in_dim3A = arith.constant 16383 : i32
    %broadcast_in_dim3A_3 = vector.broadcast %broadcast_in_dim3A : i32 to vector<16xi32>
    %broadcast_in_dim3A_4 = arith.constant 0 : i32
    %broadcast_in_dim3A_5 = vector.broadcast %broadcast_in_dim3A_4 : i32 to vector<16xi32>
    %broadcast_in_dim3A_6 = arith.constant 10240 : i32
    %broadcast_in_dim3A_7 = vector.broadcast %broadcast_in_dim3A_6 : i32 to vector<16xi32>
    %broadcast_in_dim3A_8 = arith.constant 20480 : i32
    %broadcast_in_dim3A_9 = vector.broadcast %broadcast_in_dim3A_8 : i32 to vector<16xi32>
    %broadcast_in_dim3A_10 = arith.constant 30720 : i32
    %broadcast_in_dim3A_11 = vector.broadcast %broadcast_in_dim3A_10 : i32 to vector<16xi32>
    %scan3A = arith.constant 0 : i32
    %scan3A_12 = arith.constant 0 : i32
    %scan3A_13 = arith.constant 21 : i32
    %scan3A_14 = arith.addi %scan3A_12, %scan3A_13 : i32
    %scan3A_15 = arith.constant 1 : i32
    %scan3A_16 = scf.for %scan3A_23 = %scan3A_12 to %scan3A_14 step %scan3A_15 iter_args(%scan3A_24 = %scan3A) -> (i32)  : i32 {
      %mul3A_25 = arith.constant 4 : i32
      %mul3A_26 = arith.muli %scan3A_23, %mul3A_25 : i32
      %add3A_27 = arith.addi %mul3A_2, %mul3A_26 : i32
      %mul3A_28 = arith.constant 10240 : i32
      %mul3A_29 = arith.muli %add3A_27, %mul3A_28 : i32
      %dma_start3A = tpu.memref_slice %arg2[%mul3A_29] : memref<27525120xf32, #tpu.memory_space<hbm>> -> memref<40960xf32, #tpu.memory_space<hbm>>
      %dma_start3A_30 = tpu.memref_slice %arg2[%mul3A_29] : memref<27525120xf32, #tpu.memory_space<hbm>> -> memref<40960xf32, #tpu.memory_space<hbm>>
      tpu.enqueue_dma source(%dma_start3A_30 : memref<40960xf32, #tpu.memory_space<hbm>>) target(%arg6 : memref<40960xf32, #tpu.memory_space<vmem>>) target_semaphore(%arg8 : memref<!tpu.dma_semaphore, #tpu.memory_space<semaphore_mem>>)
      %gt3A = arith.constant 0 : i32
      %gt3A_31 = arith.cmpi sgt, %scan3A_23, %gt3A : i32
      %convert_element_type3A = arith.extui %gt3A_31 : i1 to i32
      %cond3A = arith.constant 0 : i32
      %cond3A_32 = arith.cmpi ne, %convert_element_type3A, %cond3A : i32
      scf.if %cond3A_32 {
        %sub3A = arith.constant 40960 : i32
        %sub3A_43 = arith.subi %mul3A_29, %sub3A : i32
        %dma_wait3A_44 = tpu.memref_slice %arg4[%sub3A_43] : memref<27525120xf32, #tpu.memory_space<hbm>> -> memref<40960xf32, #tpu.memory_space<hbm>>
        %dma_wait3A_45 = tpu.memref_slice %arg4[%sub3A_43] : memref<27525120xf32, #tpu.memory_space<hbm>> -> memref<40960xf32, #tpu.memory_space<hbm>>
        tpu.wait_dma2 semaphore(%arg9 : memref<!tpu.dma_semaphore, #tpu.memory_space<semaphore_mem>>) src(%arg7 : memref<40960xf32, #tpu.memory_space<vmem>>) dst(%dma_wait3A_45 : memref<40960xf32, #tpu.memory_space<hbm>>)
      } else {
      }
      %parallel_loop3A = arith.constant 0 : i32
      %parallel_loop3A_33 = arith.constant 2560 : i32
      %parallel_loop3A_34 = arith.constant 1 : i32
      scf.for %parallel_loop3A_43 = %parallel_loop3A to %parallel_loop3A_33 step %parallel_loop3A_34  : i32 {
        %parallel_loop3A_44 = arith.constant 0.000000e+00 : f32
        %parallel_loop3A_45 = vector.broadcast %parallel_loop3A_44 : f32 to vector<16xf32>
        %parallel_loop3A_46 = arith.constant 16 : i32
        %parallel_loop3A_47 = arith.muli %parallel_loop3A_43, %parallel_loop3A_46 : i32
        %parallel_loop3A_48 = arith.index_cast %parallel_loop3A_47 : i32 to index
        %parallel_loop3A_49 = tpu.vector_load %arg7[%parallel_loop3A_48] {strides = array<i32>} : memref<40960xf32, #tpu.memory_space<vmem>>, vector<16xf32>,
        tpu.vector_store %arg7[%parallel_loop3A_48], %parallel_loop3A_45 {strides = array<i32>} : memref<40960xf32, #tpu.memory_space<vmem>>, vector<16xf32>,
      } {sc.loop_unroll_factor = 4 : i64, sc.parallel_access}
      %dma_wait3A_35 = tpu.memref_slice %arg2[%mul3A_29] : memref<27525120xf32, #tpu.memory_space<hbm>> -> memref<40960xf32, #tpu.memory_space<hbm>>
      %dma_wait3A_36 = tpu.memref_slice %arg2[%mul3A_29] : memref<27525120xf32, #tpu.memory_space<hbm>> -> memref<40960xf32, #tpu.memory_space<hbm>>
      tpu.wait_dma2 semaphore(%arg8 : memref<!tpu.dma_semaphore, #tpu.memory_space<semaphore_mem>>) src(%dma_wait3A_36 : memref<40960xf32, #tpu.memory_space<hbm>>) dst(%arg6 : memref<40960xf32, #tpu.memory_space<vmem>>)
      %parallel_loop3A_37 = arith.constant 0 : i32
      %parallel_loop3A_38 = arith.constant 2500 : i32
      %parallel_loop3A_39 = arith.constant 1 : i32
      scf.for %parallel_loop3A_43 = %parallel_loop3A_37 to %parallel_loop3A_38 step %parallel_loop3A_39  : i32 {
        %parallel_loop3A_44 = arith.constant 16 : i32
        %parallel_loop3A_45 = arith.muli %parallel_loop3A_43, %parallel_loop3A_44 : i32
        %parallel_loop3A_46 = arith.index_cast %parallel_loop3A_45 : i32 to index
        %parallel_loop3A_47 = tpu.vector_load %arg5[%parallel_loop3A_46] {strides = array<i32>} : memref<40000xi32, #tpu.memory_space<vmem>>, vector<16xi32>,
        %parallel_loop3A_48 = arith.andi %parallel_loop3A_47, %broadcast_in_dim3A_3 : vector<16xi32>
        %parallel_loop3A_49 = arith.constant 14 : i32
        %parallel_loop3A_50 = vector.broadcast %parallel_loop3A_49 : i32 to vector<16xi32>
        %parallel_loop3A_51 = arith.shrui %parallel_loop3A_47, %parallel_loop3A_50 : vector<16xi32>
        %parallel_loop3A_52 = arith.addi %parallel_loop3A_48, %broadcast_in_dim3A_5 : vector<16xi32>
        %parallel_loop3A_53 = tpu.vector_load_idx %arg6[%parallel_loop3A_52] : memref<40960xf32, #tpu.memory_space<vmem>>[vector<16xi32>], vector<16xf32>,
        %parallel_loop3A_54 = arith.addi %parallel_loop3A_51, %broadcast_in_dim3A_5 : vector<16xi32>
        tpu.vector_store_idx %arg7[%parallel_loop3A_54], %parallel_loop3A_53 {add = true} : memref<40960xf32, #tpu.memory_space<vmem>>[vector<16xi32>], vector<16xf32>,
        %parallel_loop3A_55 = arith.addi %parallel_loop3A_48, %broadcast_in_dim3A_7 : vector<16xi32>
        %parallel_loop3A_56 = tpu.vector_load_idx %arg6[%parallel_loop3A_55] : memref<40960xf32, #tpu.memory_space<vmem>>[vector<16xi32>], vector<16xf32>,
        %parallel_loop3A_57 = arith.addi %parallel_loop3A_51, %broadcast_in_dim3A_7 : vector<16xi32>
        tpu.vector_store_idx %arg7[%parallel_loop3A_57], %parallel_loop3A_56 {add = true} : memref<40960xf32, #tpu.memory_space<vmem>>[vector<16xi32>], vector<16xf32>,
        %parallel_loop3A_58 = arith.addi %parallel_loop3A_48, %broadcast_in_dim3A_9 : vector<16xi32>
        %parallel_loop3A_59 = tpu.vector_load_idx %arg6[%parallel_loop3A_58] : memref<40960xf32, #tpu.memory_space<vmem>>[vector<16xi32>], vector<16xf32>,
        %parallel_loop3A_60 = arith.addi %parallel_loop3A_51, %broadcast_in_dim3A_9 : vector<16xi32>
        tpu.vector_store_idx %arg7[%parallel_loop3A_60], %parallel_loop3A_59 {add = true} : memref<40960xf32, #tpu.memory_space<vmem>>[vector<16xi32>], vector<16xf32>,
        %parallel_loop3A_61 = arith.addi %parallel_loop3A_48, %broadcast_in_dim3A_11 : vector<16xi32>
        %parallel_loop3A_62 = tpu.vector_load_idx %arg6[%parallel_loop3A_61] : memref<40960xf32, #tpu.memory_space<vmem>>[vector<16xi32>], vector<16xf32>,
        %parallel_loop3A_63 = arith.addi %parallel_loop3A_51, %broadcast_in_dim3A_11 : vector<16xi32>
        tpu.vector_store_idx %arg7[%parallel_loop3A_63], %parallel_loop3A_62 {add = true} : memref<40960xf32, #tpu.memory_space<vmem>>[vector<16xi32>], vector<16xf32>,
      } {sc.loop_unroll_factor = 8 : i64, sc.parallel_access}
      %dma_start3A_40 = tpu.memref_slice %arg4[%mul3A_29] : memref<27525120xf32, #tpu.memory_space<hbm>> -> memref<40960xf32, #tpu.memory_space<hbm>>
      %dma_start3A_41 = tpu.memref_slice %arg4[%mul3A_29] : memref<27525120xf32, #tpu.memory_space<hbm>> -> memref<40960xf32, #tpu.memory_space<hbm>>
      tpu.enqueue_dma source(%arg7 : memref<40960xf32, #tpu.memory_space<vmem>>) target(%dma_start3A_41 : memref<40960xf32, #tpu.memory_space<hbm>>) target_semaphore(%arg9 : memref<!tpu.dma_semaphore, #tpu.memory_space<semaphore_mem>>)
      %scan3A_42 = arith.constant 0 : i32
      scf.yield %scan3A_42 : i32
    }
    %scan3A_17 = arith.constant 21 : i32
    %add3A_18 = arith.constant 80 : i32
    %add3A_19 = arith.addi %mul3A_2, %add3A_18 : i32
    %mul3A_20 = arith.constant 10240 : i32
    %mul3A_21 = arith.muli %add3A_19, %mul3A_20 : i32
    %dma_wait3A = tpu.memref_slice %arg4[%mul3A_21] : memref<27525120xf32, #tpu.memory_space<hbm>> -> memref<40960xf32, #tpu.memory_space<hbm>>
    %dma_wait3A_22 = tpu.memref_slice %arg4[%mul3A_21] : memref<27525120xf32, #tpu.memory_space<hbm>> -> memref<40960xf32, #tpu.memory_space<hbm>>
    tpu.wait_dma2 semaphore(%arg9 : memref<!tpu.dma_semaphore, #tpu.memory_space<semaphore_mem>>) src(%arg7 : memref<40960xf32, #tpu.memory_space<vmem>>) dst(%dma_wait3A_22 : memref<40960xf32, #tpu.memory_space<hbm>>)
    return
  }
}

#map = affine_map<(d0, d1) -> (0)>
module attributes {stable_mosaic.version = 14 : i64} {
  func.func @_prep_body(%arg0: i32, %arg1: i32, %arg2: memref<80000xi32, #tpu.memory_space<hbm>>, %arg3: memref<10240xf32, #tpu.memory_space<hbm>>, %arg4: memref<10240xf32, #tpu.memory_space<hbm>>, %arg5: memref<40000xi32, #tpu.memory_space<hbm>>, %arg6: memref<40000xi32, #tpu.memory_space<vmem>>, %arg7: memref<1600xi32, #tpu.memory_space<vmem>>, %arg8: memref<1600xi32, #tpu.memory_space<vmem>>, %arg9: memref<1600xi32, #tpu.memory_space<vmem>>, %arg10: memref<10240xf32, #tpu.memory_space<vmem>>) attributes {dimension_semantics = [#tpu.dimension_semantics<core_parallel>, #tpu.dimension_semantics<subcore_parallel>], iteration_bounds = array<i64: 2, 16>, scalar_prefetch = 0 : i64, scratch_operands = 5 : i64, tpu.core_type = #tpu.core_type<sc_vector_subcore>, window_params = [{transform_indices = #map}, {transform_indices = #map}, {transform_indices = #map}, {transform_indices = #map}]} {
    %mul3A = arith.constant 2 : i32
    %mul3A_0 = arith.muli %arg1, %mul3A : i32
    %add3A = arith.addi %mul3A_0, %arg0 : i32
    %broadcast_in_dim3A = arith.constant 1.000000e+00 : f32
    %broadcast_in_dim3A_1 = vector.broadcast %broadcast_in_dim3A : f32 to vector<16xf32>
    %eq3A = arith.constant 0 : i32
    %eq3A_2 = arith.cmpi eq, %add3A, %eq3A : i32
    %convert_element_type3A = arith.extui %eq3A_2 : i1 to i32
    %cond3A = arith.constant 0 : i32
    %cond3A_3 = arith.cmpi ne, %convert_element_type3A, %cond3A : i32
    scf.if %cond3A_3 {
      "tpu.region"() ({
        %run_scoped3A = tpu.sem_alloc : memref<!tpu.dma_semaphore, #tpu.memory_space<semaphore_mem>>
        %dma_start3A = arith.constant 0 : i32
        %dma_start3A_34 = tpu.memref_slice %arg2[%dma_start3A] : memref<80000xi32, #tpu.memory_space<hbm>> -> memref<40000xi32, #tpu.memory_space<hbm>>
        %dma_start3A_35 = arith.constant 0 : i32
        %dma_start3A_36 = tpu.memref_slice %arg2[%dma_start3A_35] : memref<80000xi32, #tpu.memory_space<hbm>> -> memref<40000xi32, #tpu.memory_space<hbm>>
        tpu.enqueue_dma source(%dma_start3A_36 : memref<40000xi32, #tpu.memory_space<hbm>>) target(%arg6 : memref<40000xi32, #tpu.memory_space<vmem>>) target_semaphore(%run_scoped3A : memref<!tpu.dma_semaphore, #tpu.memory_space<semaphore_mem>>)
        %dma_wait3A = arith.constant 0 : i32
        %dma_wait3A_37 = tpu.memref_slice %arg2[%dma_wait3A] : memref<80000xi32, #tpu.memory_space<hbm>> -> memref<40000xi32, #tpu.memory_space<hbm>>
        %dma_wait3A_38 = arith.constant 0 : i32
        %dma_wait3A_39 = tpu.memref_slice %arg2[%dma_wait3A_38] : memref<80000xi32, #tpu.memory_space<hbm>> -> memref<40000xi32, #tpu.memory_space<hbm>>
        tpu.wait_dma2 semaphore(%run_scoped3A : memref<!tpu.dma_semaphore, #tpu.memory_space<semaphore_mem>>) src(%dma_wait3A_39 : memref<40000xi32, #tpu.memory_space<hbm>>) dst(%arg6 : memref<40000xi32, #tpu.memory_space<vmem>>)
        tpu.yield
      }) : () -> ()
      %scan3A = arith.constant 0 : i32
      %scan3A_14 = arith.constant 0 : i32
      %scan3A_15 = arith.constant 640 : i32
      %scan3A_16 = arith.addi %scan3A_14, %scan3A_15 : i32
      %scan3A_17 = arith.constant 1 : i32
      %scan3A_18 = scf.for %scan3A_34 = %scan3A_14 to %scan3A_16 step %scan3A_17 iter_args(%scan3A_35 = %scan3A) -> (i32)  : i32 {
        %broadcast_in_dim3A_36 = arith.constant 0.000000e+00 : f32
        %broadcast_in_dim3A_37 = vector.broadcast %broadcast_in_dim3A_36 : f32 to vector<16xf32>
        %mul3A_38 = arith.constant 16 : i32
        %mul3A_39 = arith.muli %scan3A_34, %mul3A_38 : i32
        %swap3A = arith.index_cast %mul3A_39 : i32 to index
        %swap3A_40 = tpu.vector_load %arg10[%swap3A] {strides = array<i32>} : memref<10240xf32, #tpu.memory_space<vmem>>, vector<16xf32>,
        tpu.vector_store %arg10[%swap3A], %broadcast_in_dim3A_37 {strides = array<i32>} : memref<10240xf32, #tpu.memory_space<vmem>>, vector<16xf32>,
        %scan3A_41 = arith.constant 0 : i32
        scf.yield %scan3A_41 : i32
      }
      %scan3A_19 = arith.constant 640 : i32
      %scan3A_20 = arith.constant 0 : i32
      %scan3A_21 = arith.constant 0 : i32
      %scan3A_22 = arith.constant 2500 : i32
      %scan3A_23 = arith.addi %scan3A_21, %scan3A_22 : i32
      %scan3A_24 = arith.constant 1 : i32
      %scan3A_25 = scf.for %scan3A_34 = %scan3A_21 to %scan3A_23 step %scan3A_24 iter_args(%scan3A_35 = %scan3A_20) -> (i32)  : i32 {
        %mul3A_36 = arith.constant 16 : i32
        %mul3A_37 = arith.muli %scan3A_34, %mul3A_36 : i32
        %get3A = arith.index_cast %mul3A_37 : i32 to index
        %get3A_38 = tpu.vector_load %arg6[%get3A] {strides = array<i32>} : memref<40000xi32, #tpu.memory_space<vmem>>, vector<16xi32>,
        tpu.vector_store_idx %arg10[%get3A_38], %broadcast_in_dim3A_1 {add = true} : memref<10240xf32, #tpu.memory_space<vmem>>[vector<16xi32>], vector<16xf32>,
        %scan3A_39 = arith.constant 0 : i32
        scf.yield %scan3A_39 : i32
      }
      %scan3A_26 = arith.constant 2500 : i32
      %scan3A_27 = arith.constant 0 : i32
      %scan3A_28 = arith.constant 0 : i32
      %scan3A_29 = arith.constant 640 : i32
      %scan3A_30 = arith.addi %scan3A_28, %scan3A_29 : i32
      %scan3A_31 = arith.constant 1 : i32
      %scan3A_32 = scf.for %scan3A_34 = %scan3A_28 to %scan3A_30 step %scan3A_31 iter_args(%scan3A_35 = %scan3A_27) -> (i32)  : i32 {
        %mul3A_36 = arith.constant 16 : i32
        %mul3A_37 = arith.muli %scan3A_34, %mul3A_36 : i32
        %get3A = arith.index_cast %mul3A_37 : i32 to index
        %get3A_38 = tpu.vector_load %arg10[%get3A] {strides = array<i32>} : memref<10240xf32, #tpu.memory_space<vmem>>, vector<16xf32>,
        %max3A = arith.constant 1.000000e+00 : f32
        %max3A_39 = vector.broadcast %max3A : f32 to vector<16xf32>
        %max3A_40 = arith.maximumf %get3A_38, %max3A_39 : vector<16xf32>
        %bitcast3A = vector.bitcast %max3A_40 : vector<16xf32> to vector<16xi32>
        %shift_right_arithmetic3A = arith.constant 1 : i32
        %shift_right_arithmetic3A_41 = vector.broadcast %shift_right_arithmetic3A : i32 to vector<16xi32>
        %shift_right_arithmetic3A_42 = arith.shrsi %bitcast3A, %shift_right_arithmetic3A_41 : vector<16xi32>
        %sub3A = arith.constant 1597463007 : i32
        %sub3A_43 = vector.broadcast %sub3A : i32 to vector<16xi32>
        %sub3A_44 = arith.subi %sub3A_43, %shift_right_arithmetic3A_42 : vector<16xi32>
        %bitcast3A_45 = vector.bitcast %sub3A_44 : vector<16xi32> to vector<16xf32>
        %mul3A_46 = arith.constant 5.000000e-01 : f32
        %mul3A_47 = vector.broadcast %mul3A_46 : f32 to vector<16xf32>
        %mul3A_48 = arith.mulf %mul3A_47, %max3A_40 : vector<16xf32>
        %mul3A_49 = arith.mulf %mul3A_48, %bitcast3A_45 : vector<16xf32>
        %mul3A_50 = arith.mulf %mul3A_49, %bitcast3A_45 : vector<16xf32>
        %sub3A_51 = arith.constant 1.500000e+00 : f32
        %sub3A_52 = vector.broadcast %sub3A_51 : f32 to vector<16xf32>
        %sub3A_53 = arith.subf %sub3A_52, %mul3A_50 : vector<16xf32>
        %mul3A_54 = arith.mulf %bitcast3A_45, %sub3A_53 : vector<16xf32>
        %mul3A_55 = arith.constant 5.000000e-01 : f32
        %mul3A_56 = vector.broadcast %mul3A_55 : f32 to vector<16xf32>
        %mul3A_57 = arith.mulf %mul3A_56, %max3A_40 : vector<16xf32>
        %mul3A_58 = arith.mulf %mul3A_57, %mul3A_54 : vector<16xf32>
        %mul3A_59 = arith.mulf %mul3A_58, %mul3A_54 : vector<16xf32>
        %sub3A_60 = arith.constant 1.500000e+00 : f32
        %sub3A_61 = vector.broadcast %sub3A_60 : f32 to vector<16xf32>
        %sub3A_62 = arith.subf %sub3A_61, %mul3A_59 : vector<16xf32>
        %mul3A_63 = arith.mulf %mul3A_54, %sub3A_62 : vector<16xf32>
        %mul3A_64 = arith.constant 5.000000e-01 : f32
        %mul3A_65 = vector.broadcast %mul3A_64 : f32 to vector<16xf32>
        %mul3A_66 = arith.mulf %mul3A_65, %max3A_40 : vector<16xf32>
        %mul3A_67 = arith.mulf %mul3A_66, %mul3A_63 : vector<16xf32>
        %mul3A_68 = arith.mulf %mul3A_67, %mul3A_63 : vector<16xf32>
        %sub3A_69 = arith.constant 1.500000e+00 : f32
        %sub3A_70 = vector.broadcast %sub3A_69 : f32 to vector<16xf32>
        %sub3A_71 = arith.subf %sub3A_70, %mul3A_68 : vector<16xf32>
        %mul3A_72 = arith.mulf %mul3A_63, %sub3A_71 : vector<16xf32>
        %mul3A_73 = arith.constant 5.000000e-01 : f32
        %mul3A_74 = vector.broadcast %mul3A_73 : f32 to vector<16xf32>
        %mul3A_75 = arith.mulf %mul3A_74, %max3A_40 : vector<16xf32>
        %mul3A_76 = arith.mulf %mul3A_75, %mul3A_72 : vector<16xf32>
        %mul3A_77 = arith.mulf %mul3A_76, %mul3A_72 : vector<16xf32>
        %sub3A_78 = arith.constant 1.500000e+00 : f32
        %sub3A_79 = vector.broadcast %sub3A_78 : f32 to vector<16xf32>
        %sub3A_80 = arith.subf %sub3A_79, %mul3A_77 : vector<16xf32>
        %mul3A_81 = arith.mulf %mul3A_72, %sub3A_80 : vector<16xf32>
        %mul3A_82 = arith.constant 16 : i32
        %mul3A_83 = arith.muli %scan3A_34, %mul3A_82 : i32
        %swap3A = arith.index_cast %mul3A_83 : i32 to index
        %swap3A_84 = tpu.vector_load %arg10[%swap3A] {strides = array<i32>} : memref<10240xf32, #tpu.memory_space<vmem>>, vector<16xf32>,
        tpu.vector_store %arg10[%swap3A], %mul3A_81 {strides = array<i32>} : memref<10240xf32, #tpu.memory_space<vmem>>, vector<16xf32>,
        %scan3A_85 = arith.constant 0 : i32
        scf.yield %scan3A_85 : i32
      }
      %scan3A_33 = arith.constant 640 : i32
      "tpu.region"() ({
        %run_scoped3A = tpu.sem_alloc : memref<!tpu.dma_semaphore, #tpu.memory_space<semaphore_mem>>
        tpu.enqueue_dma source(%arg10 : memref<10240xf32, #tpu.memory_space<vmem>>) target(%arg3 : memref<10240xf32, #tpu.memory_space<hbm>>) target_semaphore(%run_scoped3A : memref<!tpu.dma_semaphore, #tpu.memory_space<semaphore_mem>>)
        tpu.wait_dma2 semaphore(%run_scoped3A : memref<!tpu.dma_semaphore, #tpu.memory_space<semaphore_mem>>) src(%arg10 : memref<10240xf32, #tpu.memory_space<vmem>>) dst(%arg3 : memref<10240xf32, #tpu.memory_space<hbm>>)
        tpu.yield
      }) : () -> ()
    } else {
    }
    %eq3A_4 = arith.constant 1 : i32
    %eq3A_5 = arith.cmpi eq, %add3A, %eq3A_4 : i32
    %convert_element_type3A_6 = arith.extui %eq3A_5 : i1 to i32
    %cond3A_7 = arith.constant 0 : i32
    %cond3A_8 = arith.cmpi ne, %convert_element_type3A_6, %cond3A_7 : i32
    scf.if %cond3A_8 {
      "tpu.region"() ({
        %run_scoped3A = tpu.sem_alloc : memref<!tpu.dma_semaphore, #tpu.memory_space<semaphore_mem>>
        %dma_start3A = arith.constant 40000 : i32
        %dma_start3A_34 = tpu.memref_slice %arg2[%dma_start3A] : memref<80000xi32, #tpu.memory_space<hbm>> -> memref<40000xi32, #tpu.memory_space<hbm>>
        %dma_start3A_35 = arith.constant 40000 : i32
        %dma_start3A_36 = tpu.memref_slice %arg2[%dma_start3A_35] : memref<80000xi32, #tpu.memory_space<hbm>> -> memref<40000xi32, #tpu.memory_space<hbm>>
        tpu.enqueue_dma source(%dma_start3A_36 : memref<40000xi32, #tpu.memory_space<hbm>>) target(%arg6 : memref<40000xi32, #tpu.memory_space<vmem>>) target_semaphore(%run_scoped3A : memref<!tpu.dma_semaphore, #tpu.memory_space<semaphore_mem>>)
        %dma_wait3A = arith.constant 40000 : i32
        %dma_wait3A_37 = tpu.memref_slice %arg2[%dma_wait3A] : memref<80000xi32, #tpu.memory_space<hbm>> -> memref<40000xi32, #tpu.memory_space<hbm>>
        %dma_wait3A_38 = arith.constant 40000 : i32
        %dma_wait3A_39 = tpu.memref_slice %arg2[%dma_wait3A_38] : memref<80000xi32, #tpu.memory_space<hbm>> -> memref<40000xi32, #tpu.memory_space<hbm>>
        tpu.wait_dma2 semaphore(%run_scoped3A : memref<!tpu.dma_semaphore, #tpu.memory_space<semaphore_mem>>) src(%dma_wait3A_39 : memref<40000xi32, #tpu.memory_space<hbm>>) dst(%arg6 : memref<40000xi32, #tpu.memory_space<vmem>>)
        tpu.yield
      }) : () -> ()
      %scan3A = arith.constant 0 : i32
      %scan3A_14 = arith.constant 0 : i32
      %scan3A_15 = arith.constant 640 : i32
      %scan3A_16 = arith.addi %scan3A_14, %scan3A_15 : i32
      %scan3A_17 = arith.constant 1 : i32
      %scan3A_18 = scf.for %scan3A_34 = %scan3A_14 to %scan3A_16 step %scan3A_17 iter_args(%scan3A_35 = %scan3A) -> (i32)  : i32 {
        %broadcast_in_dim3A_36 = arith.constant 0.000000e+00 : f32
        %broadcast_in_dim3A_37 = vector.broadcast %broadcast_in_dim3A_36 : f32 to vector<16xf32>
        %mul3A_38 = arith.constant 16 : i32
        %mul3A_39 = arith.muli %scan3A_34, %mul3A_38 : i32
        %swap3A = arith.index_cast %mul3A_39 : i32 to index
        %swap3A_40 = tpu.vector_load %arg10[%swap3A] {strides = array<i32>} : memref<10240xf32, #tpu.memory_space<vmem>>, vector<16xf32>,
        tpu.vector_store %arg10[%swap3A], %broadcast_in_dim3A_37 {strides = array<i32>} : memref<10240xf32, #tpu.memory_space<vmem>>, vector<16xf32>,
        %scan3A_41 = arith.constant 0 : i32
        scf.yield %scan3A_41 : i32
      }
      %scan3A_19 = arith.constant 640 : i32
      %scan3A_20 = arith.constant 0 : i32
      %scan3A_21 = arith.constant 0 : i32
      %scan3A_22 = arith.constant 2500 : i32
      %scan3A_23 = arith.addi %scan3A_21, %scan3A_22 : i32
      %scan3A_24 = arith.constant 1 : i32
      %scan3A_25 = scf.for %scan3A_34 = %scan3A_21 to %scan3A_23 step %scan3A_24 iter_args(%scan3A_35 = %scan3A_20) -> (i32)  : i32 {
        %mul3A_36 = arith.constant 16 : i32
        %mul3A_37 = arith.muli %scan3A_34, %mul3A_36 : i32
        %get3A = arith.index_cast %mul3A_37 : i32 to index
        %get3A_38 = tpu.vector_load %arg6[%get3A] {strides = array<i32>} : memref<40000xi32, #tpu.memory_space<vmem>>, vector<16xi32>,
        tpu.vector_store_idx %arg10[%get3A_38], %broadcast_in_dim3A_1 {add = true} : memref<10240xf32, #tpu.memory_space<vmem>>[vector<16xi32>], vector<16xf32>,
        %scan3A_39 = arith.constant 0 : i32
        scf.yield %scan3A_39 : i32
      }
      %scan3A_26 = arith.constant 2500 : i32
      %scan3A_27 = arith.constant 0 : i32
      %scan3A_28 = arith.constant 0 : i32
      %scan3A_29 = arith.constant 640 : i32
      %scan3A_30 = arith.addi %scan3A_28, %scan3A_29 : i32
      %scan3A_31 = arith.constant 1 : i32
      %scan3A_32 = scf.for %scan3A_34 = %scan3A_28 to %scan3A_30 step %scan3A_31 iter_args(%scan3A_35 = %scan3A_27) -> (i32)  : i32 {
        %mul3A_36 = arith.constant 16 : i32
        %mul3A_37 = arith.muli %scan3A_34, %mul3A_36 : i32
        %get3A = arith.index_cast %mul3A_37 : i32 to index
        %get3A_38 = tpu.vector_load %arg10[%get3A] {strides = array<i32>} : memref<10240xf32, #tpu.memory_space<vmem>>, vector<16xf32>,
        %max3A = arith.constant 1.000000e+00 : f32
        %max3A_39 = vector.broadcast %max3A : f32 to vector<16xf32>
        %max3A_40 = arith.maximumf %get3A_38, %max3A_39 : vector<16xf32>
        %bitcast3A = vector.bitcast %max3A_40 : vector<16xf32> to vector<16xi32>
        %shift_right_arithmetic3A = arith.constant 1 : i32
        %shift_right_arithmetic3A_41 = vector.broadcast %shift_right_arithmetic3A : i32 to vector<16xi32>
        %shift_right_arithmetic3A_42 = arith.shrsi %bitcast3A, %shift_right_arithmetic3A_41 : vector<16xi32>
        %sub3A = arith.constant 1597463007 : i32
        %sub3A_43 = vector.broadcast %sub3A : i32 to vector<16xi32>
        %sub3A_44 = arith.subi %sub3A_43, %shift_right_arithmetic3A_42 : vector<16xi32>
        %bitcast3A_45 = vector.bitcast %sub3A_44 : vector<16xi32> to vector<16xf32>
        %mul3A_46 = arith.constant 5.000000e-01 : f32
        %mul3A_47 = vector.broadcast %mul3A_46 : f32 to vector<16xf32>
        %mul3A_48 = arith.mulf %mul3A_47, %max3A_40 : vector<16xf32>
        %mul3A_49 = arith.mulf %mul3A_48, %bitcast3A_45 : vector<16xf32>
        %mul3A_50 = arith.mulf %mul3A_49, %bitcast3A_45 : vector<16xf32>
        %sub3A_51 = arith.constant 1.500000e+00 : f32
        %sub3A_52 = vector.broadcast %sub3A_51 : f32 to vector<16xf32>
        %sub3A_53 = arith.subf %sub3A_52, %mul3A_50 : vector<16xf32>
        %mul3A_54 = arith.mulf %bitcast3A_45, %sub3A_53 : vector<16xf32>
        %mul3A_55 = arith.constant 5.000000e-01 : f32
        %mul3A_56 = vector.broadcast %mul3A_55 : f32 to vector<16xf32>
        %mul3A_57 = arith.mulf %mul3A_56, %max3A_40 : vector<16xf32>
        %mul3A_58 = arith.mulf %mul3A_57, %mul3A_54 : vector<16xf32>
        %mul3A_59 = arith.mulf %mul3A_58, %mul3A_54 : vector<16xf32>
        %sub3A_60 = arith.constant 1.500000e+00 : f32
        %sub3A_61 = vector.broadcast %sub3A_60 : f32 to vector<16xf32>
        %sub3A_62 = arith.subf %sub3A_61, %mul3A_59 : vector<16xf32>
        %mul3A_63 = arith.mulf %mul3A_54, %sub3A_62 : vector<16xf32>
        %mul3A_64 = arith.constant 5.000000e-01 : f32
        %mul3A_65 = vector.broadcast %mul3A_64 : f32 to vector<16xf32>
        %mul3A_66 = arith.mulf %mul3A_65, %max3A_40 : vector<16xf32>
        %mul3A_67 = arith.mulf %mul3A_66, %mul3A_63 : vector<16xf32>
        %mul3A_68 = arith.mulf %mul3A_67, %mul3A_63 : vector<16xf32>
        %sub3A_69 = arith.constant 1.500000e+00 : f32
        %sub3A_70 = vector.broadcast %sub3A_69 : f32 to vector<16xf32>
        %sub3A_71 = arith.subf %sub3A_70, %mul3A_68 : vector<16xf32>
        %mul3A_72 = arith.mulf %mul3A_63, %sub3A_71 : vector<16xf32>
        %mul3A_73 = arith.constant 5.000000e-01 : f32
        %mul3A_74 = vector.broadcast %mul3A_73 : f32 to vector<16xf32>
        %mul3A_75 = arith.mulf %mul3A_74, %max3A_40 : vector<16xf32>
        %mul3A_76 = arith.mulf %mul3A_75, %mul3A_72 : vector<16xf32>
        %mul3A_77 = arith.mulf %mul3A_76, %mul3A_72 : vector<16xf32>
        %sub3A_78 = arith.constant 1.500000e+00 : f32
        %sub3A_79 = vector.broadcast %sub3A_78 : f32 to vector<16xf32>
        %sub3A_80 = arith.subf %sub3A_79, %mul3A_77 : vector<16xf32>
        %mul3A_81 = arith.mulf %mul3A_72, %sub3A_80 : vector<16xf32>
        %mul3A_82 = arith.constant 16 : i32
        %mul3A_83 = arith.muli %scan3A_34, %mul3A_82 : i32
        %swap3A = arith.index_cast %mul3A_83 : i32 to index
        %swap3A_84 = tpu.vector_load %arg10[%swap3A] {strides = array<i32>} : memref<10240xf32, #tpu.memory_space<vmem>>, vector<16xf32>,
        tpu.vector_store %arg10[%swap3A], %mul3A_81 {strides = array<i32>} : memref<10240xf32, #tpu.memory_space<vmem>>, vector<16xf32>,
        %scan3A_85 = arith.constant 0 : i32
        scf.yield %scan3A_85 : i32
      }
      %scan3A_33 = arith.constant 640 : i32
      "tpu.region"() ({
        %run_scoped3A = tpu.sem_alloc : memref<!tpu.dma_semaphore, #tpu.memory_space<semaphore_mem>>
        tpu.enqueue_dma source(%arg10 : memref<10240xf32, #tpu.memory_space<vmem>>) target(%arg4 : memref<10240xf32, #tpu.memory_space<hbm>>) target_semaphore(%run_scoped3A : memref<!tpu.dma_semaphore, #tpu.memory_space<semaphore_mem>>)
        tpu.wait_dma2 semaphore(%run_scoped3A : memref<!tpu.dma_semaphore, #tpu.memory_space<semaphore_mem>>) src(%arg10 : memref<10240xf32, #tpu.memory_space<vmem>>) dst(%arg4 : memref<10240xf32, #tpu.memory_space<hbm>>)
        tpu.yield
      }) : () -> ()
    } else {
    }
    %ge3A = arith.constant 2 : i32
    %ge3A_9 = arith.cmpi sge, %add3A, %ge3A : i32
    %lt3A = arith.constant 27 : i32
    %lt3A_10 = arith.cmpi slt, %add3A, %lt3A : i32
    %and3A = arith.andi %ge3A_9, %lt3A_10 : i1
    %convert_element_type3A_11 = arith.extui %and3A : i1 to i32
    %cond3A_12 = arith.constant 0 : i32
    %cond3A_13 = arith.cmpi ne, %convert_element_type3A_11, %cond3A_12 : i32
    scf.if %cond3A_13 {
      %sub3A = arith.constant 2 : i32
      %sub3A_14 = arith.subi %add3A, %sub3A : i32
      %mul3A_15 = arith.constant 1600 : i32
      %mul3A_16 = arith.muli %sub3A_14, %mul3A_15 : i32
      "tpu.region"() ({
        %run_scoped3A = tpu.sem_alloc : memref<!tpu.dma_semaphore, #tpu.memory_space<semaphore_mem>>
        %dma_start3A = tpu.memref_slice %arg2[%mul3A_16] : memref<80000xi32, #tpu.memory_space<hbm>> -> memref<1600xi32, #tpu.memory_space<hbm>>
        %dma_start3A_25 = tpu.memref_slice %arg2[%mul3A_16] : memref<80000xi32, #tpu.memory_space<hbm>> -> memref<1600xi32, #tpu.memory_space<hbm>>
        tpu.enqueue_dma source(%dma_start3A_25 : memref<1600xi32, #tpu.memory_space<hbm>>) target(%arg7 : memref<1600xi32, #tpu.memory_space<vmem>>) target_semaphore(%run_scoped3A : memref<!tpu.dma_semaphore, #tpu.memory_space<semaphore_mem>>)
        %dma_wait3A = tpu.memref_slice %arg2[%mul3A_16] : memref<80000xi32, #tpu.memory_space<hbm>> -> memref<1600xi32, #tpu.memory_space<hbm>>
        %dma_wait3A_26 = tpu.memref_slice %arg2[%mul3A_16] : memref<80000xi32, #tpu.memory_space<hbm>> -> memref<1600xi32, #tpu.memory_space<hbm>>
        tpu.wait_dma2 semaphore(%run_scoped3A : memref<!tpu.dma_semaphore, #tpu.memory_space<semaphore_mem>>) src(%dma_wait3A_26 : memref<1600xi32, #tpu.memory_space<hbm>>) dst(%arg7 : memref<1600xi32, #tpu.memory_space<vmem>>)
        tpu.yield
      }) : () -> ()
      %add3A_17 = arith.constant 40000 : i32
      %add3A_18 = arith.addi %add3A_17, %mul3A_16 : i32
      "tpu.region"() ({
        %run_scoped3A = tpu.sem_alloc : memref<!tpu.dma_semaphore, #tpu.memory_space<semaphore_mem>>
        %dma_start3A = tpu.memref_slice %arg2[%add3A_18] : memref<80000xi32, #tpu.memory_space<hbm>> -> memref<1600xi32, #tpu.memory_space<hbm>>
        %dma_start3A_25 = tpu.memref_slice %arg2[%add3A_18] : memref<80000xi32, #tpu.memory_space<hbm>> -> memref<1600xi32, #tpu.memory_space<hbm>>
        tpu.enqueue_dma source(%dma_start3A_25 : memref<1600xi32, #tpu.memory_space<hbm>>) target(%arg8 : memref<1600xi32, #tpu.memory_space<vmem>>) target_semaphore(%run_scoped3A : memref<!tpu.dma_semaphore, #tpu.memory_space<semaphore_mem>>)
        %dma_wait3A = tpu.memref_slice %arg2[%add3A_18] : memref<80000xi32, #tpu.memory_space<hbm>> -> memref<1600xi32, #tpu.memory_space<hbm>>
        %dma_wait3A_26 = tpu.memref_slice %arg2[%add3A_18] : memref<80000xi32, #tpu.memory_space<hbm>> -> memref<1600xi32, #tpu.memory_space<hbm>>
        tpu.wait_dma2 semaphore(%run_scoped3A : memref<!tpu.dma_semaphore, #tpu.memory_space<semaphore_mem>>) src(%dma_wait3A_26 : memref<1600xi32, #tpu.memory_space<hbm>>) dst(%arg8 : memref<1600xi32, #tpu.memory_space<vmem>>)
        tpu.yield
      }) : () -> ()
      %scan3A = arith.constant 0 : i32
      %scan3A_19 = arith.constant 0 : i32
      %scan3A_20 = arith.constant 100 : i32
      %scan3A_21 = arith.addi %scan3A_19, %scan3A_20 : i32
      %scan3A_22 = arith.constant 1 : i32
      %scan3A_23 = scf.for %scan3A_25 = %scan3A_19 to %scan3A_21 step %scan3A_22 iter_args(%scan3A_26 = %scan3A) -> (i32)  : i32 {
        %mul3A_27 = arith.constant 16 : i32
        %mul3A_28 = arith.muli %scan3A_25, %mul3A_27 : i32
        %get3A = arith.index_cast %mul3A_28 : i32 to index
        %get3A_29 = tpu.vector_load %arg7[%get3A] {strides = array<i32>} : memref<1600xi32, #tpu.memory_space<vmem>>, vector<16xi32>,
        %mul3A_30 = arith.constant 16 : i32
        %mul3A_31 = arith.muli %scan3A_25, %mul3A_30 : i32
        %get3A_32 = arith.index_cast %mul3A_31 : i32 to index
        %get3A_33 = tpu.vector_load %arg8[%get3A_32] {strides = array<i32>} : memref<1600xi32, #tpu.memory_space<vmem>>, vector<16xi32>,
        %shift_left3A = arith.constant 14 : i32
        %shift_left3A_34 = vector.broadcast %shift_left3A : i32 to vector<16xi32>
        %shift_left3A_35 = arith.shli %get3A_33, %shift_left3A_34 : vector<16xi32>
        %or3A = arith.ori %get3A_29, %shift_left3A_35 : vector<16xi32>
        %mul3A_36 = arith.constant 16 : i32
        %mul3A_37 = arith.muli %scan3A_25, %mul3A_36 : i32
        %swap3A = arith.index_cast %mul3A_37 : i32 to index
        %swap3A_38 = tpu.vector_load %arg9[%swap3A] {strides = array<i32>} : memref<1600xi32, #tpu.memory_space<vmem>>, vector<16xi32>,
        tpu.vector_store %arg9[%swap3A], %or3A {strides = array<i32>} : memref<1600xi32, #tpu.memory_space<vmem>>, vector<16xi32>,
        %scan3A_39 = arith.constant 0 : i32
        scf.yield %scan3A_39 : i32
      }
      %scan3A_24 = arith.constant 100 : i32
      "tpu.region"() ({
        %run_scoped3A = tpu.sem_alloc : memref<!tpu.dma_semaphore, #tpu.memory_space<semaphore_mem>>
        %dma_start3A = tpu.memref_slice %arg5[%mul3A_16] : memref<40000xi32, #tpu.memory_space<hbm>> -> memref<1600xi32, #tpu.memory_space<hbm>>
        %dma_start3A_25 = tpu.memref_slice %arg5[%mul3A_16] : memref<40000xi32, #tpu.memory_space<hbm>> -> memref<1600xi32, #tpu.memory_space<hbm>>
        tpu.enqueue_dma source(%arg9 : memref<1600xi32, #tpu.memory_space<vmem>>) target(%dma_start3A_25 : memref<1600xi32, #tpu.memory_space<hbm>>) target_semaphore(%run_scoped3A : memref<!tpu.dma_semaphore, #tpu.memory_space<semaphore_mem>>)
        %dma_wait3A = tpu.memref_slice %arg5[%mul3A_16] : memref<40000xi32, #tpu.memory_space<hbm>> -> memref<1600xi32, #tpu.memory_space<hbm>>
        %dma_wait3A_26 = tpu.memref_slice %arg5[%mul3A_16] : memref<40000xi32, #tpu.memory_space<hbm>> -> memref<1600xi32, #tpu.memory_space<hbm>>
        tpu.wait_dma2 semaphore(%run_scoped3A : memref<!tpu.dma_semaphore, #tpu.memory_space<semaphore_mem>>) src(%arg9 : memref<1600xi32, #tpu.memory_space<vmem>>) dst(%dma_wait3A_26 : memref<1600xi32, #tpu.memory_space<hbm>>)
        tpu.yield
      }) : () -> ()
    } else {
    }
    return
  }
}

#map = affine_map<(d0, d1) -> (0)>
module attributes {stable_mosaic.version = 14 : i64} {
  func.func @_spmm_body(%arg0: i32, %arg1: i32, %arg2: memref<27525120xf32, #tpu.memory_space<hbm>>, %arg3: memref<40000xi32, #tpu.memory_space<hbm>>, %arg4: memref<27525120xf32, #tpu.memory_space<hbm>>, %arg5: memref<40000xi32, #tpu.memory_space<vmem>>, %arg6: memref<40960xf32, #tpu.memory_space<vmem>>, %arg7: memref<40960xf32, #tpu.memory_space<vmem>>, %arg8: memref<!tpu.dma_semaphore, #tpu.memory_space<semaphore_mem>>, %arg9: memref<!tpu.dma_semaphore, #tpu.memory_space<semaphore_mem>>) attributes {dimension_semantics = [#tpu.dimension_semantics<core_parallel>, #tpu.dimension_semantics<subcore_parallel>], iteration_bounds = array<i64: 2, 16>, scalar_prefetch = 0 : i64, scratch_operands = 5 : i64, tpu.core_type = #tpu.core_type<sc_vector_subcore>, window_params = [{transform_indices = #map}, {transform_indices = #map}, {transform_indices = #map}]} {
    %mul3A = arith.constant 2 : i32
    %mul3A_0 = arith.muli %arg1, %mul3A : i32
    %add3A = arith.addi %mul3A_0, %arg0 : i32
    "tpu.region"() ({
      %run_scoped3A = tpu.sem_alloc : memref<!tpu.dma_semaphore, #tpu.memory_space<semaphore_mem>>
      tpu.enqueue_dma source(%arg3 : memref<40000xi32, #tpu.memory_space<hbm>>) target(%arg5 : memref<40000xi32, #tpu.memory_space<vmem>>) target_semaphore(%run_scoped3A : memref<!tpu.dma_semaphore, #tpu.memory_space<semaphore_mem>>)
      tpu.wait_dma2 semaphore(%run_scoped3A : memref<!tpu.dma_semaphore, #tpu.memory_space<semaphore_mem>>) src(%arg3 : memref<40000xi32, #tpu.memory_space<hbm>>) dst(%arg5 : memref<40000xi32, #tpu.memory_space<vmem>>)
      tpu.yield
    }) : () -> ()
    %mul3A_1 = arith.constant 84 : i32
    %mul3A_2 = arith.muli %add3A, %mul3A_1 : i32
    %broadcast_in_dim3A = arith.constant 16383 : i32
    %broadcast_in_dim3A_3 = vector.broadcast %broadcast_in_dim3A : i32 to vector<16xi32>
    %broadcast_in_dim3A_4 = arith.constant 0 : i32
    %broadcast_in_dim3A_5 = vector.broadcast %broadcast_in_dim3A_4 : i32 to vector<16xi32>
    %broadcast_in_dim3A_6 = arith.constant 10240 : i32
    %broadcast_in_dim3A_7 = vector.broadcast %broadcast_in_dim3A_6 : i32 to vector<16xi32>
    %broadcast_in_dim3A_8 = arith.constant 20480 : i32
    %broadcast_in_dim3A_9 = vector.broadcast %broadcast_in_dim3A_8 : i32 to vector<16xi32>
    %broadcast_in_dim3A_10 = arith.constant 30720 : i32
    %broadcast_in_dim3A_11 = vector.broadcast %broadcast_in_dim3A_10 : i32 to vector<16xi32>
    %scan3A = arith.constant 0 : i32
    %scan3A_12 = arith.constant 0 : i32
    %scan3A_13 = arith.constant 21 : i32
    %scan3A_14 = arith.addi %scan3A_12, %scan3A_13 : i32
    %scan3A_15 = arith.constant 1 : i32
    %scan3A_16 = scf.for %scan3A_23 = %scan3A_12 to %scan3A_14 step %scan3A_15 iter_args(%scan3A_24 = %scan3A) -> (i32)  : i32 {
      %mul3A_25 = arith.constant 4 : i32
      %mul3A_26 = arith.muli %scan3A_23, %mul3A_25 : i32
      %add3A_27 = arith.addi %mul3A_2, %mul3A_26 : i32
      %mul3A_28 = arith.constant 10240 : i32
      %mul3A_29 = arith.muli %add3A_27, %mul3A_28 : i32
      %dma_start3A = tpu.memref_slice %arg2[%mul3A_29] : memref<27525120xf32, #tpu.memory_space<hbm>> -> memref<40960xf32, #tpu.memory_space<hbm>>
      %dma_start3A_30 = tpu.memref_slice %arg2[%mul3A_29] : memref<27525120xf32, #tpu.memory_space<hbm>> -> memref<40960xf32, #tpu.memory_space<hbm>>
      tpu.enqueue_dma source(%dma_start3A_30 : memref<40960xf32, #tpu.memory_space<hbm>>) target(%arg6 : memref<40960xf32, #tpu.memory_space<vmem>>) target_semaphore(%arg8 : memref<!tpu.dma_semaphore, #tpu.memory_space<semaphore_mem>>)
      %gt3A = arith.constant 0 : i32
      %gt3A_31 = arith.cmpi sgt, %scan3A_23, %gt3A : i32
      %convert_element_type3A = arith.extui %gt3A_31 : i1 to i32
      %cond3A = arith.constant 0 : i32
      %cond3A_32 = arith.cmpi ne, %convert_element_type3A, %cond3A : i32
      scf.if %cond3A_32 {
        %sub3A = arith.constant 40960 : i32
        %sub3A_43 = arith.subi %mul3A_29, %sub3A : i32
        %dma_wait3A_44 = tpu.memref_slice %arg4[%sub3A_43] : memref<27525120xf32, #tpu.memory_space<hbm>> -> memref<40960xf32, #tpu.memory_space<hbm>>
        %dma_wait3A_45 = tpu.memref_slice %arg4[%sub3A_43] : memref<27525120xf32, #tpu.memory_space<hbm>> -> memref<40960xf32, #tpu.memory_space<hbm>>
        tpu.wait_dma2 semaphore(%arg9 : memref<!tpu.dma_semaphore, #tpu.memory_space<semaphore_mem>>) src(%arg7 : memref<40960xf32, #tpu.memory_space<vmem>>) dst(%dma_wait3A_45 : memref<40960xf32, #tpu.memory_space<hbm>>)
      } else {
      }
      %parallel_loop3A = arith.constant 0 : i32
      %parallel_loop3A_33 = arith.constant 2560 : i32
      %parallel_loop3A_34 = arith.constant 1 : i32
      scf.for %parallel_loop3A_43 = %parallel_loop3A to %parallel_loop3A_33 step %parallel_loop3A_34  : i32 {
        %parallel_loop3A_44 = arith.constant 0.000000e+00 : f32
        %parallel_loop3A_45 = vector.broadcast %parallel_loop3A_44 : f32 to vector<16xf32>
        %parallel_loop3A_46 = arith.constant 16 : i32
        %parallel_loop3A_47 = arith.muli %parallel_loop3A_43, %parallel_loop3A_46 : i32
        %parallel_loop3A_48 = arith.index_cast %parallel_loop3A_47 : i32 to index
        %parallel_loop3A_49 = tpu.vector_load %arg7[%parallel_loop3A_48] {strides = array<i32>} : memref<40960xf32, #tpu.memory_space<vmem>>, vector<16xf32>,
        tpu.vector_store %arg7[%parallel_loop3A_48], %parallel_loop3A_45 {strides = array<i32>} : memref<40960xf32, #tpu.memory_space<vmem>>, vector<16xf32>,
      } {sc.loop_unroll_factor = 4 : i64, sc.parallel_access}
      %dma_wait3A_35 = tpu.memref_slice %arg2[%mul3A_29] : memref<27525120xf32, #tpu.memory_space<hbm>> -> memref<40960xf32, #tpu.memory_space<hbm>>
      %dma_wait3A_36 = tpu.memref_slice %arg2[%mul3A_29] : memref<27525120xf32, #tpu.memory_space<hbm>> -> memref<40960xf32, #tpu.memory_space<hbm>>
      tpu.wait_dma2 semaphore(%arg8 : memref<!tpu.dma_semaphore, #tpu.memory_space<semaphore_mem>>) src(%dma_wait3A_36 : memref<40960xf32, #tpu.memory_space<hbm>>) dst(%arg6 : memref<40960xf32, #tpu.memory_space<vmem>>)
      %parallel_loop3A_37 = arith.constant 0 : i32
      %parallel_loop3A_38 = arith.constant 2500 : i32
      %parallel_loop3A_39 = arith.constant 1 : i32
      scf.for %parallel_loop3A_43 = %parallel_loop3A_37 to %parallel_loop3A_38 step %parallel_loop3A_39  : i32 {
        %parallel_loop3A_44 = arith.constant 16 : i32
        %parallel_loop3A_45 = arith.muli %parallel_loop3A_43, %parallel_loop3A_44 : i32
        %parallel_loop3A_46 = arith.index_cast %parallel_loop3A_45 : i32 to index
        %parallel_loop3A_47 = tpu.vector_load %arg5[%parallel_loop3A_46] {strides = array<i32>} : memref<40000xi32, #tpu.memory_space<vmem>>, vector<16xi32>,
        %parallel_loop3A_48 = arith.andi %parallel_loop3A_47, %broadcast_in_dim3A_3 : vector<16xi32>
        %parallel_loop3A_49 = arith.constant 14 : i32
        %parallel_loop3A_50 = vector.broadcast %parallel_loop3A_49 : i32 to vector<16xi32>
        %parallel_loop3A_51 = arith.shrui %parallel_loop3A_47, %parallel_loop3A_50 : vector<16xi32>
        %parallel_loop3A_52 = arith.addi %parallel_loop3A_48, %broadcast_in_dim3A_5 : vector<16xi32>
        %parallel_loop3A_53 = tpu.vector_load_idx %arg6[%parallel_loop3A_52] : memref<40960xf32, #tpu.memory_space<vmem>>[vector<16xi32>], vector<16xf32>,
        %parallel_loop3A_54 = arith.addi %parallel_loop3A_51, %broadcast_in_dim3A_5 : vector<16xi32>
        tpu.vector_store_idx %arg7[%parallel_loop3A_54], %parallel_loop3A_53 {add = true} : memref<40960xf32, #tpu.memory_space<vmem>>[vector<16xi32>], vector<16xf32>,
        %parallel_loop3A_55 = arith.addi %parallel_loop3A_48, %broadcast_in_dim3A_7 : vector<16xi32>
        %parallel_loop3A_56 = tpu.vector_load_idx %arg6[%parallel_loop3A_55] : memref<40960xf32, #tpu.memory_space<vmem>>[vector<16xi32>], vector<16xf32>,
        %parallel_loop3A_57 = arith.addi %parallel_loop3A_51, %broadcast_in_dim3A_7 : vector<16xi32>
        tpu.vector_store_idx %arg7[%parallel_loop3A_57], %parallel_loop3A_56 {add = true} : memref<40960xf32, #tpu.memory_space<vmem>>[vector<16xi32>], vector<16xf32>,
        %parallel_loop3A_58 = arith.addi %parallel_loop3A_48, %broadcast_in_dim3A_9 : vector<16xi32>
        %parallel_loop3A_59 = tpu.vector_load_idx %arg6[%parallel_loop3A_58] : memref<40960xf32, #tpu.memory_space<vmem>>[vector<16xi32>], vector<16xf32>,
        %parallel_loop3A_60 = arith.addi %parallel_loop3A_51, %broadcast_in_dim3A_9 : vector<16xi32>
        tpu.vector_store_idx %arg7[%parallel_loop3A_60], %parallel_loop3A_59 {add = true} : memref<40960xf32, #tpu.memory_space<vmem>>[vector<16xi32>], vector<16xf32>,
        %parallel_loop3A_61 = arith.addi %parallel_loop3A_48, %broadcast_in_dim3A_11 : vector<16xi32>
        %parallel_loop3A_62 = tpu.vector_load_idx %arg6[%parallel_loop3A_61] : memref<40960xf32, #tpu.memory_space<vmem>>[vector<16xi32>], vector<16xf32>,
        %parallel_loop3A_63 = arith.addi %parallel_loop3A_51, %broadcast_in_dim3A_11 : vector<16xi32>
        tpu.vector_store_idx %arg7[%parallel_loop3A_63], %parallel_loop3A_62 {add = true} : memref<40960xf32, #tpu.memory_space<vmem>>[vector<16xi32>], vector<16xf32>,
      } {sc.loop_unroll_factor = 8 : i64, sc.parallel_access}
      %dma_start3A_40 = tpu.memref_slice %arg4[%mul3A_29] : memref<27525120xf32, #tpu.memory_space<hbm>> -> memref<40960xf32, #tpu.memory_space<hbm>>
      %dma_start3A_41 = tpu.memref_slice %arg4[%mul3A_29] : memref<27525120xf32, #tpu.memory_space<hbm>> -> memref<40960xf32, #tpu.memory_space<hbm>>
      tpu.enqueue_dma source(%arg7 : memref<40960xf32, #tpu.memory_space<vmem>>) target(%dma_start3A_41 : memref<40960xf32, #tpu.memory_space<hbm>>) target_semaphore(%arg9 : memref<!tpu.dma_semaphore, #tpu.memory_space<semaphore_mem>>)
      %scan3A_42 = arith.constant 0 : i32
      scf.yield %scan3A_42 : i32
    }
    %scan3A_17 = arith.constant 21 : i32
    %add3A_18 = arith.constant 80 : i32
    %add3A_19 = arith.addi %mul3A_2, %add3A_18 : i32
    %mul3A_20 = arith.constant 10240 : i32
    %mul3A_21 = arith.muli %add3A_19, %mul3A_20 : i32
    %dma_wait3A = tpu.memref_slice %arg4[%mul3A_21] : memref<27525120xf32, #tpu.memory_space<hbm>> -> memref<40960xf32, #tpu.memory_space<hbm>>
    %dma_wait3A_22 = tpu.memref_slice %arg4[%mul3A_21] : memref<27525120xf32, #tpu.memory_space<hbm>> -> memref<40960xf32, #tpu.memory_space<hbm>>
    tpu.wait_dma2 semaphore(%arg9 : memref<!tpu.dma_semaphore, #tpu.memory_space<semaphore_mem>>) src(%arg7 : memref<40960xf32, #tpu.memory_space<vmem>>) dst(%dma_wait3A_22 : memref<40960xf32, #tpu.memory_space<hbm>>)
    return
  }
}

module attributes {stable_mosaic.version = 14 : i64} {
  func.func @_tr_body(%arg0: i32, %arg1: memref<512x2688xf32, #tpu.memory_space<vmem>>, %arg2: memref<1x512xf32, #tpu.memory_space<vmem>>, %arg3: memref<2688x512xf32, #tpu.memory_space<vmem>>) attributes {dimension_semantics = [#tpu.dimension_semantics<arbitrary>], iteration_bounds = array<i64: 20>, scalar_prefetch = 0 : i64, scratch_operands = 0 : i64, tpu.core_type = #tpu.core_type<tc>, window_params = [{transform_indices = @transform_0, window_bounds = array<i64: 512, 2688>}, {transform_indices = @transform_1, window_bounds = array<i64: 1, 512>}, {transform_indices = @transform_2, window_bounds = array<i64: 2688, 512>}]} {
    %get3A = arith.constant 0 : index
    %get3A_0 = arith.constant 0 : index
    %get3A_1 = vector.load %arg1[%get3A, %get3A_0] : memref<512x2688xf32, #tpu.memory_space<vmem>>, vector<512x2688xf32>
    %transpose3A = tpu.transpose %get3A_1, [1, 0] : vector<512x2688xf32> -> vector<2688x512xf32>
    %get3A_2 = arith.constant 0 : index
    %get3A_3 = arith.constant 0 : index
    %get3A_4 = vector.load %arg2[%get3A_2, %get3A_3] : memref<1x512xf32, #tpu.memory_space<vmem>>, vector<1x512xf32>
    %mul3A = vector.broadcast %get3A_4 : vector<1x512xf32> to vector<2688x512xf32>
    %mul3A_5 = arith.mulf %transpose3A, %mul3A : vector<2688x512xf32>
    %swap3A = arith.constant 0 : index
    %swap3A_6 = arith.constant 0 : index
    %swap3A_7 = vector.load %arg3[%swap3A, %swap3A_6] : memref<2688x512xf32, #tpu.memory_space<vmem>>, vector<2688x512xf32>
    tpu.vector_store %arg3[%swap3A, %swap3A_6], %mul3A_5 {strides = array<i32>} : memref<2688x512xf32, #tpu.memory_space<vmem>>, vector<2688x512xf32>,
    return
  }
  func.func @transform_0(%arg0: i32) -> (i32, i32) {
    %c0_i32 = arith.constant 0 : i32
    %c0_i32_0 = arith.constant 0 : i32
    return %arg0, %c0_i32 : i32, i32
  }
  func.func @transform_1(%arg0: i32) -> (i32, i32) {
    %c0_i32 = arith.constant 0 : i32
    %c0_i32_0 = arith.constant 0 : i32
    return %c0_i32, %arg0 : i32, i32
  }
  func.func @transform_2(%arg0: i32) -> (i32, i32) {
    %c0_i32 = arith.constant 0 : i32
    %c0_i32_0 = arith.constant 0 : i32
    return %c0_i32, %arg0 : i32, i32
  }
}

module attributes {stable_mosaic.version = 14 : i64} {
  func.func @_d1_body(%arg0: i32, %arg1: memref<32x10240xf32, #tpu.memory_space<vmem>>, %arg2: memref<1x10240xf32, #tpu.memory_space<vmem>>, %arg3: memref<1x10240xf32, #tpu.memory_space<vmem>>, %arg4: memref<32x32xf32, #tpu.memory_space<vmem>>, %arg5: memref<32x1xf32, #tpu.memory_space<vmem>>, %arg6: memref<32x10240xf32, #tpu.memory_space<vmem>>) attributes {dimension_semantics = [#tpu.dimension_semantics<arbitrary>], iteration_bounds = array<i64: 84>, scalar_prefetch = 0 : i64, scratch_operands = 0 : i64, tpu.core_type = #tpu.core_type<tc>, window_params = [{transform_indices = @transform_0, window_bounds = array<i64: 32, 10240>}, {pipeline_mode = #tpu.pipeline_mode<synchronous>, transform_indices = @transform_1, window_bounds = array<i64: 1, 10240>}, {pipeline_mode = #tpu.pipeline_mode<synchronous>, transform_indices = @transform_2, window_bounds = array<i64: 1, 10240>}, {pipeline_mode = #tpu.pipeline_mode<synchronous>, transform_indices = @transform_3, window_bounds = array<i64: 32, 32>}, {pipeline_mode = #tpu.pipeline_mode<synchronous>, transform_indices = @transform_4, window_bounds = array<i64: 32, 1>}, {transform_indices = @transform_5, window_bounds = array<i64: 32, 10240>}]} {
    %get3A = arith.constant 0 : index
    %get3A_0 = arith.constant 0 : index
    %get3A_1 = vector.load %arg1[%get3A, %get3A_0] : memref<32x10240xf32, #tpu.memory_space<vmem>>, vector<32x10240xf32>
    %get3A_2 = arith.constant 0 : index
    %get3A_3 = arith.constant 0 : index
    %get3A_4 = vector.load %arg2[%get3A_2, %get3A_3] : memref<1x10240xf32, #tpu.memory_space<vmem>>, vector<1x10240xf32>
    %mul3A = vector.broadcast %get3A_4 : vector<1x10240xf32> to vector<32x10240xf32>
    %mul3A_5 = arith.mulf %get3A_1, %mul3A : vector<32x10240xf32>
    %get3A_6 = arith.constant 0 : index
    %get3A_7 = arith.constant 0 : index
    %get3A_8 = vector.load %arg4[%get3A_6, %get3A_7] : memref<32x32xf32, #tpu.memory_space<vmem>>, vector<32x32xf32>
    %dot_general3A = arith.constant dense<0.000000e+00> : vector<32x10240xf32>
    %dot_general3A_9 = tpu.matmul %get3A_8, %mul3A_5, %dot_general3A {dimension_numbers = #tpu.dot_dimension_numbers<[0], [0], [1], [1], [0, 1, 1, 1], [], []>, precision = #tpu.contract_precision<fp32>, transpose_lhs_hint = false} : vector<32x32xf32>, vector<32x10240xf32>, vector<32x10240xf32> -> vector<32x10240xf32>
    %get3A_10 = arith.constant 0 : index
    %get3A_11 = arith.constant 0 : index
    %get3A_12 = vector.load %arg5[%get3A_10, %get3A_11] : memref<32x1xf32, #tpu.memory_space<vmem>>, vector<32x1xf32>
    %add3A = vector.broadcast %get3A_12 : vector<32x1xf32> to vector<32x10240xf32>
    %add3A_13 = arith.addf %dot_general3A_9, %add3A : vector<32x10240xf32>
    %ge3A = arith.constant 0.000000e+00 : f32
    %ge3A_14 = vector.broadcast %ge3A : f32 to vector<32x10240xf32>
    %ge3A_15 = arith.cmpf oge, %add3A_13, %ge3A_14 : vector<32x10240xf32>
    %mul3A_16 = arith.constant 0.00999999977 : f32
    %mul3A_17 = vector.broadcast %mul3A_16 : f32 to vector<32x10240xf32>
    %mul3A_18 = arith.mulf %mul3A_17, %add3A_13 : vector<32x10240xf32>
    %select_n3A = arith.select %ge3A_15, %add3A_13, %mul3A_18 : vector<32x10240xi1>, vector<32x10240xf32>
    %get3A_19 = arith.constant 0 : index
    %get3A_20 = arith.constant 0 : index
    %get3A_21 = vector.load %arg3[%get3A_19, %get3A_20] : memref<1x10240xf32, #tpu.memory_space<vmem>>, vector<1x10240xf32>
    %mul3A_22 = vector.broadcast %get3A_21 : vector<1x10240xf32> to vector<32x10240xf32>
    %mul3A_23 = arith.mulf %select_n3A, %mul3A_22 : vector<32x10240xf32>
    %swap3A = arith.constant 0 : index
    %swap3A_24 = arith.constant 0 : index
    %swap3A_25 = vector.load %arg6[%swap3A, %swap3A_24] : memref<32x10240xf32, #tpu.memory_space<vmem>>, vector<32x10240xf32>
    tpu.vector_store %arg6[%swap3A, %swap3A_24], %mul3A_23 {strides = array<i32>} : memref<32x10240xf32, #tpu.memory_space<vmem>>, vector<32x10240xf32>,
    return
  }
  func.func @transform_0(%arg0: i32) -> (i32, i32) {
    %c0_i32 = arith.constant 0 : i32
    %c0_i32_0 = arith.constant 0 : i32
    return %arg0, %c0_i32 : i32, i32
  }
  func.func @transform_1(%arg0: i32) -> (i32, i32) {
    %c0_i32 = arith.constant 0 : i32
    %c0_i32_0 = arith.constant 0 : i32
    %c0_i32_1 = arith.constant 0 : i32
    return %c0_i32, %c0_i32_0 : i32, i32
  }
  func.func @transform_2(%arg0: i32) -> (i32, i32) {
    %c0_i32 = arith.constant 0 : i32
    %c0_i32_0 = arith.constant 0 : i32
    %c0_i32_1 = arith.constant 0 : i32
    return %c0_i32, %c0_i32_0 : i32, i32
  }
  func.func @transform_3(%arg0: i32) -> (i32, i32) {
    %c0_i32 = arith.constant 0 : i32
    %c0_i32_0 = arith.constant 0 : i32
    %c0_i32_1 = arith.constant 0 : i32
    return %c0_i32, %c0_i32_0 : i32, i32
  }
  func.func @transform_4(%arg0: i32) -> (i32, i32) {
    %c0_i32 = arith.constant 0 : i32
    %c0_i32_0 = arith.constant 0 : i32
    %c0_i32_1 = arith.constant 0 : i32
    return %c0_i32, %c0_i32_0 : i32, i32
  }
  func.func @transform_5(%arg0: i32) -> (i32, i32) {
    %c0_i32 = arith.constant 0 : i32
    %c0_i32_0 = arith.constant 0 : i32
    return %arg0, %c0_i32 : i32, i32
  }
}

module attributes {stable_mosaic.version = 14 : i64} {
  func.func @_d2_body(%arg0: i32, %arg1: memref<32x10240xf32, #tpu.memory_space<vmem>>, %arg2: memref<1x10240xf32, #tpu.memory_space<vmem>>, %arg3: memref<32x32xf32, #tpu.memory_space<vmem>>, %arg4: memref<32x1xf32, #tpu.memory_space<vmem>>, %arg5: memref<32x32xf32, #tpu.memory_space<vmem>>, %arg6: memref<1x32xf32, #tpu.memory_space<vmem>>, %arg7: memref<1x32xf32, #tpu.memory_space<vmem>>) attributes {dimension_semantics = [#tpu.dimension_semantics<arbitrary>], iteration_bounds = array<i64: 84>, scalar_prefetch = 0 : i64, scratch_operands = 0 : i64, tpu.core_type = #tpu.core_type<tc>, window_params = [{transform_indices = @transform_0, window_bounds = array<i64: 32, 10240>}, {pipeline_mode = #tpu.pipeline_mode<synchronous>, transform_indices = @transform_1, window_bounds = array<i64: 1, 10240>}, {pipeline_mode = #tpu.pipeline_mode<synchronous>, transform_indices = @transform_2, window_bounds = array<i64: 32, 32>}, {pipeline_mode = #tpu.pipeline_mode<synchronous>, transform_indices = @transform_3, window_bounds = array<i64: 32, 1>}, {transform_indices = @transform_4, window_bounds = array<i64: 32, 32>}, {pipeline_mode = #tpu.pipeline_mode<synchronous>, transform_indices = @transform_5, window_bounds = array<i64: 1, 32>}, {pipeline_mode = #tpu.pipeline_mode<synchronous>, transform_indices = @transform_6, window_bounds = array<i64: 1, 32>}]} {
    %get3A = arith.constant 0 : index
    %get3A_0 = arith.constant 0 : index
    %get3A_1 = vector.load %arg1[%get3A, %get3A_0] : memref<32x10240xf32, #tpu.memory_space<vmem>>, vector<32x10240xf32>
    %get3A_2 = arith.constant 0 : index
    %get3A_3 = arith.constant 0 : index
    %get3A_4 = vector.load %arg2[%get3A_2, %get3A_3] : memref<1x10240xf32, #tpu.memory_space<vmem>>, vector<1x10240xf32>
    %mul3A = vector.broadcast %get3A_4 : vector<1x10240xf32> to vector<32x10240xf32>
    %mul3A_5 = arith.mulf %get3A_1, %mul3A : vector<32x10240xf32>
    %get3A_6 = arith.constant 0 : index
    %get3A_7 = arith.constant 0 : index
    %get3A_8 = vector.load %arg3[%get3A_6, %get3A_7] : memref<32x32xf32, #tpu.memory_space<vmem>>, vector<32x32xf32>
    %dot_general3A = arith.constant dense<0.000000e+00> : vector<32x10240xf32>
    %dot_general3A_9 = tpu.matmul %get3A_8, %mul3A_5, %dot_general3A {dimension_numbers = #tpu.dot_dimension_numbers<[0], [0], [1], [1], [0, 1, 1, 1], [], []>, precision = #tpu.contract_precision<fp32>, transpose_lhs_hint = false} : vector<32x32xf32>, vector<32x10240xf32>, vector<32x10240xf32> -> vector<32x10240xf32>
    %get3A_10 = arith.constant 0 : index
    %get3A_11 = arith.constant 0 : index
    %get3A_12 = vector.load %arg4[%get3A_10, %get3A_11] : memref<32x1xf32, #tpu.memory_space<vmem>>, vector<32x1xf32>
    %add3A = vector.broadcast %get3A_12 : vector<32x1xf32> to vector<32x10240xf32>
    %add3A_13 = arith.addf %dot_general3A_9, %add3A : vector<32x10240xf32>
    %ge3A = arith.constant 0.000000e+00 : f32
    %ge3A_14 = vector.broadcast %ge3A : f32 to vector<32x10240xf32>
    %ge3A_15 = arith.cmpf oge, %add3A_13, %ge3A_14 : vector<32x10240xf32>
    %mul3A_16 = arith.constant 0.00999999977 : f32
    %mul3A_17 = vector.broadcast %mul3A_16 : f32 to vector<32x10240xf32>
    %mul3A_18 = arith.mulf %mul3A_17, %add3A_13 : vector<32x10240xf32>
    %select_n3A = arith.select %ge3A_15, %add3A_13, %mul3A_18 : vector<32x10240xi1>, vector<32x10240xf32>
    %iota3A = tpu.iota {dimensions = array<i32: 1>} : vector<32x10240xi32>
    %lt3A = arith.constant 10000 : i32
    %lt3A_19 = vector.broadcast %lt3A : i32 to vector<32x10240xi32>
    %lt3A_20 = arith.cmpi slt, %iota3A, %lt3A_19 : vector<32x10240xi32>
    %jit3A = arith.constant 0.000000e+00 : f32
    %broadcast_in_dim3A = vector.broadcast %jit3A : f32 to vector<32x10240xf32>
    %select_n3A_21 = arith.select %lt3A_20, %select_n3A, %broadcast_in_dim3A : vector<32x10240xi1>, vector<32x10240xf32>
    %reduce_sum3A = arith.constant dense<0.000000e+00> : vector<32xf32>
    %reduce_sum3A_22 = vector.multi_reduction <add>, %select_n3A_21, %reduce_sum3A [1] : vector<32x10240xf32> to vector<32xf32>
    %broadcast_in_dim3A_23 = vector.shape_cast %reduce_sum3A_22 : vector<32xf32> to vector<32x1xf32>
    %get3A_24 = arith.constant 0 : index
    %get3A_25 = arith.constant 0 : index
    %get3A_26 = vector.load %arg5[%get3A_24, %get3A_25] : memref<32x32xf32, #tpu.memory_space<vmem>>, vector<32x32xf32>
    %dot_general3A_27 = arith.constant dense<0.000000e+00> : vector<1x32xf32>
    %dot_general3A_28 = tpu.matmul %broadcast_in_dim3A_23, %get3A_26, %dot_general3A_27 {dimension_numbers = #tpu.dot_dimension_numbers<[0], [0], [1], [1], [0, 1, 1, 1], [], []>, precision = #tpu.contract_precision<fp32>, transpose_lhs_hint = false} : vector<32x1xf32>, vector<32x32xf32>, vector<1x32xf32> -> vector<1x32xf32>
    %eq3A = arith.constant 0 : i32
    %eq3A_29 = arith.cmpi eq, %arg0, %eq3A : i32
    %convert_element_type3A = arith.extui %eq3A_29 : i1 to i32
    %cond3A = arith.constant 0 : i32
    %cond3A_30 = arith.cmpi ne, %convert_element_type3A, %cond3A : i32
    scf.if %cond3A_30 {
      %get3A_40 = arith.constant 0 : index
      %get3A_41 = arith.constant 0 : index
      %get3A_42 = vector.load %arg6[%get3A_40, %get3A_41] : memref<1x32xf32, #tpu.memory_space<vmem>>, vector<1x32xf32>
      %swap3A_43 = arith.constant 0 : index
      %swap3A_44 = arith.constant 0 : index
      %swap3A_45 = vector.load %arg7[%swap3A_43, %swap3A_44] : memref<1x32xf32, #tpu.memory_space<vmem>>, vector<1x32xf32>
      tpu.vector_store %arg7[%swap3A_43, %swap3A_44], %get3A_42 {strides = array<i32>} : memref<1x32xf32, #tpu.memory_space<vmem>>, vector<1x32xf32>,
    } else {
    }
    %get3A_31 = arith.constant 0 : index
    %get3A_32 = arith.constant 0 : index
    %get3A_33 = vector.load %arg7[%get3A_31, %get3A_32] : memref<1x32xf32, #tpu.memory_space<vmem>>, vector<1x32xf32>
    %mul3A_34 = arith.constant 9.99999974E-5 : f32
    %mul3A_35 = vector.broadcast %mul3A_34 : f32 to vector<1x32xf32>
    %mul3A_36 = arith.mulf %dot_general3A_28, %mul3A_35 : vector<1x32xf32>
    %add3A_37 = arith.addf %get3A_33, %mul3A_36 : vector<1x32xf32>
    %swap3A = arith.constant 0 : index
    %swap3A_38 = arith.constant 0 : index
    %swap3A_39 = vector.load %arg7[%swap3A, %swap3A_38] : memref<1x32xf32, #tpu.memory_space<vmem>>, vector<1x32xf32>
    tpu.vector_store %arg7[%swap3A, %swap3A_38], %add3A_37 {strides = array<i32>} : memref<1x32xf32, #tpu.memory_space<vmem>>, vector<1x32xf32>,
    return
  }
  func.func @transform_0(%arg0: i32) -> (i32, i32) {
    %c0_i32 = arith.constant 0 : i32
    %c0_i32_0 = arith.constant 0 : i32
    return %arg0, %c0_i32 : i32, i32
  }
  func.func @transform_1(%arg0: i32) -> (i32, i32) {
    %c0_i32 = arith.constant 0 : i32
    %c0_i32_0 = arith.constant 0 : i32
    %c0_i32_1 = arith.constant 0 : i32
    return %c0_i32, %c0_i32_0 : i32, i32
  }
  func.func @transform_2(%arg0: i32) -> (i32, i32) {
    %c0_i32 = arith.constant 0 : i32
    %c0_i32_0 = arith.constant 0 : i32
    %c0_i32_1 = arith.constant 0 : i32
    return %c0_i32, %c0_i32_0 : i32, i32
  }
  func.func @transform_3(%arg0: i32) -> (i32, i32) {
    %c0_i32 = arith.constant 0 : i32
    %c0_i32_0 = arith.constant 0 : i32
    %c0_i32_1 = arith.constant 0 : i32
    return %c0_i32, %c0_i32_0 : i32, i32
  }
  func.func @transform_4(%arg0: i32) -> (i32, i32) {
    %c0_i32 = arith.constant 0 : i32
    %c0_i32_0 = arith.constant 0 : i32
    return %arg0, %c0_i32 : i32, i32
  }
  func.func @transform_5(%arg0: i32) -> (i32, i32) {
    %c0_i32 = arith.constant 0 : i32
    %c0_i32_0 = arith.constant 0 : i32
    %c0_i32_1 = arith.constant 0 : i32
    return %c0_i32, %c0_i32_0 : i32, i32
  }
  func.func @transform_6(%arg0: i32) -> (i32, i32) {
    %c0_i32 = arith.constant 0 : i32
    %c0_i32_0 = arith.constant 0 : i32
    %c0_i32_1 = arith.constant 0 : i32
    return %c0_i32, %c0_i32_0 : i32, i32
  }
}

</mosaic_0001>

<sc_bundles>
// kernel: kernel.11.cloned.1.call-start
scs
__scs_entry_jumppad:
0x0: {  	(pc) =	sbr.rel $0x88, $3  }
0x1: {  	(tag) =	ssettag $0x0;
	lr =	simm.s32 $0x1  }
0x2: {  	[smem:$0x3F99] =	sst lr;
	_ =	strace $0xD0000000  }
0x3: {  	_ = 	snop  }
0x4: {  	_ = 	snop  }
0x5: {  	_ = 	snop  }
0x6: {  	_ = 	snop  }
0x7: {  	_ = 	snop  }
__scs_overlays_trampoline_lowered:
0x8: {  	[smem:$0x3FA8] =	sst s0  }
0x9: {  	[smem:$0x3FA9] =	sst s1  }
0xa: {  	[smem:$0x3FAA] =	sst s2  }
0xb: {  	[smem:$0x3FAB] =	sst s3  }
0xc: {  	[smem:$0x3FAC] =	sst s4  }
0xd: {  	[smem:$0x3FAD] =	sst s5  }
0xe: {  	[smem:$0x3FAE] =	sst s6  }
0xf: {  	[smem:$0x3FAF] =	sst s7  }
0x10: {  	[smem:$0x3FB0] =	sst s8  }
0x11: {  	[smem:$0x3FB1] =	sst s9;
	s0 =	simm.s32 @!p0 $0x0  }
0x12: {  	s1 =	sld [smem:$0x3F97];
	s0 =	simm.s32 @p0 $0x1  }
0x13: {  	[smem:$0x3FB2] =	sst s0;
	s0 =	simm.s32 @!p1 $0x0  }
0x14: {  	s2 =	sld [smem:$0x3F96];
	s0 =	simm.s32 @p1 $0x1  }
0x15: {  	[smem:$0x3FB3] =	sst s0;
	s0 =	simm.s32 @!p2 $0x0  }
0x16: {  	s3 =	sld [smem:$0x3FDB];
	s0 =	simm.s32 @p2 $0x1  }
0x17: {  	s4 =	simm.s32 $0x1BF5;
	[smem:$0x3FB5] =	sst s0  }
0x18: {  	s0 =	sld [smem:$0x3F98];
	_ =	swait.ge [sflag:s4], $0x0  }
0x19: {  	s7 =	sld [smem:$0x3F99]  }
0x1a: {  	s8 =	sadd.s32 $0xFFFFE003, lr  }
0x1b: {  	s9 =	sadd.s32 $0xFFFFFEF7, lr;
	s5 =	simm.s32 $0xFFFFFFFF;
	p2 =	slt.u32 s8, $0xFFFFF086  }
0x1c: {  	p1 =	slt.u32 s9, $0xF7A;
	s5 =	simm.s32 @!p2 $0x0  }
0x1d: {  	s5 =	simm.s32 @p1 $0x1;
	p0 =	seq.s32 s7, s2  }
0x1e: {  	s7 =	smul.u32 @!p0 $0xF7A, s2;
	p2 =	seq.s32 @!p0 s5, $0x0  }
0x1f: {  	s9 =	smul.u32 $0xF7A, s1;
	s8 =	simm.s32 @!p0 $0x1BF5;
	p2 =	por !p2, p0  }
0x20: {  	[sflag:s8] =	ssyncset.s32 @!p0 $0xFFFFF086;
	s6 =	sadd.s32 @!p0 s3, s7;
	s7 =	simm.s32 @!p0 $0x108  }
0x21: {  	s3 =	sadd.s32 s3, s9;
	s6 =	sadd.s32 @!p0 $0x88, s6;
	s7 =	simm.s32 @p2 $0x1082  }
0x22: {  	[simem:s7], [sflag:s8] =	dma.local @!p0 [hbm:s6], $0xF7A  }
0x23: {  	s9 =	sor.u32 $0xD0000000, s2;
	s6 =	simm.s32 $0x108;
	_ =	swait.ge @!p0 [sflag:s8], $0x0  }
0x24: {  	s3 =	sadd.s32 $0x88, s3;
	s6 =	simm.s32 @!p1 $0x1082;
	[sflag:s4] =	ssyncset.s32 $0xFFFFF086  }
0x25: {  	[simem:s6], [sflag:s4] =	dma.local [hbm:s3], $0xF7A  }
0x26: {  	[smem:$0x3F99] =	sst s1;
	(tag) =	ssettag s2;
	_ =	strace s9  }
0x27: {  	s1 =	sld [smem:$0x3FA9]  }
0x28: {  	s2 =	sld [smem:$0x3FAA]  }
0x29: {  	s4 =	sld [smem:$0x3FAC]  }
0x2a: {  	p0 =	seq.s32 s5, $0x0;
	s5 =	sld [smem:$0x3FAD]  }
0x2b: {  	s6 =	sld [smem:$0x3FAE]  }
0x2c: {  	s7 =	sld [smem:$0x3FAF]  }
0x2d: {  	s3 =	simm.s32 $0x108;
	s8 =	sld [smem:$0x3FB0]  }
0x2e: {  	s3 =	simm.s32 @!p0 $0x1082;
	s9 =	sld [smem:$0x3FB1]  }
0x2f: {  	lr =	sadd.s32 s0, s3;
	s0 =	sld [smem:$0x3FA8]  }
0x30: {  	s3 =	sld [smem:$0x3FAB]  }
0x31: {  	[smem:$0x3FB4] =	sst s10  }
0x32: {  	s10 =	sld [smem:$0x3FB2];
	_ =	sdelay $0x3  }
0x33: {  	p0 =	seq.s32 s10, $0x1;
	s10 =	sld [smem:$0x3FB4];
	_ =	sdelay $0x3  }
0x34: {  	[smem:$0x3FB4] =	sst s10  }
0x35: {  	s10 =	sld [smem:$0x3FB3];
	_ =	sdelay $0x3  }
0x36: {  	p1 =	seq.s32 s10, $0x1;
	s10 =	sld [smem:$0x3FB4];
	_ =	sdelay $0x3  }
0x37: {  	[smem:$0x3FB4] =	sst s10  }
0x38: {  	s10 =	sld [smem:$0x3FB5]  }
0x39: {  	_ = 	snop;
	(pc) =	sbr.ind lr, $3  }
0x3a: {  	_ = 	snop  }
0x3b: {  	_ = 	snop  }
0x3c: {  	p2 =	seq.s32 s10, $0x1;
	s10 =	sld [smem:$0x3FB4]  }
0x3d: {  	_ =	shalt  }
0x3e: {  	_ =	shalt  }
0x3f: {  	_ =	shalt  }
0x40: {  	_ =	shalt  }
0x41: {  	_ =	shalt  }
0x42: {  	_ =	shalt  }
0x43: {  	_ =	shalt  }
0x44: {  	_ =	shalt  }
0x45: {  	_ =	shalt  }
0x46: {  	_ =	shalt  }
0x47: {  	_ =	shalt  }
0x48: {  	_ =	shalt  }
0x49: {  	_ =	shalt  }
0x4a: {  	_ =	shalt  }
0x4b: {  	_ =	shalt  }
0x4c: {  	_ =	shalt  }
0x4d: {  	_ =	shalt  }
0x4e: {  	_ =	shalt  }
0x4f: {  	_ =	shalt  }
0x50: {  	_ =	shalt  }
0x51: {  	_ =	shalt  }
0x52: {  	_ =	shalt  }
0x53: {  	_ =	shalt  }
0x54: {  	_ =	shalt  }
0x55: {  	_ =	shalt  }
0x56: {  	_ =	shalt  }
0x57: {  	_ =	shalt  }
0x58: {  	_ =	shalt  }
0x59: {  	_ =	shalt  }
0x5a: {  	_ =	shalt  }
0x5b: {  	_ =	shalt  }
0x5c: {  	_ =	shalt  }
0x5d: {  	_ =	shalt  }
0x5e: {  	_ =	shalt  }
0x5f: {  	_ =	shalt  }
0x60: {  	_ =	shalt  }
0x61: {  	_ =	shalt  }
0x62: {  	_ =	shalt  }
0x63: {  	_ =	shalt  }
0x64: {  	_ =	shalt  }
0x65: {  	_ =	shalt  }
0x66: {  	_ =	shalt  }
0x67: {  	_ =	shalt  }
0x68: {  	_ =	shalt  }
0x69: {  	_ =	shalt  }
0x6a: {  	_ =	shalt  }
0x6b: {  	_ =	shalt  }
0x6c: {  	_ =	shalt  }
0x6d: {  	_ =	shalt  }
0x6e: {  	_ =	shalt  }
0x6f: {  	_ =	shalt  }
0x70: {  	_ =	shalt  }
0x71: {  	_ =	shalt  }
0x72: {  	_ =	shalt  }
0x73: {  	_ =	shalt  }
0x74: {  	_ =	shalt  }
0x75: {  	_ =	shalt  }
0x76: {  	_ =	shalt  }
0x77: {  	_ =	shalt  }
0x78: {  	_ =	shalt  }
0x79: {  	_ =	shalt  }
0x7a: {  	_ =	shalt  }
0x7b: {  	_ =	shalt  }
0x7c: {  	_ =	shalt  }
0x7d: {  	_ =	shalt  }
0x7e: {  	_ =	shalt  }
0x7f: {  	_ =	shalt  }
0x80: {  	_ =	shalt  }
0x81: {  	_ =	shalt  }
0x82: {  	_ =	shalt  }
0x83: {  	_ =	shalt  }
0x84: {  	_ =	shalt  }
0x85: {  	_ =	shalt  }
0x86: {  	_ =	shalt  }
0x87: {  	_ =	shalt  }
.Lfunc_end0:
.L_simem_size_0:
called_computation.3_lowered:
.L_overlay_start_0:
0x88: {  	s2 =	sld [smem:$0x3FD9]  }
0x89: {  	s3 =	sld [smem:$0x3FFE];
	_ =	sdelay $0x1  }
0x8a: {  	s1 =	srdreg.scid  }
0x8b: {  	s0 =	sand.u32 $0x1, s1  }
0x8c: {  	s16 =	sshll.u32 s0, $0xA;
	s2 =	sadd.s32 s3, s2  }
0x8d: {  	s2 =	sadd.s32 s2, s16  }
0x8e: {  	[smem:$0x3FC0] =	sst s2  }
0x8f: {  	_ = 	snop  }
0x90: {  	(tm) =	ssettm $0x1  }
0x91: {  	s17 =	sld [smem:$0x3FFB];
	_ =	sdelay $0x3  }
0x92: {  	_ =	strace s17  }
0x93: {  	s2 =	sld [smem:$0x3FFC];
	_ =	sdelay $0x3  }
0x94: {  	_ =	strace s2  }
0x95: {  	s2 =	sld [smem:$0x3FFD];
	_ =	sdelay $0x3  }
0x96: {  	_ =	strace s2  }
0x97: {  	_ =	strace $0x8FFFFFFF  }
0x98: {  	s18 =	sld [smem:$0x3FDB];
	_ =	sdelay $0x1  }
0x99: {  	s19 =	simm.s32 $_scs_section_size  }
0x9a: {  	s4 =	simm.s32 $_size__tile_overlayer_lowered;
	s5 =	simm.s32 $_tile_overlayer_lowered  }
0x9b: {  	s22 =	simm.s32 $0x1BFF;
	s21 =	sshll.u32 s5, $0x1;
	s2 =	sadd.s32 s19, s18  }
0x9c: {  	s6 =	simm.s32 $0x0;
	s20 =	sshll.u32 s4, $0x1;
	s4 =	sadd.s32 s21, s2  }
0x9d: {  	[timem:s6], [sflag:s22] =	dma.local [hbm:s4], s20  }
0x9e: {  	_ =	swait.ge [sflag:s22], s20  }
0x9f: {  	s3 =	ssub.s32 $0x0, s20;
	[sflag:s22] =	ssyncset.done $0x0  }
0xa0: {  	[sflag:s22] =	ssyncadd.s32 s3;
	_ =	sdelay $0x1  }
0xa1: {  	s23 =	simm.s32 $0x1B8B  }
0xa2: {  	_ =	swait.ge [sflag:s23], $0x1  }
0xa3: {  	[sflag:s23] =	ssyncset.done $0x0  }
0xa4: {  	s25 =	simm.s32 $0x1B8E;
	s24 =	sld [smem:$0x3FFE];
	[sflag:s23] =	ssyncadd.s32 $0xFFFFFFFF  }
0xa5: {  	s26 =	simm.s32 $execute0_lowered;
	[smem:$0x3FD2] =	sst s25  }
0xa6: {  	s4 =	sshll.u32 s26, $0x1;
	_ =	strace $0x8000004C;
	[dreg:$0x1] =	wrdreg $0xFFFFFFFF  }
0xa7: {  	s28 =	simm.s32 $_size_execute0_lowered;
	s2 =	sadd.s32 s2, s4;
	[dreg:$0x0] =	wrdreg $0x0  }
0xa8: {  	s4 =	sshll.u32 s28, $0x1;
	[dreg:$0x2] =	wrdreg s2  }
0xa9: {  	[dreg:$0x3] =	wrdreg s4  }
0xaa: {  	[dreg:$0x4] =	wrdreg $0xC0  }
0xab: {  	_ =	task [dreg:s6], $0x5FFFF  }
0xac: {  	[dreg:$0x1] =	wrdreg $0xFFFFFFFF  }
0xad: {  	[dreg:$0x0] =	wrdreg $0x60  }
0xae: {  	[dreg:$0x2] =	wrdreg s24  }
0xaf: {  	[dreg:$0x3] =	wrdreg $0x9  }
0xb0: {  	_ =	task.clear_ibuf [dreg:s6], $0x4FFFF;
	_ =	strace $0x9000004C  }
0xb1: {  	s29 =	simm.s32 $0x9;
	_ =	strace $0x8000004E  }
0xb2: {  	_ =	swait.ge [sflag:s29], $0x1  }
0xb3: {  	[sflag:s29] =	ssyncadd.s32 $0xFFFFFFFF  }
0xb4: {  	_ =	strace $0x9000004E  }
0xb5: {  	_ =	sfence  }
0xb6: {  	s30 =	sld [smem:$0x0];
	_ =	sdelay $0x2  }
0xb7: {  	s31 =	sshll.u32 s1, $0xD;
	s1 =	sshrl.u32 s1, $0x2  }
0xb8: {  	s3 =	sand.u32 $0x4000, s31;
	s1 =	sadd.s32 s1, s30  }
0xb9: {  	s0 =	sor.u32 s3, s0;
	s1 =	sshll.u32 s1, $0x11  }
0xba: {  	s0 =	sor.u32 s1, s0  }
0xbb: {  	s0 =	sadd.s32 $0x8F2B, s0  }
0xbc: {  	[sflag:s0] =	ssyncadd.remote.s32 $0x1  }
0xbd: {  	_ =	sfence.sel $0xFFFF  }
0xbe: {  	[dreg:$0x0] =	wrdreg $0xFFFFFFFF;
	(pc) =	sbr.abs _section_cstart, $3  }
0xbf: {  	[dreg:$0x1] =	wrdreg $0xFFFFFFFF  }
0xc0: {  	_ =	task.clear_ibuf [dreg:s6], $0x2FFFF;
	_ =	strace $0x9FFFFFFF  }
0xc1: {  	(tm) =	ssettm $0x7FFFFFFF  }
tec
execute0_lowered:
.L_overlay_start_1:
0x0: {  	(tag) =	ssettag $0x1  }
0x1: {  	s5 =	rddreg [dreg:$0x0]  }
0x2: {  	s0 =	rddreg [dreg:$0x1];
	s1 =	simm.s32 $0x0  }
0x3: {  	s2 =	srdreg.scid;
	s10 =	simm.s32 $0x1;
	s11 =	simm.s32 $0x13C80  }
0x4: {  	s12 =	simm.s32 $0x2;
	s13 =	simm.s32 $0x0;
	[smem:$0x7FF] =	sst s1  }
0x5: {  	s6 =	sand.u32 $0x1, s2;
	s2 =	stileid.u32;
	s3 =	sadd.s32 $0x683A00, s5  }
0x6: {  	s4 =	sadd.s32 $0x5A00, s5;
	s5 =	sadd.s32 $0x7400, s5;
	s7 =	ssub.s32 $0x2, s6  }
0x7: {  	_ =	strace $0x8000004D;
	s9 =	sshll.u32 s2, $0x1;
	s8 =	sshrl.u32 s7, $0x1  }
0x8: {  	s6 =	sor.u32 s6, s9;
	s9 =	simm.s32 $0x9C80;
	s7 =	ssub.s32 s7, s8  }
0x9: {  	v0 =	vimm.f32 $0.0e+00;
	s6 =	smul.u32 $0x54, s6;
	s8 =	simm.s32 $0x3;
	s7 =	smax.u32 s7, $0x1  }
.LBB2_1:
0xa: {  	[tilespmem:s1], [sflag:$0x3] =	stream.linear.gather [hbm4b:s4+s1], $0x9C80, $0x38;
	[tilespmem:$0x1DC80] =	vst v63  }
0xb: {  	_ =	swait.ge [sflag:s8], $0x9C80  }
0xc: {  	[sflag:s8] =	ssyncset.done $0x0  }
0xd: {  	s14 =	simm.s32 $0x0;
	[sflag:s8] =	ssyncadd.s32 $0xFFFF6380  }
.LBB2_2:
0xe: {  	s15 =	sshll.u32 s14, $0x2  }
0xf: {  	s15 =	sadd.s32 s6, s15  }
0x10: {  	s15 =	smul.u32 $0x500, s15;
	_ =	sdelay $0x1  }
0x11: {  	p0 =	seq.s32 s14, $0x0;
	s16 =	sadd.s32 s3, s15  }
0x12: {  	[tilespmem:s9], [sflag:$0x1] =	stream.linear.gather [hbm4b:s16+s1], $0xA000, $0x38;
	[tilespmem:$0x1DC80] =	vst v63  }
0x13: {  	s16 =	simm.s32 @!p0 $0x2  }
0x14: {  	_ =	swait.ge @!p0 [sflag:s16], $0xA000  }
0x15: {  	[sflag:s16] =	ssyncset.done @!p0 $0x0  }
0x16: {  	[sflag:s16] =	ssyncadd.s32 @!p0 $0xFFFF6000;
	s16 =	simm.s32 $0x13CA0  }
0x17: {  	[tilespmem:s16+$0xFFFFFFE0] =	vst v0  }
0x18: {  	[tilespmem:s16+$0x10] =	vst v0  }
0x19: {  	s17 =	simm.s32 $0x0;
	[tilespmem:s16+$0x0] =	vst v0  }
.LBB2_3:
0x1a: {  	s17 =	sadd.s32 $0x4, s17  }
0x1b: {  	[tilespmem:s16+$0xFFFFFFF0] =	vst v0;
	s16 =	sadd.s32 $0x40, s16;
	p0 =	slt.u32 s17, $0x9FC  }
.Ltmp0:
0x1c: {  	[tilespmem:s16+$0xFFFFFFE0] =	vst v0;
	(pc) =	sbr.rel @p0 .LBB2_3-.Ltmp0, $3  }
0x1d: {  	_ =	sdelay $0x1  }
0x1e: {  	[tilespmem:s16+$0x10] =	vst v0  }
0x1f: {  	[tilespmem:s16+$0x0] =	vst v0  }
0x20: {  	[tilespmem:s16+$0xFFFFFFF0] =	vst v0  }
0x21: {  	_ =	swait.ge [sflag:s10], $0xA000  }
0x22: {  	[sflag:s10] =	ssyncset.done $0x0  }
0x23: {  	s31 =	simm.s32 $0x40;
	[sflag:s10] =	ssyncadd.s32 $0xFFFF6000  }
0x24: {  	v5 =	vld [tilespmem:s31+$0x30]  }
0x25: {  	v1 =	vld [tilespmem:s31+$0xFFFFFFC0]  }
0x26: {  	v6 =	vld [tilespmem:s31+$0x20]  }
0x27: {  	v11 =	vld [tilespmem:s31+$0x10]  }
0x28: {  	v12 =	vld [tilespmem:s31+$0x0]  }
0x29: {  	v18 =	vld [tilespmem:s31+$0xFFFFFFE0]  }
0x2a: {  	v24 =	vld [tilespmem:s31+$0xFFFFFFD0];
	v14 =	vshrl.u32 v5, $0xE  }
0x2b: {  	v26 =	vld [tilespmem:s31+$0xFFFFFFF0];
	v4 =	vand.u32 $0x3FFF, v1;
	v2 =	vshrl.u32 v1, $0xE;
	v3 =	vand.u32 $0x7F, v1  }
0x2c: {  	v28 =	vand.u32 $0x3FFF, v5;
	v30 =	vand.u32 $0x7F, v5;
	v10 =	vand.u32 $0x3FFF, v6  }
0x2d: {  	v7 =	vshrl.u32 v6, $0xE;
	v36 =	vand.u32 $0x3FFF, v11;
	v9 =	vand.u32 $0x7F, v6  }
0x2e: {  	v22 =	vshrl.u32 v11, $0xE;
	v13 =	vand.u32 $0x3FFF, v12;
	v8 =	vshrl.u32 v12, $0xE  }
0x2f: {  	v37 =	vand.u32 $0x3FFF, v18;
	v15 =	vand.u32 $0x7F, v18;
	v23 =	vand.u32 $0x3FFF, v24  }
0x30: {  	v27 =	vand.u32 $0x3FFF, v26;
	v21 =	vshrl.u32 v26, $0xE;
	v56 =	vshrl.u32 v18, $0xE  }
0x31: {  	v25 =	vand.u32 $0x7F, v11;
	v26 =	vand.u32 $0x7F, v26;
	v1 =	vand.u32 $0x7F, v2  }
0x32: {  	v5 =	vadd.s32 $0x5000, v28;
	v19 =	vadd.s32 $0x2800, v2;
	v16 =	vadd.s32 $0x2800, v4  }
0x33: {  	v6 =	vand.u32 $0x7F, v8;
	v32 =	vadd.s32 $0x2800, v37;
	v31 =	vadd.s32 $0x2800, v23  }
0x34: {  	v33 =	vadd.s32 $0x2800, v10;
	v34 =	vadd.s32 $0x5000, v23;
	v20 =	vand.u32 $0x7F, v21  }
0x35: {  	v40 =	vadd.s32 $0x2800, v28;
	v11 =	vadd.s32 $0x2800, v14;
	v18 =	vand.u32 $0x7F, v56  }
0x36: {  	v44 =	vadd.s32 $0x2800, v21;
	v45 =	vadd.s32 $0x5000, v36;
	v49 =	vadd.s32 $0x5000, v37;
	v39 =	vld.idx.msk [tilespmem:v4+s9+$0x0], $0xffff  }
0x37: {  	v60 =	vadd.s32 $0x2800, v27;
	v52 =	vadd.s32 $0x2800, v7;
	v61 =	vadd.s32 $0x2800, v56;
	v41 =	vld.idx.msk [tilespmem:v10+s9+$0x0], $0xffff  }
0x38: {  	v58 =	vadd.s32 $0x2800, v8;
	v29 =	vand.u32 $0xFF80, v5;
	v5 =	vadd.s32 $0x2800, v36;
	v42 =	vld.idx.msk [tilespmem:v28+s9+$0x0], $0xffff  }
0x39: {  	v17 =	vand.u32 $0x7F80, v16;
	v16 =	vshrl.u32 v24, $0xE;
	v33 =	vand.u32 $0x7F80, v33;
	v43 =	vld.idx.msk [tilespmem:v36+s9+$0x0], $0xffff  }
0x3a: {  	v46 =	vand.u32 $0xFF80, v34;
	v59 =	vand.u32 $0x7F80, v40;
	v31 =	vand.u32 $0x7F80, v31;
	v47 =	vld.idx.msk [tilespmem:v13+s9+$0x0], $0xffff  }
0x3b: {  	v48 =	vand.u32 $0x7FF80, v11;
	v11 =	vand.u32 $0x7F, v7;
	v62 =	vand.u32 $0x7FF80, v61;
	v40 =	vld.idx.msk [tilespmem:v23+s9+$0x0], $0xffff  }
0x3c: {  	v63 =	vand.u32 $0xFF80, v45;
	v55 =	vand.u32 $0x7FF80, v44;
	v44 =	vadd.s32 $0x2800, v13;
	v50 =	vld.idx.msk [tilespmem:v27+s9+$0x0], $0xffff  }
0x3d: {  	v32 =	vand.u32 $0x7F80, v32;
	v35 =	vor.u32 v3, v17;
	v38 =	vand.u32 $0x7F80, v5;
	[tilespmem:v14+s11+$0x0] =	vst.idx.add.f32.msk $0xffff, v42  }
0x3e: {  	v5 =	vand.u32 $0x7F, v12;
	v17 =	vand.u32 $0x7F, v14;
	v12 =	vand.u32 $0x7F, v24;
	[tilespmem:v7+s11+$0x0] =	vst.idx.add.f32.msk $0xffff, v41  }
0x3f: {  	v24 =	vadd.s32 $0x5000, v56;
	v51 =	vor.u32 v9, v33;
	v33 =	vand.u32 $0x7F80, v60;
	v41 =	vld.idx.msk [tilespmem:v37+s9+$0x0], $0xffff  }
0x40: {  	v53 =	vor.u32 v30, v59;
	v34 =	vor.u32 v20, v55;
	v59 =	vand.u32 $0x7FF80, v58;
	[tilespmem:v22+s11+$0x0] =	vst.idx.add.f32.msk $0xffff, v43  }
0x41: {  	v60 =	vand.u32 $0x7FF80, v52;
	v61 =	vadd.s32 $0x2800, v16;
	v55 =	vadd.s32 $0x5000, v7;
	[tilespmem:v16+s11+$0x0] =	vst.idx.add.f32.msk $0xffff, v40  }
0x42: {  	v58 =	vadd.s32 $0x5000, v14;
	v52 =	vadd.s32 $0x7800, v36;
	v24 =	vand.u32 $0x7FF80, v24;
	[tilespmem:v2+s11+$0x0] =	vst.idx.add.f32.msk $0xffff, v39  }
0x43: {  	v54 =	vor.u32 v25, v38;
	v38 =	vor.u32 v25, v63;
	v63 =	vand.u32 $0x7FF80, v61;
	[tilespmem:v8+s11+$0x0] =	vst.idx.add.f32.msk $0xffff, v47  }
0x44: {  	v42 =	vor.u32 v12, v31;
	v31 =	vand.u32 $0xFF80, v49;
	v49 =	vor.u32 v26, v33;
	[tilespmem:v21+s11+$0x0] =	vst.idx.add.f32.msk $0xffff, v50  }
0x45: {  	v40 =	vor.u32 v15, v32;
	v43 =	vld.idx.msk [tilespmem:v53+s9+$0x0], $0xffff;
	v53 =	vor.u32 v30, v29;
	v29 =	vadd.s32 $0x2800, v22  }
0x46: {  	v32 =	vand.u32 $0x7F, v22;
	v57 =	vld.idx.msk [tilespmem:v51+s9+$0x0], $0xffff;
	v51 =	vor.u32 v17, v48;
	v29 =	vand.u32 $0x7FF80, v29  }
0x47: {  	v58 =	vand.u32 $0x7FF80, v58;
	v24 =	vor.u32 v18, v24;
	v45 =	vor.u32 v32, v29;
	v29 =	vld.idx.msk [tilespmem:v35+s9+$0x0], $0xffff  }
0x48: {  	v28 =	vadd.s32 $0x7800, v28;
	v58 =	vor.u32 v17, v58;
	v36 =	vadd.s32 $0x7800, v56;
	[tilespmem:v56+s11+$0x0] =	vst.idx.add.f32.msk $0xffff, v41  }
0x49: {  	v28 =	vand.u32 $0xFF80, v28;
	v33 =	vor.u32 v18, v62;
	v39 =	vor.u32 v6, v59;
	v48 =	vld.idx.msk [tilespmem:v42+s9+$0x0], $0xffff  }
0x4a: {  	v47 =	vor.u32 v11, v60;
	v35 =	vor.u32 v12, v46;
	v46 =	vand.u32 $0x7F80, v44;
	v50 =	vld.idx.msk [tilespmem:v49+s9+$0x0], $0xffff  }
0x4b: {  	v62 =	vadd.s32 $0x5000, v27;
	v60 =	vadd.s32 $0x5000, v10;
	v46 =	vor.u32 v5, v46;
	[tilespmem:v51+s11+$0x0] =	vst.idx.add.f32.msk $0xffff, v43  }
0x4c: {  	v31 =	vor.u32 v15, v31;
	v61 =	vand.u32 $0xFF80, v62;
	v62 =	vadd.s32 $0x5000, v21;
	v59 =	vld.idx.msk [tilespmem:v53+s9+$0x0], $0xffff  }
0x4d: {  	v44 =	vadd.s32 $0x5000, v13;
	v51 =	vor.u32 v30, v28;
	v28 =	vand.u32 $0x7F, v16;
	v53 =	vld.idx.msk [tilespmem:v54+s9+$0x0], $0xffff  }
0x4e: {  	v41 =	vadd.s32 $0x5000, v22;
	v30 =	vand.u32 $0x7FF80, v55;
	v49 =	vld.idx.msk [tilespmem:v40+s9+$0x0], $0xffff;
	v54 =	vor.u32 v28, v63  }
0x4f: {  	v42 =	vor.u32 v26, v61;
	v40 =	vand.u32 $0x7FF80, v62;
	[tilespmem:v47+s11+$0x0] =	vst.idx.add.f32.msk $0xffff, v57;
	v30 =	vor.u32 v11, v30  }
0x50: {  	v63 =	vand.u32 $0xFF80, v60;
	v60 =	vadd.s32 $0x7800, v37;
	v37 =	vor.u32 v20, v40;
	v55 =	vld.idx.msk [tilespmem:v46+s9+$0x0], $0xffff  }
0x51: {  	s16 =	simm.s32 $0x0;
	s17 =	simm.s32 $0xC0;
	v43 =	vor.u32 v9, v63;
	v47 =	vand.u32 $0xFF80, v60;
	v46 =	vadd.s32 $0x5000, v16;
	[tilespmem:v58+s11+$0x0] =	vst.idx.add.f32.msk $0xffff, v59  }
.LBB2_5:
0x52: {  	s16 =	sadd.s32 $0x8, s16;
	v23 =	vadd.s32 $0x7800, v23;
	v27 =	vadd.s32 $0x7800, v27;
	[tilespmem:v45+s11+$0x0] =	vst.idx.add.f32.msk $0xffff, v53;
	v22 =	vadd.s32 $0x7800, v22  }
0x53: {  	v19 =	vand.u32 $0x7FF80, v19;
	v40 =	vadd.s32 $0x5000, v8;
	v14 =	vadd.s32 $0x7800, v14;
	p0 =	slt.u32 s16, $0x9B8;
	[tilespmem:v54+s11+$0x0] =	vst.idx.add.f32.msk $0xffff, v48  }
0x54: {  	v21 =	vadd.s32 $0x7800, v21;
	v19 =	vor.u32 v1, v19;
	v40 =	vand.u32 $0x7FF80, v40;
	v38 =	vld.idx.msk [tilespmem:v38+s9+$0x0], $0xffff  }
0x55: {  	v45 =	vadd.s32 $0x5000, v4;
	v21 =	vand.u32 $0x7FF80, v21;
	v40 =	vor.u32 v6, v40;
	v48 =	vld.idx.msk [tilespmem:v51+s9+$0x0], $0xffff  }
0x56: {  	v16 =	vadd.s32 $0x7800, v16;
	v45 =	vand.u32 $0xFF80, v45;
	v20 =	vor.u32 v20, v21;
	[tilespmem:v39+s11+$0x0] =	vst.idx.add.f32.msk $0xffff, v55  }
0x57: {  	v44 =	vand.u32 $0xFF80, v44;
	v13 =	vadd.s32 $0x7800, v13;
	v39 =	vor.u32 v3, v45;
	v21 =	vld [tilespmem:s17+$0x20]  }
0x58: {  	v41 =	vand.u32 $0x7FF80, v41;
	v10 =	vadd.s32 $0x7800, v10;
	v44 =	vor.u32 v5, v44;
	[tilespmem:v34+s11+$0x0] =	vst.idx.add.f32.msk $0xffff, v50  }
0x59: {  	v7 =	vadd.s32 $0x7800, v7;
	v41 =	vor.u32 v32, v41;
	v10 =	vand.u32 $0xFF80, v10;
	v34 =	vld [tilespmem:s17+$0x10]  }
0x5a: {  	v4 =	vadd.s32 $0x7800, v4;
	v9 =	vor.u32 v9, v10;
	v45 =	vadd.s32 $0x5000, v2;
	[tilespmem:v33+s11+$0x0] =	vst.idx.add.f32.msk $0xffff, v49  }
0x5b: {  	v8 =	vadd.s32 $0x7800, v8;
	v4 =	vand.u32 $0xFF80, v4;
	v33 =	vand.u32 $0x7FF80, v45;
	v10 =	vld [tilespmem:s17+$0xFFFFFFC0]  }
0x5c: {  	v49 =	vor.u32 v3, v4;
	v4 =	vand.u32 $0xFF80, v52;
	v45 =	vor.u32 v1, v33;
	v3 =	vld.idx.msk [tilespmem:v31+s9+$0x0], $0xffff  }
0x5d: {  	v8 =	vand.u32 $0x7FF80, v8;
	v2 =	vadd.s32 $0x7800, v2;
	v4 =	vor.u32 v25, v4;
	v44 =	vld.idx.msk [tilespmem:v44+s9+$0x0], $0xffff  }
0x5e: {  	v2 =	vand.u32 $0x7FF80, v2;
	v33 =	vor.u32 v6, v8;
	v25 =	vld.idx.msk [tilespmem:v42+s9+$0x0], $0xffff  }
0x5f: {  	v31 =	vor.u32 v1, v2;
	v1 =	vld.idx.msk [tilespmem:v43+s9+$0x0], $0xffff  }
0x60: {  	v6 =	vand.u32 $0x7FF80, v46;
	v8 =	vor.u32 v15, v47;
	v2 =	vld.idx.msk [tilespmem:v35+s9+$0x0], $0xffff  }
0x61: {  	v6 =	vor.u32 v28, v6;
	[tilespmem:v41+s11+$0x0] =	vst.idx.add.f32.msk $0xffff, v38  }
0x62: {  	v14 =	vand.u32 $0x7FF80, v14;
	v4 =	vld.idx.msk [tilespmem:v4+s9+$0x0], $0xffff  }
0x63: {  	v27 =	vand.u32 $0xFF80, v27;
	v14 =	vor.u32 v17, v14;
	v15 =	vld [tilespmem:s17+$0x30]  }
0x64: {  	v17 =	vand.u32 $0x7FF80, v22;
	[tilespmem:v24+s11+$0x0] =	vst.idx.add.f32.msk $0xffff, v3;
	v3 =	vor.u32 v26, v27  }
0x65: {  	v22 =	vand.u32 $0x7FF80, v36;
	v17 =	vor.u32 v32, v17;
	v8 =	vld.idx.msk [tilespmem:v8+s9+$0x0], $0xffff  }
0x66: {  	[tilespmem:v6+s11+$0x0] =	vst.idx.add.f32.msk $0xffff, v2;
	v2 =	vor.u32 v18, v22  }
0x67: {  	[tilespmem:v37+s11+$0x0] =	vst.idx.add.f32.msk $0xffff, v25  }
0x68: {  	[tilespmem:v14+s11+$0x0] =	vst.idx.add.f32.msk $0xffff, v48  }
0x69: {  	v6 =	vand.u32 $0xFF80, v23;
	v18 =	vld.idx.msk [tilespmem:v3+s9+$0x0], $0xffff  }
0x6a: {  	v3 =	vor.u32 v12, v6;
	[tilespmem:v17+s11+$0x0] =	vst.idx.add.f32.msk $0xffff, v4  }
0x6b: {  	[tilespmem:v2+s11+$0x0] =	vst.idx.add.f32.msk $0xffff, v8  }
0x6c: {  	[tilespmem:v19+s11+$0x0] =	vst.idx.add.f32.msk $0xffff, v29  }
0x6d: {  	v12 =	vld [tilespmem:s17+$0xFFFFFFD0]  }
0x6e: {  	[tilespmem:v40+s11+$0x0] =	vst.idx.add.f32.msk $0xffff, v44  }
0x6f: {  	v17 =	vld.idx.msk [tilespmem:v3+s9+$0x0], $0xffff  }
0x70: {  	v2 =	vand.u32 $0xFF80, v13;
	v6 =	vld.idx.msk [tilespmem:v39+s9+$0x0], $0xffff  }
0x71: {  	v5 =	vor.u32 v5, v2;
	v2 =	vand.u32 $0x7FF80, v7;
	v3 =	vand.u32 $0x7FF80, v16;
	v26 =	vld [tilespmem:s17+$0xFFFFFFF0]  }
0x72: {  	v14 =	vshrl.u32 v15, $0xE;
	v11 =	vor.u32 v11, v2;
	v16 =	vor.u32 v28, v3;
	[tilespmem:v30+s11+$0x0] =	vst.idx.add.f32.msk $0xffff, v1  }
0x73: {  	v4 =	vand.u32 $0x3FFF, v10;
	v2 =	vshrl.u32 v10, $0xE;
	v3 =	vand.u32 $0x7F, v10;
	v24 =	vld [tilespmem:s17+$0x0]  }
0x74: {  	v28 =	vand.u32 $0x7F, v15;
	v1 =	vand.u32 $0x7F, v2;
	v30 =	vand.u32 $0x3FFF, v15;
	v25 =	vld [tilespmem:s17+$0xFFFFFFE0]  }
0x75: {  	v7 =	vshrl.u32 v21, $0xE;
	v10 =	vand.u32 $0x3FFF, v21;
	v8 =	vadd.s32 $0x5000, v30;
	v29 =	vld.idx.msk [tilespmem:v9+s9+$0x0], $0xffff  }
0x76: {  	v36 =	vand.u32 $0x3FFF, v34;
	v32 =	vand.u32 $0xFF80, v8;
	v9 =	vand.u32 $0x7F, v21;
	[tilespmem:v20+s11+$0x0] =	vst.idx.add.f32.msk $0xffff, v18  }
0x77: {  	v22 =	vshrl.u32 v34, $0xE;
	v19 =	vadd.s32 $0x2800, v2;
	v18 =	vadd.s32 $0x2800, v36;
	v35 =	vld.idx.msk [tilespmem:v5+s9+$0x0], $0xffff  }
0x78: {  	v5 =	vadd.s32 $0x2800, v4;
	v13 =	vand.u32 $0x3FFF, v24;
	v8 =	vshrl.u32 v24, $0xE;
	[tilespmem:v45+s11+$0x0] =	vst.idx.add.f32.msk $0xffff, v6  }
0x79: {  	v37 =	vand.u32 $0x3FFF, v25;
	v15 =	vand.u32 $0x7F, v25;
	v6 =	vand.u32 $0x7F, v8;
	[tilespmem:v16+s11+$0x0] =	vst.idx.add.f32.msk $0xffff, v17  }
0x7a: {  	v23 =	vand.u32 $0x3FFF, v12;
	v5 =	vand.u32 $0x7F80, v5;
	v16 =	vshrl.u32 v12, $0xE;
	v38 =	vld.idx.msk [tilespmem:v49+s9+$0x0], $0xffff  }
0x7b: {  	v43 =	vand.u32 $0x7F80, v18;
	v41 =	vor.u32 v3, v5;
	v42 =	vadd.s32 $0x2800, v37;
	v39 =	vld.idx.msk [tilespmem:v4+s9+$0x0], $0xffff  }
0x7c: {  	v44 =	vadd.s32 $0x2800, v23;
	v27 =	vand.u32 $0x3FFF, v26;
	v5 =	vand.u32 $0x7F, v24;
	v45 =	vld.idx.msk [tilespmem:v10+s9+$0x0], $0xffff  }
0x7d: {  	v21 =	vshrl.u32 v26, $0xE;
	v24 =	vadd.s32 $0x2800, v10;
	v17 =	vand.u32 $0x7F, v14;
	v46 =	vld.idx.msk [tilespmem:v30+s9+$0x0], $0xffff  }
0x7e: {  	v47 =	vadd.s32 $0x5000, v23;
	v48 =	vadd.s32 $0x2800, v30;
	v20 =	vand.u32 $0x7F, v21;
	[tilespmem:v11+s11+$0x0] =	vst.idx.add.f32.msk $0xffff, v29  }
0x7f: {  	v40 =	vshrl.u32 v25, $0xE;
	v25 =	vand.u32 $0x7F, v34;
	v11 =	vadd.s32 $0x2800, v14;
	v29 =	vld.idx.msk [tilespmem:v36+s9+$0x0], $0xffff  }
0x80: {  	v12 =	vand.u32 $0x7F, v12;
	v18 =	vand.u32 $0x7F, v40;
	v34 =	vand.u32 $0x7F80, v24;
	[tilespmem:v33+s11+$0x0] =	vst.idx.add.f32.msk $0xffff, v35  }
0x81: {  	v24 =	vadd.s32 $0x5000, v40;
	v35 =	vadd.s32 $0x2800, v21;
	v33 =	vadd.s32 $0x5000, v36;
	[tilespmem:v31+s11+$0x0] =	vst.idx.add.f32.msk $0xffff, v38  }
0x82: {  	v47 =	vand.u32 $0xFF80, v47;
	v24 =	vand.u32 $0x7FF80, v24;
	v38 =	vand.u32 $0x7F80, v48;
	v49 =	vld.idx.msk [tilespmem:v13+s9+$0x0], $0xffff  }
0x83: {  	v24 =	vor.u32 v18, v24;
	v31 =	vand.u32 $0x7F80, v44;
	v44 =	vand.u32 $0x7FF80, v11;
	v48 =	vld.idx.msk [tilespmem:v23+s9+$0x0], $0xffff  }
0x84: {  	v50 =	vadd.s32 $0x5000, v37;
	v34 =	vor.u32 v9, v34;
	v11 =	vand.u32 $0x7F, v7;
	v51 =	vld.idx.msk [tilespmem:v27+s9+$0x0], $0xffff  }
0x85: {  	v53 =	vadd.s32 $0x2800, v7;
	v26 =	vand.u32 $0x7F, v26;
	v52 =	vadd.s32 $0x2800, v27;
	[tilespmem:v14+s11+$0x0] =	vst.idx.add.f32.msk $0xffff, v46  }
0x86: {  	v46 =	vor.u32 v12, v31;
	v31 =	vand.u32 $0xFF80, v50;
	v50 =	vand.u32 $0x7F80, v52;
	[tilespmem:v7+s11+$0x0] =	vst.idx.add.f32.msk $0xffff, v45  }
0x87: {  	v54 =	vor.u32 v28, v38;
	v52 =	vadd.s32 $0x2800, v40;
	v31 =	vor.u32 v15, v31;
	v45 =	vld.idx.msk [tilespmem:v37+s9+$0x0], $0xffff  }
0x88: {  	v38 =	vand.u32 $0x7FF80, v52;
	v50 =	vor.u32 v26, v50;
	[tilespmem:v22+s11+$0x0] =	vst.idx.add.f32.msk $0xffff, v29;
	v29 =	vand.u32 $0xFF80, v33  }
0x89: {  	v35 =	vand.u32 $0x7FF80, v35;
	v52 =	vadd.s32 $0x2800, v13;
	v33 =	vor.u32 v18, v38;
	v56 =	vld.idx.msk [tilespmem:v34+s9+$0x0], $0xffff  }
0x8a: {  	v43 =	vor.u32 v25, v43;
	v34 =	vor.u32 v20, v35;
	v35 =	vadd.s32 $0x2800, v8;
	[tilespmem:v16+s11+$0x0] =	vst.idx.add.f32.msk $0xffff, v48  }
0x8b: {  	v38 =	vor.u32 v25, v29;
	v35 =	vand.u32 $0x7FF80, v35;
	[tilespmem:v2+s11+$0x0] =	vst.idx.add.f32.msk $0xffff, v39;
	v39 =	vand.u32 $0x7F80, v42  }
0x8c: {  	v57 =	vor.u32 v28, v32;
	v55 =	vor.u32 v17, v44;
	v42 =	vor.u32 v15, v39;
	v54 =	vld.idx.msk [tilespmem:v54+s9+$0x0], $0xffff  }
0x8d: {  	v29 =	vadd.s32 $0x2800, v22;
	v39 =	vor.u32 v6, v35;
	v35 =	vand.u32 $0x7FF80, v53;
	[tilespmem:v8+s11+$0x0] =	vst.idx.add.f32.msk $0xffff, v49  }
0x8e: {  	v32 =	vand.u32 $0x7F, v22;
	v29 =	vand.u32 $0x7FF80, v29;
	v58 =	vor.u32 v11, v35;
	[tilespmem:v40+s11+$0x0] =	vst.idx.add.f32.msk $0xffff, v45  }
0x8f: {  	v59 =	vadd.s32 $0x5000, v27;
	v35 =	vadd.s32 $0x2800, v16;
	v45 =	vor.u32 v32, v29;
	[tilespmem:v21+s11+$0x0] =	vst.idx.add.f32.msk $0xffff, v51  }
0x90: {  	v60 =	vadd.s32 $0x5000, v7;
	v49 =	vand.u32 $0x7FF80, v35;
	v51 =	vadd.s32 $0x5000, v14;
	v29 =	vld.idx.msk [tilespmem:v41+s9+$0x0], $0xffff  }
0x91: {  	v30 =	vadd.s32 $0x7800, v30;
	v35 =	vor.u32 v12, v47;
	v41 =	vand.u32 $0x7F80, v52;
	v48 =	vld.idx.msk [tilespmem:v46+s9+$0x0], $0xffff  }
0x92: {  	v30 =	vand.u32 $0xFF80, v30;
	v44 =	vadd.s32 $0x5000, v13;
	v46 =	vor.u32 v5, v41;
	[tilespmem:v55+s11+$0x0] =	vst.idx.add.f32.msk $0xffff, v54  }
0x93: {  	v47 =	vand.u32 $0x7FF80, v51;
	v51 =	vor.u32 v28, v30;
	v41 =	vadd.s32 $0x5000, v22;
	v57 =	vld.idx.msk [tilespmem:v57+s9+$0x0], $0xffff  }
0x94: {  	v28 =	vand.u32 $0x7F, v16;
	v30 =	vand.u32 $0x7FF80, v60;
	v60 =	vor.u32 v17, v47;
	v53 =	vld.idx.msk [tilespmem:v43+s9+$0x0], $0xffff  }
.Ltmp1:
0x95: {  	v30 =	vor.u32 v11, v30;
	v54 =	vor.u32 v28, v49;
	v43 =	vadd.s32 $0x5000, v10;
	v50 =	vld.idx.msk [tilespmem:v50+s9+$0x0], $0xffff;
	(pc) =	sbr.rel @p0 .LBB2_5-.Ltmp1, $4  }
0x96: {  	v47 =	vadd.s32 $0x5000, v21;
	v43 =	vand.u32 $0xFF80, v43;
	v49 =	vld.idx.msk [tilespmem:v42+s9+$0x0], $0xffff;
	v42 =	vand.u32 $0xFF80, v59  }
0x97: {  	v47 =	vand.u32 $0x7FF80, v47;
	v43 =	vor.u32 v9, v43;
	v42 =	vor.u32 v26, v42;
	v55 =	vld.idx.msk [tilespmem:v46+s9+$0x0], $0xffff  }
0x98: {  	v52 =	vadd.s32 $0x7800, v36;
	v59 =	vadd.s32 $0x7800, v37;
	v37 =	vor.u32 v20, v47;
	[tilespmem:v58+s11+$0x0] =	vst.idx.add.f32.msk $0xffff, v56  }
0x99: {  	s17 =	sadd.s32 $0x80, s17;
	v36 =	vadd.s32 $0x7800, v40;
	v46 =	vadd.s32 $0x5000, v16;
	v47 =	vand.u32 $0xFF80, v59;
	[tilespmem:v60+s11+$0x0] =	vst.idx.add.f32.msk $0xffff, v57  }
0x9a: {  	_ =	sdelay $0x3  }
0x9b: {  	[tilespmem:v45+s11+$0x0] =	vst.idx.add.f32.msk $0xffff, v53  }
0x9c: {  	[tilespmem:v54+s11+$0x0] =	vst.idx.add.f32.msk $0xffff, v48  }
0x9d: {  	v59 =	vld.idx.msk [tilespmem:v51+s9+$0x0], $0xffff  }
0x9e: {  	[tilespmem:v34+s11+$0x0] =	vst.idx.add.f32.msk $0xffff, v50  }
0x9f: {  	v45 =	vld.idx.msk [tilespmem:v43+s9+$0x0], $0xffff  }
0xa0: {  	v38 =	vld.idx.msk [tilespmem:v38+s9+$0x0], $0xffff  }
0xa1: {  	v40 =	vand.u32 $0xFF80, v44;
	[tilespmem:v33+s11+$0x0] =	vst.idx.add.f32.msk $0xffff, v49  }
0xa2: {  	v60 =	vand.u32 $0x7FF80, v41;
	v40 =	vor.u32 v5, v40;
	v63 =	vld.idx.msk [tilespmem:v42+s9+$0x0], $0xffff  }
0xa3: {  	v46 =	vand.u32 $0x7FF80, v46;
	v61 =	vor.u32 v32, v60;
	v35 =	vld.idx.msk [tilespmem:v35+s9+$0x0], $0xffff  }
0xa4: {  	v41 =	vor.u32 v28, v46;
	[tilespmem:v39+s11+$0x0] =	vst.idx.add.f32.msk $0xffff, v55  }
0xa5: {  	v19 =	vand.u32 $0x7FF80, v19;
	v31 =	vld.idx.msk [tilespmem:v31+s9+$0x0], $0xffff  }
0xa6: {  	v62 =	vand.u32 $0xFF80, v52;
	v19 =	vor.u32 v1, v19;
	[tilespmem:v30+s11+$0x0] =	vst.idx.add.f32.msk $0xffff, v45  }
0xa7: {  	v14 =	vadd.s32 $0x7800, v14;
	v25 =	vor.u32 v25, v62;
	v39 =	vld.idx.msk [tilespmem:v40+s9+$0x0], $0xffff  }
0xa8: {  	v15 =	vor.u32 v15, v47;
	v27 =	vadd.s32 $0x7800, v27;
	v14 =	vand.u32 $0x7FF80, v14;
	[tilespmem:v61+s11+$0x0] =	vst.idx.add.f32.msk $0xffff, v38  }
0xa9: {  	v23 =	vadd.s32 $0x7800, v23;
	v27 =	vand.u32 $0xFF80, v27;
	v14 =	vor.u32 v17, v14;
	[tilespmem:v41+s11+$0x0] =	vst.idx.add.f32.msk $0xffff, v35  }
0xaa: {  	v10 =	vadd.s32 $0x7800, v10;
	v23 =	vand.u32 $0xFF80, v23;
	v47 =	vor.u32 v26, v27;
	[tilespmem:v37+s11+$0x0] =	vst.idx.add.f32.msk $0xffff, v63  }
0xab: {  	v10 =	vand.u32 $0xFF80, v10;
	v12 =	vor.u32 v12, v23;
	[tilespmem:v19+s11+$0x0] =	vst.idx.add.f32.msk $0xffff, v29  }
0xac: {  	v51 =	vadd.s32 $0x5000, v4;
	v9 =	vor.u32 v9, v10;
	v25 =	vld.idx.msk [tilespmem:v25+s9+$0x0], $0xffff  }
0xad: {  	v22 =	vadd.s32 $0x7800, v22;
	v26 =	vand.u32 $0xFF80, v51;
	[tilespmem:v24+s11+$0x0] =	vst.idx.add.f32.msk $0xffff, v31  }
0xae: {  	v22 =	vand.u32 $0x7FF80, v22;
	v49 =	vadd.s32 $0x5000, v8;
	v52 =	vor.u32 v3, v26;
	[tilespmem:v14+s11+$0x0] =	vst.idx.add.f32.msk $0xffff, v59  }
0xaf: {  	v58 =	vadd.s32 $0x7800, v21;
	v22 =	vor.u32 v32, v22;
	v50 =	vand.u32 $0x7FF80, v49;
	v17 =	vld.idx.msk [tilespmem:v47+s9+$0x0], $0xffff  }
0xb0: {  	v13 =	vadd.s32 $0x7800, v13;
	v10 =	vand.u32 $0x7FF80, v58;
	v24 =	vor.u32 v6, v50;
	v60 =	vld.idx.msk [tilespmem:v12+s9+$0x0], $0xffff  }
0xb1: {  	v53 =	vadd.s32 $0x5000, v2;
	v54 =	vand.u32 $0xFF80, v13;
	v10 =	vor.u32 v20, v10;
	v9 =	vld.idx.msk [tilespmem:v9+s9+$0x0], $0xffff  }
0xb2: {  	v56 =	vand.u32 $0x7FF80, v53;
	v55 =	vadd.s32 $0x7800, v4;
	v57 =	vor.u32 v5, v54;
	v15 =	vld.idx.msk [tilespmem:v15+s9+$0x0], $0xffff  }
0xb3: {  	v7 =	vadd.s32 $0x7800, v7;
	v13 =	vor.u32 v1, v56;
	v4 =	vand.u32 $0xFF80, v55;
	v14 =	vld.idx.msk [tilespmem:v52+s9+$0x0], $0xffff  }
0xb4: {  	v7 =	vand.u32 $0x7FF80, v7;
	v3 =	vor.u32 v3, v4;
	[tilespmem:v22+s11+$0x0] =	vst.idx.add.f32.msk $0xffff, v25  }
0xb5: {  	v48 =	vand.u32 $0x7FF80, v36;
	v7 =	vor.u32 v11, v7;
	v59 =	vadd.s32 $0x7800, v16;
	[tilespmem:v24+s11+$0x0] =	vst.idx.add.f32.msk $0xffff, v39  }
0xb6: {  	v18 =	vor.u32 v18, v48;
	v62 =	vadd.s32 $0x7800, v8;
	v61 =	vand.u32 $0x7FF80, v59;
	[tilespmem:v10+s11+$0x0] =	vst.idx.add.f32.msk $0xffff, v17  }
0xb7: {  	v2 =	vadd.s32 $0x7800, v2;
	v8 =	vand.u32 $0x7FF80, v62;
	v12 =	vor.u32 v28, v61;
	v5 =	vld.idx.msk [tilespmem:v57+s9+$0x0], $0xffff  }
0xb8: {  	v2 =	vand.u32 $0x7FF80, v2;
	v63 =	vor.u32 v6, v8;
	[tilespmem:v13+s11+$0x0] =	vst.idx.add.f32.msk $0xffff, v14  }
0xb9: {  	v1 =	vor.u32 v1, v2;
	v2 =	vld.idx.msk [tilespmem:v3+s9+$0x0], $0xffff  }
0xba: {  	[tilespmem:v7+s11+$0x0] =	vst.idx.add.f32.msk $0xffff, v9  }
0xbb: {  	[tilespmem:v18+s11+$0x0] =	vst.idx.add.f32.msk $0xffff, v15  }
0xbc: {  	[tilespmem:v12+s11+$0x0] =	vst.idx.add.f32.msk $0xffff, v60  }
0xbd: {  	[tilespmem:v63+s11+$0x0] =	vst.idx.add.f32.msk $0xffff, v5  }
0xbe: {  	s16 =	simm.s32 $0x0;
	[tilespmem:v1+s11+$0x0] =	vst.idx.add.f32.msk $0xffff, v2  }
.LBB2_7:
0xbf: {  	s17 =	sshra.s32 s16, $0x2  }
0xc0: {  	v1 =	vld [tilespmem:s17+$0x9C00];
	_ =	sdelay $0x4  }
0xc1: {  	v2 =	vand.u32 $0x3FFF, v1;
	_ =	sdelay $0x3  }
0xc2: {  	v3 =	vadd.s32 $0x2800, v2  }
0xc3: {  	v4 =	vshrl.u32 v1, $0xE;
	v1 =	vand.u32 $0x7F, v1;
	v3 =	vand.u32 $0x7F80, v3;
	v5 =	vld.idx.msk [tilespmem:v2+s9+$0x0], $0xffff  }
0xc4: {  	v3 =	vor.u32 v1, v3;
	_ =	sdelay $0x2  }
0xc5: {  	v6 =	vadd.s32 $0x2800, v4  }
0xc6: {  	v7 =	vand.u32 $0x7F, v4;
	v63 =	vadd.s32 $0x5000, v2;
	v62 =	vand.u32 $0x7FF80, v6;
	[tilespmem:v4+s11+$0x0] =	vst.idx.add.f32.msk $0xffff, v5  }
0xc7: {  	v6 =	vand.u32 $0xFF80, v63;
	v5 =	vor.u32 v7, v62;
	v3 =	vld.idx.msk [tilespmem:v3+s9+$0x0], $0xffff  }
0xc8: {  	v6 =	vor.u32 v1, v6;
	_ =	sdelay $0x2  }
0xc9: {  	v8 =	vadd.s32 $0x5000, v4  }
0xca: {  	v2 =	vadd.s32 $0x7800, v2;
	[tilespmem:v5+s11+$0x0] =	vst.idx.add.f32.msk $0xffff, v3;
	v3 =	vand.u32 $0x7FF80, v8  }
0xcb: {  	v2 =	vand.u32 $0xFF80, v2;
	v5 =	vld.idx.msk [tilespmem:v6+s9+$0x0], $0xffff;
	v3 =	vor.u32 v7, v3  }
0xcc: {  	v1 =	vor.u32 v1, v2;
	_ =	sdelay $0x2  }
0xcd: {  	v2 =	vadd.s32 $0x7800, v4  }
0xce: {  	v2 =	vand.u32 $0x7FF80, v2;
	[tilespmem:v3+s11+$0x0] =	vst.idx.add.f32.msk $0xffff, v5  }
0xcf: {  	p0 =	sne.s32 s16, $0xC0;
	v2 =	vor.u32 v7, v2;
	v1 =	vld.idx.msk [tilespmem:v1+s9+$0x0], $0xffff  }
.Ltmp2:
0xd0: {  	_ = 	snop;
	(pc) =	sbr.rel @p0 .LBB2_7-.Ltmp2, $2  }
0xd1: {  	_ =	sdelay $0x2  }
0xd2: {  	s16 =	sadd.s32 $0x40, s16;
	[tilespmem:v2+s11+$0x0] =	vst.idx.add.f32.msk $0xffff, v1  }
0xd3: {  	s14 =	sadd.s32 $0x1, s14  }
0xd4: {  	p0 =	sne.s32 s14, $0x15  }
.Ltmp3:
0xd5: {  	_ = 	snop;
	(pc) =	sbr.rel @p0 .LBB2_2-.Ltmp3, $3  }
0xd6: {  	_ =	sdelay $0x1  }
0xd7: {  	s15 =	sadd.s32 s5, s15  }
0xd8: {  	[hbm4b:s15+s1] =	stream.linear.scatter [tilespmem:s11], [sflag:$0x2], $0xA000, $0x38;
	[tilespmem:$0x1DC80] =	vst v63  }
0xd9: {  	s13 =	sadd.s32 $0x1, s13  }
0xda: {  	p0 =	sne.s32 s13, s7  }
.Ltmp4:
0xdb: {  	_ = 	snop;
	(pc) =	sbr.rel @p0 .LBB2_1-.Ltmp4, $4  }
0xdc: {  	_ = 	snop  }
0xdd: {  	_ =	swait.ge [sflag:s12], $0xA000  }
0xde: {  	[sflag:s12] =	ssyncset.done $0x0  }
0xdf: {  	[sflag:s12] =	ssyncadd.s32 $0xFFFF6000  }
0xe0: {  	_ =	sfence.sel $0x180000  }
0xe1: {  	[bflag:$0x0] =	sbarrier.arrive $0xFFFF  }
0xe2: {  	p0 =	sne.s32 s2, $0x0;
	_ =	strace $0x9000004D  }
0xe3: {  	s0 =	sadd.s32 @!p0 $0x100000, s0;
	[bflag:$0x2] =	sbarrier.arrive $0xFFFF  }
0xe4: {  	[sflag:s0] =	ssyncadd.tile.s32 @!p0 $0x1;
	_ =	shalt  }
.Lfunc_end2:
_tile_overlayer_lowered:
.L_overlay_start_2:
0xe5: {  	(tag) =	ssettag $0x2  }
0xe6: {  	s0 =	rddreg [dreg:$0x0];
	s2 =	stileid.u32  }
0xe7: {  	s1 =	rddreg [dreg:$0x1];
	p0 =	sne.s32 s2, $0x0  }
0xe8: {  	s3 =	rddreg [dreg:$0x2];
	[bflag:$0x3] =	sbarrier.arrive $0xFFFF;
	s2 =	simm.s32 @!p0 $0x1C03  }
0xe9: {  	[timem:s3], [sflag:s2] =	dma.local @!p0 [hbm:s0], s1  }
0xea: {  	s0 =	simm.s32 @!p0 $0x3  }
0xeb: {  	_ =	swait.ge @!p0 [sflag:s0], s1  }
0xec: {  	s1 =	ssub.s32 @!p0 $0x0, s1;
	[sflag:s0] =	ssyncset.done @!p0 $0x0  }
0xed: {  	[sflag:s0] =	ssyncadd.s32 @!p0 s1  }
0xee: {  	[bflag:$0x3] =	sbarrier.arrive $0xFFFF  }
0xef: {  	_ =	shalt  }

// kernel: kernel.14.cloned.1.call-start
scs
__scs_entry_jumppad:
0x0: {  	(pc) =	sbr.rel $0x88, $3  }
0x1: {  	(tag) =	ssettag $0x0;
	lr =	simm.s32 $0x1  }
0x2: {  	[smem:$0x3F99] =	sst lr;
	_ =	strace $0xD0000000  }
0x3: {  	_ = 	snop  }
0x4: {  	_ = 	snop  }
0x5: {  	_ = 	snop  }
0x6: {  	_ = 	snop  }
0x7: {  	_ = 	snop  }
__scs_overlays_trampoline_lowered:
0x8: {  	[smem:$0x3FA8] =	sst s0  }
0x9: {  	[smem:$0x3FA9] =	sst s1  }
0xa: {  	[smem:$0x3FAA] =	sst s2  }
0xb: {  	[smem:$0x3FAB] =	sst s3  }
0xc: {  	[smem:$0x3FAC] =	sst s4  }
0xd: {  	[smem:$0x3FAD] =	sst s5  }
0xe: {  	[smem:$0x3FAE] =	sst s6  }
0xf: {  	[smem:$0x3FAF] =	sst s7  }
0x10: {  	[smem:$0x3FB0] =	sst s8  }
0x11: {  	[smem:$0x3FB1] =	sst s9;
	s0 =	simm.s32 @!p0 $0x0  }
0x12: {  	s1 =	sld [smem:$0x3F97];
	s0 =	simm.s32 @p0 $0x1  }
0x13: {  	[smem:$0x3FB2] =	sst s0;
	s0 =	simm.s32 @!p1 $0x0  }
0x14: {  	s2 =	sld [smem:$0x3F96];
	s0 =	simm.s32 @p1 $0x1  }
0x15: {  	[smem:$0x3FB3] =	sst s0;
	s0 =	simm.s32 @!p2 $0x0  }
0x16: {  	s3 =	sld [smem:$0x3FDB];
	s0 =	simm.s32 @p2 $0x1  }
0x17: {  	s4 =	simm.s32 $0x1BF5;
	[smem:$0x3FB5] =	sst s0  }
0x18: {  	s0 =	sld [smem:$0x3F98];
	_ =	swait.ge [sflag:s4], $0x0  }
0x19: {  	s7 =	sld [smem:$0x3F99]  }
0x1a: {  	s8 =	sadd.s32 $0xFFFFE003, lr  }
0x1b: {  	s9 =	sadd.s32 $0xFFFFFEF7, lr;
	s5 =	simm.s32 $0xFFFFFFFF;
	p2 =	slt.u32 s8, $0xFFFFF086  }
0x1c: {  	p1 =	slt.u32 s9, $0xF7A;
	s5 =	simm.s32 @!p2 $0x0  }
0x1d: {  	s5 =	simm.s32 @p1 $0x1;
	p0 =	seq.s32 s7, s2  }
0x1e: {  	s7 =	smul.u32 @!p0 $0xF7A, s2;
	p2 =	seq.s32 @!p0 s5, $0x0  }
0x1f: {  	s9 =	smul.u32 $0xF7A, s1;
	s8 =	simm.s32 @!p0 $0x1BF5;
	p2 =	por !p2, p0  }
0x20: {  	[sflag:s8] =	ssyncset.s32 @!p0 $0xFFFFF086;
	s6 =	sadd.s32 @!p0 s3, s7;
	s7 =	simm.s32 @!p0 $0x108  }
0x21: {  	s3 =	sadd.s32 s3, s9;
	s6 =	sadd.s32 @!p0 $0x88, s6;
	s7 =	simm.s32 @p2 $0x1082  }
0x22: {  	[simem:s7], [sflag:s8] =	dma.local @!p0 [hbm:s6], $0xF7A  }
0x23: {  	s9 =	sor.u32 $0xD0000000, s2;
	s6 =	simm.s32 $0x108;
	_ =	swait.ge @!p0 [sflag:s8], $0x0  }
0x24: {  	s3 =	sadd.s32 $0x88, s3;
	s6 =	simm.s32 @!p1 $0x1082;
	[sflag:s4] =	ssyncset.s32 $0xFFFFF086  }
0x25: {  	[simem:s6], [sflag:s4] =	dma.local [hbm:s3], $0xF7A  }
0x26: {  	[smem:$0x3F99] =	sst s1;
	(tag) =	ssettag s2;
	_ =	strace s9  }
0x27: {  	s1 =	sld [smem:$0x3FA9]  }
0x28: {  	s2 =	sld [smem:$0x3FAA]  }
0x29: {  	s4 =	sld [smem:$0x3FAC]  }
0x2a: {  	p0 =	seq.s32 s5, $0x0;
	s5 =	sld [smem:$0x3FAD]  }
0x2b: {  	s6 =	sld [smem:$0x3FAE]  }
0x2c: {  	s7 =	sld [smem:$0x3FAF]  }
0x2d: {  	s3 =	simm.s32 $0x108;
	s8 =	sld [smem:$0x3FB0]  }
0x2e: {  	s3 =	simm.s32 @!p0 $0x1082;
	s9 =	sld [smem:$0x3FB1]  }
0x2f: {  	lr =	sadd.s32 s0, s3;
	s0 =	sld [smem:$0x3FA8]  }
0x30: {  	s3 =	sld [smem:$0x3FAB]  }
0x31: {  	[smem:$0x3FB4] =	sst s10  }
0x32: {  	s10 =	sld [smem:$0x3FB2];
	_ =	sdelay $0x3  }
0x33: {  	p0 =	seq.s32 s10, $0x1;
	s10 =	sld [smem:$0x3FB4];
	_ =	sdelay $0x3  }
0x34: {  	[smem:$0x3FB4] =	sst s10  }
0x35: {  	s10 =	sld [smem:$0x3FB3];
	_ =	sdelay $0x3  }
0x36: {  	p1 =	seq.s32 s10, $0x1;
	s10 =	sld [smem:$0x3FB4];
	_ =	sdelay $0x3  }
0x37: {  	[smem:$0x3FB4] =	sst s10  }
0x38: {  	s10 =	sld [smem:$0x3FB5]  }
0x39: {  	_ = 	snop;
	(pc) =	sbr.ind lr, $3  }
0x3a: {  	_ = 	snop  }
0x3b: {  	_ = 	snop  }
0x3c: {  	p2 =	seq.s32 s10, $0x1;
	s10 =	sld [smem:$0x3FB4]  }
0x3d: {  	_ =	shalt  }
0x3e: {  	_ =	shalt  }
0x3f: {  	_ =	shalt  }
0x40: {  	_ =	shalt  }
0x41: {  	_ =	shalt  }
0x42: {  	_ =	shalt  }
0x43: {  	_ =	shalt  }
0x44: {  	_ =	shalt  }
0x45: {  	_ =	shalt  }
0x46: {  	_ =	shalt  }
0x47: {  	_ =	shalt  }
0x48: {  	_ =	shalt  }
0x49: {  	_ =	shalt  }
0x4a: {  	_ =	shalt  }
0x4b: {  	_ =	shalt  }
0x4c: {  	_ =	shalt  }
0x4d: {  	_ =	shalt  }
0x4e: {  	_ =	shalt  }
0x4f: {  	_ =	shalt  }
0x50: {  	_ =	shalt  }
0x51: {  	_ =	shalt  }
0x52: {  	_ =	shalt  }
0x53: {  	_ =	shalt  }
0x54: {  	_ =	shalt  }
0x55: {  	_ =	shalt  }
0x56: {  	_ =	shalt  }
0x57: {  	_ =	shalt  }
0x58: {  	_ =	shalt  }
0x59: {  	_ =	shalt  }
0x5a: {  	_ =	shalt  }
0x5b: {  	_ =	shalt  }
0x5c: {  	_ =	shalt  }
0x5d: {  	_ =	shalt  }
0x5e: {  	_ =	shalt  }
0x5f: {  	_ =	shalt  }
0x60: {  	_ =	shalt  }
0x61: {  	_ =	shalt  }
0x62: {  	_ =	shalt  }
0x63: {  	_ =	shalt  }
0x64: {  	_ =	shalt  }
0x65: {  	_ =	shalt  }
0x66: {  	_ =	shalt  }
0x67: {  	_ =	shalt  }
0x68: {  	_ =	shalt  }
0x69: {  	_ =	shalt  }
0x6a: {  	_ =	shalt  }
0x6b: {  	_ =	shalt  }
0x6c: {  	_ =	shalt  }
0x6d: {  	_ =	shalt  }
0x6e: {  	_ =	shalt  }
0x6f: {  	_ =	shalt  }
0x70: {  	_ =	shalt  }
0x71: {  	_ =	shalt  }
0x72: {  	_ =	shalt  }
0x73: {  	_ =	shalt  }
0x74: {  	_ =	shalt  }
0x75: {  	_ =	shalt  }
0x76: {  	_ =	shalt  }
0x77: {  	_ =	shalt  }
0x78: {  	_ =	shalt  }
0x79: {  	_ =	shalt  }
0x7a: {  	_ =	shalt  }
0x7b: {  	_ =	shalt  }
0x7c: {  	_ =	shalt  }
0x7d: {  	_ =	shalt  }
0x7e: {  	_ =	shalt  }
0x7f: {  	_ =	shalt  }
0x80: {  	_ =	shalt  }
0x81: {  	_ =	shalt  }
0x82: {  	_ =	shalt  }
0x83: {  	_ =	shalt  }
0x84: {  	_ =	shalt  }
0x85: {  	_ =	shalt  }
0x86: {  	_ =	shalt  }
0x87: {  	_ =	shalt  }
.Lfunc_end0:
.L_simem_size_0:
called_computation.4_lowered:
.L_overlay_start_0:
0x88: {  	s2 =	sld [smem:$0x3FD9]  }
0x89: {  	s3 =	sld [smem:$0x3FFE];
	_ =	sdelay $0x1  }
0x8a: {  	s1 =	srdreg.scid  }
0x8b: {  	s0 =	sand.u32 $0x1, s1  }
0x8c: {  	s16 =	sshll.u32 s0, $0xA;
	s2 =	sadd.s32 s3, s2  }
0x8d: {  	s2 =	sadd.s32 s2, s16  }
0x8e: {  	[smem:$0x3FC0] =	sst s2  }
0x8f: {  	_ = 	snop  }
0x90: {  	(tm) =	ssettm $0x1  }
0x91: {  	s17 =	sld [smem:$0x3FFB];
	_ =	sdelay $0x3  }
0x92: {  	_ =	strace s17  }
0x93: {  	s2 =	sld [smem:$0x3FFC];
	_ =	sdelay $0x3  }
0x94: {  	_ =	strace s2  }
0x95: {  	s2 =	sld [smem:$0x3FFD];
	_ =	sdelay $0x3  }
0x96: {  	_ =	strace s2  }
0x97: {  	_ =	strace $0x8FFFFFFF  }
0x98: {  	s18 =	sld [smem:$0x3FDB];
	_ =	sdelay $0x1  }
0x99: {  	s19 =	simm.s32 $_scs_section_size  }
0x9a: {  	s4 =	simm.s32 $_size__tile_overlayer_lowered;
	s5 =	simm.s32 $_tile_overlayer_lowered  }
0x9b: {  	s22 =	simm.s32 $0x1BFF;
	s21 =	sshll.u32 s5, $0x1;
	s2 =	sadd.s32 s19, s18  }
0x9c: {  	s6 =	simm.s32 $0x0;
	s20 =	sshll.u32 s4, $0x1;
	s4 =	sadd.s32 s21, s2  }
0x9d: {  	[timem:s6], [sflag:s22] =	dma.local [hbm:s4], s20  }
0x9e: {  	_ =	swait.ge [sflag:s22], s20  }
0x9f: {  	s3 =	ssub.s32 $0x0, s20;
	[sflag:s22] =	ssyncset.done $0x0  }
0xa0: {  	[sflag:s22] =	ssyncadd.s32 s3;
	_ =	sdelay $0x1  }
0xa1: {  	s23 =	simm.s32 $0x1B8B  }
0xa2: {  	_ =	swait.ge [sflag:s23], $0x1  }
0xa3: {  	[sflag:s23] =	ssyncset.done $0x0  }
0xa4: {  	s25 =	simm.s32 $0x1B8E;
	s24 =	sld [smem:$0x3FFE];
	[sflag:s23] =	ssyncadd.s32 $0xFFFFFFFF  }
0xa5: {  	s26 =	simm.s32 $execute0_lowered;
	[smem:$0x3FD2] =	sst s25  }
0xa6: {  	s4 =	sshll.u32 s26, $0x1;
	_ =	strace $0x80000052;
	[dreg:$0x1] =	wrdreg $0xFFFFFFFF  }
0xa7: {  	s28 =	simm.s32 $_size_execute0_lowered;
	s2 =	sadd.s32 s2, s4;
	[dreg:$0x0] =	wrdreg $0x0  }
0xa8: {  	s4 =	sshll.u32 s28, $0x1;
	[dreg:$0x2] =	wrdreg s2  }
0xa9: {  	[dreg:$0x3] =	wrdreg s4  }
0xaa: {  	[dreg:$0x4] =	wrdreg $0xC0  }
0xab: {  	_ =	task [dreg:s6], $0x5FFFF  }
0xac: {  	[dreg:$0x1] =	wrdreg $0xFFFFFFFF  }
0xad: {  	[dreg:$0x0] =	wrdreg $0x60  }
0xae: {  	[dreg:$0x2] =	wrdreg s24  }
0xaf: {  	[dreg:$0x3] =	wrdreg $0x9  }
0xb0: {  	_ =	task.clear_ibuf [dreg:s6], $0x4FFFF;
	_ =	strace $0x90000052  }
0xb1: {  	s29 =	simm.s32 $0x9;
	_ =	strace $0x80000054  }
0xb2: {  	_ =	swait.ge [sflag:s29], $0x1  }
0xb3: {  	[sflag:s29] =	ssyncadd.s32 $0xFFFFFFFF  }
0xb4: {  	_ =	strace $0x90000054  }
0xb5: {  	_ =	sfence  }
0xb6: {  	s30 =	sld [smem:$0x0];
	_ =	sdelay $0x2  }
0xb7: {  	s31 =	sshll.u32 s1, $0xD;
	s1 =	sshrl.u32 s1, $0x2  }
0xb8: {  	s3 =	sand.u32 $0x4000, s31;
	s1 =	sadd.s32 s1, s30  }
0xb9: {  	s0 =	sor.u32 s3, s0;
	s1 =	sshll.u32 s1, $0x11  }
0xba: {  	s0 =	sor.u32 s1, s0  }
0xbb: {  	s0 =	sadd.s32 $0x8F2B, s0  }
0xbc: {  	[sflag:s0] =	ssyncadd.remote.s32 $0x1  }
0xbd: {  	_ =	sfence.sel $0xFFFF  }
0xbe: {  	[dreg:$0x0] =	wrdreg $0xFFFFFFFF;
	(pc) =	sbr.abs _section_cstart, $3  }
0xbf: {  	[dreg:$0x1] =	wrdreg $0xFFFFFFFF  }
0xc0: {  	_ =	task.clear_ibuf [dreg:s6], $0x2FFFF;
	_ =	strace $0x9FFFFFFF  }
0xc1: {  	(tm) =	ssettm $0x7FFFFFFF  }
tec
execute0_lowered:
.L_overlay_start_1:
0x0: {  	(tag) =	ssettag $0x1  }
0x1: {  	s5 =	rddreg [dreg:$0x0]  }
0x2: {  	s0 =	rddreg [dreg:$0x1];
	s1 =	simm.s32 $0x0  }
0x3: {  	s2 =	srdreg.scid;
	s10 =	simm.s32 $0x1;
	s11 =	simm.s32 $0x13C80  }
0x4: {  	s12 =	simm.s32 $0x2;
	s13 =	simm.s32 $0x0;
	[smem:$0x7FF] =	sst s1  }
0x5: {  	s6 =	sand.u32 $0x1, s2;
	s2 =	stileid.u32;
	s3 =	sadd.s32 $0x34F400, s5  }
0x6: {  	s4 =	sadd.s32 $0x5A00, s5;
	s5 =	sadd.s32 $0x7400, s5;
	s7 =	ssub.s32 $0x2, s6  }
0x7: {  	_ =	strace $0x80000053;
	s9 =	sshll.u32 s2, $0x1;
	s8 =	sshrl.u32 s7, $0x1  }
0x8: {  	s6 =	sor.u32 s6, s9;
	s9 =	simm.s32 $0x9C80;
	s7 =	ssub.s32 s7, s8  }
0x9: {  	v0 =	vimm.f32 $0.0e+00;
	s6 =	smul.u32 $0x54, s6;
	s8 =	simm.s32 $0x3;
	s7 =	smax.u32 s7, $0x1  }
.LBB2_1:
0xa: {  	[tilespmem:s1], [sflag:$0x3] =	stream.linear.gather [hbm4b:s4+s1], $0x9C80, $0x38;
	[tilespmem:$0x1DC80] =	vst v63  }
0xb: {  	_ =	swait.ge [sflag:s8], $0x9C80  }
0xc: {  	[sflag:s8] =	ssyncset.done $0x0  }
0xd: {  	s14 =	simm.s32 $0x0;
	[sflag:s8] =	ssyncadd.s32 $0xFFFF6380  }
.LBB2_2:
0xe: {  	s15 =	sshll.u32 s14, $0x2  }
0xf: {  	s15 =	sadd.s32 s6, s15  }
0x10: {  	s15 =	smul.u32 $0x500, s15;
	_ =	sdelay $0x1  }
0x11: {  	p0 =	seq.s32 s14, $0x0;
	s16 =	sadd.s32 s3, s15  }
0x12: {  	[tilespmem:s9], [sflag:$0x1] =	stream.linear.gather [hbm4b:s16+s1], $0xA000, $0x38;
	[tilespmem:$0x1DC80] =	vst v63  }
0x13: {  	s16 =	simm.s32 @!p0 $0x2  }
0x14: {  	_ =	swait.ge @!p0 [sflag:s16], $0xA000  }
0x15: {  	[sflag:s16] =	ssyncset.done @!p0 $0x0  }
0x16: {  	[sflag:s16] =	ssyncadd.s32 @!p0 $0xFFFF6000;
	s16 =	simm.s32 $0x13CA0  }
0x17: {  	[tilespmem:s16+$0xFFFFFFE0] =	vst v0  }
0x18: {  	[tilespmem:s16+$0x10] =	vst v0  }
0x19: {  	s17 =	simm.s32 $0x0;
	[tilespmem:s16+$0x0] =	vst v0  }
.LBB2_3:
0x1a: {  	s17 =	sadd.s32 $0x4, s17  }
0x1b: {  	[tilespmem:s16+$0xFFFFFFF0] =	vst v0;
	s16 =	sadd.s32 $0x40, s16;
	p0 =	slt.u32 s17, $0x9FC  }
.Ltmp0:
0x1c: {  	[tilespmem:s16+$0xFFFFFFE0] =	vst v0;
	(pc) =	sbr.rel @p0 .LBB2_3-.Ltmp0, $3  }
0x1d: {  	_ =	sdelay $0x1  }
0x1e: {  	[tilespmem:s16+$0x10] =	vst v0  }
0x1f: {  	[tilespmem:s16+$0x0] =	vst v0  }
0x20: {  	[tilespmem:s16+$0xFFFFFFF0] =	vst v0  }
0x21: {  	_ =	swait.ge [sflag:s10], $0xA000  }
0x22: {  	[sflag:s10] =	ssyncset.done $0x0  }
0x23: {  	s31 =	simm.s32 $0x40;
	[sflag:s10] =	ssyncadd.s32 $0xFFFF6000  }
0x24: {  	v5 =	vld [tilespmem:s31+$0x30]  }
0x25: {  	v1 =	vld [tilespmem:s31+$0xFFFFFFC0]  }
0x26: {  	v6 =	vld [tilespmem:s31+$0x20]  }
0x27: {  	v11 =	vld [tilespmem:s31+$0x10]  }
0x28: {  	v12 =	vld [tilespmem:s31+$0x0]  }
0x29: {  	v18 =	vld [tilespmem:s31+$0xFFFFFFE0]  }
0x2a: {  	v24 =	vld [tilespmem:s31+$0xFFFFFFD0];
	v14 =	vshrl.u32 v5, $0xE  }
0x2b: {  	v26 =	vld [tilespmem:s31+$0xFFFFFFF0];
	v4 =	vand.u32 $0x3FFF, v1;
	v2 =	vshrl.u32 v1, $0xE;
	v3 =	vand.u32 $0x7F, v1  }
0x2c: {  	v28 =	vand.u32 $0x3FFF, v5;
	v30 =	vand.u32 $0x7F, v5;
	v10 =	vand.u32 $0x3FFF, v6  }
0x2d: {  	v7 =	vshrl.u32 v6, $0xE;
	v36 =	vand.u32 $0x3FFF, v11;
	v9 =	vand.u32 $0x7F, v6  }
0x2e: {  	v22 =	vshrl.u32 v11, $0xE;
	v13 =	vand.u32 $0x3FFF, v12;
	v8 =	vshrl.u32 v12, $0xE  }
0x2f: {  	v37 =	vand.u32 $0x3FFF, v18;
	v15 =	vand.u32 $0x7F, v18;
	v23 =	vand.u32 $0x3FFF, v24  }
0x30: {  	v27 =	vand.u32 $0x3FFF, v26;
	v21 =	vshrl.u32 v26, $0xE;
	v56 =	vshrl.u32 v18, $0xE  }
0x31: {  	v25 =	vand.u32 $0x7F, v11;
	v26 =	vand.u32 $0x7F, v26;
	v1 =	vand.u32 $0x7F, v2  }
0x32: {  	v5 =	vadd.s32 $0x5000, v28;
	v19 =	vadd.s32 $0x2800, v2;
	v16 =	vadd.s32 $0x2800, v4  }
0x33: {  	v6 =	vand.u32 $0x7F, v8;
	v32 =	vadd.s32 $0x2800, v37;
	v31 =	vadd.s32 $0x2800, v23  }
0x34: {  	v33 =	vadd.s32 $0x2800, v10;
	v34 =	vadd.s32 $0x5000, v23;
	v20 =	vand.u32 $0x7F, v21  }
0x35: {  	v40 =	vadd.s32 $0x2800, v28;
	v11 =	vadd.s32 $0x2800, v14;
	v18 =	vand.u32 $0x7F, v56  }
0x36: {  	v44 =	vadd.s32 $0x2800, v21;
	v45 =	vadd.s32 $0x5000, v36;
	v49 =	vadd.s32 $0x5000, v37;
	v39 =	vld.idx.msk [tilespmem:v4+s9+$0x0], $0xffff  }
0x37: {  	v60 =	vadd.s32 $0x2800, v27;
	v52 =	vadd.s32 $0x2800, v7;
	v61 =	vadd.s32 $0x2800, v56;
	v41 =	vld.idx.msk [tilespmem:v10+s9+$0x0], $0xffff  }
0x38: {  	v58 =	vadd.s32 $0x2800, v8;
	v29 =	vand.u32 $0xFF80, v5;
	v5 =	vadd.s32 $0x2800, v36;
	v42 =	vld.idx.msk [tilespmem:v28+s9+$0x0], $0xffff  }
0x39: {  	v17 =	vand.u32 $0x7F80, v16;
	v16 =	vshrl.u32 v24, $0xE;
	v33 =	vand.u32 $0x7F80, v33;
	v43 =	vld.idx.msk [tilespmem:v36+s9+$0x0], $0xffff  }
0x3a: {  	v46 =	vand.u32 $0xFF80, v34;
	v59 =	vand.u32 $0x7F80, v40;
	v31 =	vand.u32 $0x7F80, v31;
	v47 =	vld.idx.msk [tilespmem:v13+s9+$0x0], $0xffff  }
0x3b: {  	v48 =	vand.u32 $0x7FF80, v11;
	v11 =	vand.u32 $0x7F, v7;
	v62 =	vand.u32 $0x7FF80, v61;
	v40 =	vld.idx.msk [tilespmem:v23+s9+$0x0], $0xffff  }
0x3c: {  	v63 =	vand.u32 $0xFF80, v45;
	v55 =	vand.u32 $0x7FF80, v44;
	v44 =	vadd.s32 $0x2800, v13;
	v50 =	vld.idx.msk [tilespmem:v27+s9+$0x0], $0xffff  }
0x3d: {  	v32 =	vand.u32 $0x7F80, v32;
	v35 =	vor.u32 v3, v17;
	v38 =	vand.u32 $0x7F80, v5;
	[tilespmem:v14+s11+$0x0] =	vst.idx.add.f32.msk $0xffff, v42  }
0x3e: {  	v5 =	vand.u32 $0x7F, v12;
	v17 =	vand.u32 $0x7F, v14;
	v12 =	vand.u32 $0x7F, v24;
	[tilespmem:v7+s11+$0x0] =	vst.idx.add.f32.msk $0xffff, v41  }
0x3f: {  	v24 =	vadd.s32 $0x5000, v56;
	v51 =	vor.u32 v9, v33;
	v33 =	vand.u32 $0x7F80, v60;
	v41 =	vld.idx.msk [tilespmem:v37+s9+$0x0], $0xffff  }
0x40: {  	v53 =	vor.u32 v30, v59;
	v34 =	vor.u32 v20, v55;
	v59 =	vand.u32 $0x7FF80, v58;
	[tilespmem:v22+s11+$0x0] =	vst.idx.add.f32.msk $0xffff, v43  }
0x41: {  	v60 =	vand.u32 $0x7FF80, v52;
	v61 =	vadd.s32 $0x2800, v16;
	v55 =	vadd.s32 $0x5000, v7;
	[tilespmem:v16+s11+$0x0] =	vst.idx.add.f32.msk $0xffff, v40  }
0x42: {  	v58 =	vadd.s32 $0x5000, v14;
	v52 =	vadd.s32 $0x7800, v36;
	v24 =	vand.u32 $0x7FF80, v24;
	[tilespmem:v2+s11+$0x0] =	vst.idx.add.f32.msk $0xffff, v39  }
0x43: {  	v54 =	vor.u32 v25, v38;
	v38 =	vor.u32 v25, v63;
	v63 =	vand.u32 $0x7FF80, v61;
	[tilespmem:v8+s11+$0x0] =	vst.idx.add.f32.msk $0xffff, v47  }
0x44: {  	v42 =	vor.u32 v12, v31;
	v31 =	vand.u32 $0xFF80, v49;
	v49 =	vor.u32 v26, v33;
	[tilespmem:v21+s11+$0x0] =	vst.idx.add.f32.msk $0xffff, v50  }
0x45: {  	v40 =	vor.u32 v15, v32;
	v43 =	vld.idx.msk [tilespmem:v53+s9+$0x0], $0xffff;
	v53 =	vor.u32 v30, v29;
	v29 =	vadd.s32 $0x2800, v22  }
0x46: {  	v32 =	vand.u32 $0x7F, v22;
	v57 =	vld.idx.msk [tilespmem:v51+s9+$0x0], $0xffff;
	v51 =	vor.u32 v17, v48;
	v29 =	vand.u32 $0x7FF80, v29  }
0x47: {  	v58 =	vand.u32 $0x7FF80, v58;
	v24 =	vor.u32 v18, v24;
	v45 =	vor.u32 v32, v29;
	v29 =	vld.idx.msk [tilespmem:v35+s9+$0x0], $0xffff  }
0x48: {  	v28 =	vadd.s32 $0x7800, v28;
	v58 =	vor.u32 v17, v58;
	v36 =	vadd.s32 $0x7800, v56;
	[tilespmem:v56+s11+$0x0] =	vst.idx.add.f32.msk $0xffff, v41  }
0x49: {  	v28 =	vand.u32 $0xFF80, v28;
	v33 =	vor.u32 v18, v62;
	v39 =	vor.u32 v6, v59;
	v48 =	vld.idx.msk [tilespmem:v42+s9+$0x0], $0xffff  }
0x4a: {  	v47 =	vor.u32 v11, v60;
	v35 =	vor.u32 v12, v46;
	v46 =	vand.u32 $0x7F80, v44;
	v50 =	vld.idx.msk [tilespmem:v49+s9+$0x0], $0xffff  }
0x4b: {  	v62 =	vadd.s32 $0x5000, v27;
	v60 =	vadd.s32 $0x5000, v10;
	v46 =	vor.u32 v5, v46;
	[tilespmem:v51+s11+$0x0] =	vst.idx.add.f32.msk $0xffff, v43  }
0x4c: {  	v31 =	vor.u32 v15, v31;
	v61 =	vand.u32 $0xFF80, v62;
	v62 =	vadd.s32 $0x5000, v21;
	v59 =	vld.idx.msk [tilespmem:v53+s9+$0x0], $0xffff  }
0x4d: {  	v44 =	vadd.s32 $0x5000, v13;
	v51 =	vor.u32 v30, v28;
	v28 =	vand.u32 $0x7F, v16;
	v53 =	vld.idx.msk [tilespmem:v54+s9+$0x0], $0xffff  }
0x4e: {  	v41 =	vadd.s32 $0x5000, v22;
	v30 =	vand.u32 $0x7FF80, v55;
	v49 =	vld.idx.msk [tilespmem:v40+s9+$0x0], $0xffff;
	v54 =	vor.u32 v28, v63  }
0x4f: {  	v42 =	vor.u32 v26, v61;
	v40 =	vand.u32 $0x7FF80, v62;
	[tilespmem:v47+s11+$0x0] =	vst.idx.add.f32.msk $0xffff, v57;
	v30 =	vor.u32 v11, v30  }
0x50: {  	v63 =	vand.u32 $0xFF80, v60;
	v60 =	vadd.s32 $0x7800, v37;
	v37 =	vor.u32 v20, v40;
	v55 =	vld.idx.msk [tilespmem:v46+s9+$0x0], $0xffff  }
0x51: {  	s16 =	simm.s32 $0x0;
	s17 =	simm.s32 $0xC0;
	v43 =	vor.u32 v9, v63;
	v47 =	vand.u32 $0xFF80, v60;
	v46 =	vadd.s32 $0x5000, v16;
	[tilespmem:v58+s11+$0x0] =	vst.idx.add.f32.msk $0xffff, v59  }
.LBB2_5:
0x52: {  	s16 =	sadd.s32 $0x8, s16;
	v23 =	vadd.s32 $0x7800, v23;
	v27 =	vadd.s32 $0x7800, v27;
	[tilespmem:v45+s11+$0x0] =	vst.idx.add.f32.msk $0xffff, v53;
	v22 =	vadd.s32 $0x7800, v22  }
0x53: {  	v19 =	vand.u32 $0x7FF80, v19;
	v40 =	vadd.s32 $0x5000, v8;
	v14 =	vadd.s32 $0x7800, v14;
	p0 =	slt.u32 s16, $0x9B8;
	[tilespmem:v54+s11+$0x0] =	vst.idx.add.f32.msk $0xffff, v48  }
0x54: {  	v21 =	vadd.s32 $0x7800, v21;
	v19 =	vor.u32 v1, v19;
	v40 =	vand.u32 $0x7FF80, v40;
	v38 =	vld.idx.msk [tilespmem:v38+s9+$0x0], $0xffff  }
0x55: {  	v45 =	vadd.s32 $0x5000, v4;
	v21 =	vand.u32 $0x7FF80, v21;
	v40 =	vor.u32 v6, v40;
	v48 =	vld.idx.msk [tilespmem:v51+s9+$0x0], $0xffff  }
0x56: {  	v16 =	vadd.s32 $0x7800, v16;
	v45 =	vand.u32 $0xFF80, v45;
	v20 =	vor.u32 v20, v21;
	[tilespmem:v39+s11+$0x0] =	vst.idx.add.f32.msk $0xffff, v55  }
0x57: {  	v44 =	vand.u32 $0xFF80, v44;
	v13 =	vadd.s32 $0x7800, v13;
	v39 =	vor.u32 v3, v45;
	v21 =	vld [tilespmem:s17+$0x20]  }
0x58: {  	v41 =	vand.u32 $0x7FF80, v41;
	v10 =	vadd.s32 $0x7800, v10;
	v44 =	vor.u32 v5, v44;
	[tilespmem:v34+s11+$0x0] =	vst.idx.add.f32.msk $0xffff, v50  }
0x59: {  	v7 =	vadd.s32 $0x7800, v7;
	v41 =	vor.u32 v32, v41;
	v10 =	vand.u32 $0xFF80, v10;
	v34 =	vld [tilespmem:s17+$0x10]  }
0x5a: {  	v4 =	vadd.s32 $0x7800, v4;
	v9 =	vor.u32 v9, v10;
	v45 =	vadd.s32 $0x5000, v2;
	[tilespmem:v33+s11+$0x0] =	vst.idx.add.f32.msk $0xffff, v49  }
0x5b: {  	v8 =	vadd.s32 $0x7800, v8;
	v4 =	vand.u32 $0xFF80, v4;
	v33 =	vand.u32 $0x7FF80, v45;
	v10 =	vld [tilespmem:s17+$0xFFFFFFC0]  }
0x5c: {  	v49 =	vor.u32 v3, v4;
	v4 =	vand.u32 $0xFF80, v52;
	v45 =	vor.u32 v1, v33;
	v3 =	vld.idx.msk [tilespmem:v31+s9+$0x0], $0xffff  }
0x5d: {  	v8 =	vand.u32 $0x7FF80, v8;
	v2 =	vadd.s32 $0x7800, v2;
	v4 =	vor.u32 v25, v4;
	v44 =	vld.idx.msk [tilespmem:v44+s9+$0x0], $0xffff  }
0x5e: {  	v2 =	vand.u32 $0x7FF80, v2;
	v33 =	vor.u32 v6, v8;
	v25 =	vld.idx.msk [tilespmem:v42+s9+$0x0], $0xffff  }
0x5f: {  	v31 =	vor.u32 v1, v2;
	v1 =	vld.idx.msk [tilespmem:v43+s9+$0x0], $0xffff  }
0x60: {  	v6 =	vand.u32 $0x7FF80, v46;
	v8 =	vor.u32 v15, v47;
	v2 =	vld.idx.msk [tilespmem:v35+s9+$0x0], $0xffff  }
0x61: {  	v6 =	vor.u32 v28, v6;
	[tilespmem:v41+s11+$0x0] =	vst.idx.add.f32.msk $0xffff, v38  }
0x62: {  	v14 =	vand.u32 $0x7FF80, v14;
	v4 =	vld.idx.msk [tilespmem:v4+s9+$0x0], $0xffff  }
0x63: {  	v27 =	vand.u32 $0xFF80, v27;
	v14 =	vor.u32 v17, v14;
	v15 =	vld [tilespmem:s17+$0x30]  }
0x64: {  	v17 =	vand.u32 $0x7FF80, v22;
	[tilespmem:v24+s11+$0x0] =	vst.idx.add.f32.msk $0xffff, v3;
	v3 =	vor.u32 v26, v27  }
0x65: {  	v22 =	vand.u32 $0x7FF80, v36;
	v17 =	vor.u32 v32, v17;
	v8 =	vld.idx.msk [tilespmem:v8+s9+$0x0], $0xffff  }
0x66: {  	[tilespmem:v6+s11+$0x0] =	vst.idx.add.f32.msk $0xffff, v2;
	v2 =	vor.u32 v18, v22  }
0x67: {  	[tilespmem:v37+s11+$0x0] =	vst.idx.add.f32.msk $0xffff, v25  }
0x68: {  	[tilespmem:v14+s11+$0x0] =	vst.idx.add.f32.msk $0xffff, v48  }
0x69: {  	v6 =	vand.u32 $0xFF80, v23;
	v18 =	vld.idx.msk [tilespmem:v3+s9+$0x0], $0xffff  }
0x6a: {  	v3 =	vor.u32 v12, v6;
	[tilespmem:v17+s11+$0x0] =	vst.idx.add.f32.msk $0xffff, v4  }
0x6b: {  	[tilespmem:v2+s11+$0x0] =	vst.idx.add.f32.msk $0xffff, v8  }
0x6c: {  	[tilespmem:v19+s11+$0x0] =	vst.idx.add.f32.msk $0xffff, v29  }
0x6d: {  	v12 =	vld [tilespmem:s17+$0xFFFFFFD0]  }
0x6e: {  	[tilespmem:v40+s11+$0x0] =	vst.idx.add.f32.msk $0xffff, v44  }
0x6f: {  	v17 =	vld.idx.msk [tilespmem:v3+s9+$0x0], $0xffff  }
0x70: {  	v2 =	vand.u32 $0xFF80, v13;
	v6 =	vld.idx.msk [tilespmem:v39+s9+$0x0], $0xffff  }
0x71: {  	v5 =	vor.u32 v5, v2;
	v2 =	vand.u32 $0x7FF80, v7;
	v3 =	vand.u32 $0x7FF80, v16;
	v26 =	vld [tilespmem:s17+$0xFFFFFFF0]  }
0x72: {  	v14 =	vshrl.u32 v15, $0xE;
	v11 =	vor.u32 v11, v2;
	v16 =	vor.u32 v28, v3;
	[tilespmem:v30+s11+$0x0] =	vst.idx.add.f32.msk $0xffff, v1  }
0x73: {  	v4 =	vand.u32 $0x3FFF, v10;
	v2 =	vshrl.u32 v10, $0xE;
	v3 =	vand.u32 $0x7F, v10;
	v24 =	vld [tilespmem:s17+$0x0]  }
0x74: {  	v28 =	vand.u32 $0x7F, v15;
	v1 =	vand.u32 $0x7F, v2;
	v30 =	vand.u32 $0x3FFF, v15;
	v25 =	vld [tilespmem:s17+$0xFFFFFFE0]  }
0x75: {  	v7 =	vshrl.u32 v21, $0xE;
	v10 =	vand.u32 $0x3FFF, v21;
	v8 =	vadd.s32 $0x5000, v30;
	v29 =	vld.idx.msk [tilespmem:v9+s9+$0x0], $0xffff  }
0x76: {  	v36 =	vand.u32 $0x3FFF, v34;
	v32 =	vand.u32 $0xFF80, v8;
	v9 =	vand.u32 $0x7F, v21;
	[tilespmem:v20+s11+$0x0] =	vst.idx.add.f32.msk $0xffff, v18  }
0x77: {  	v22 =	vshrl.u32 v34, $0xE;
	v19 =	vadd.s32 $0x2800, v2;
	v18 =	vadd.s32 $0x2800, v36;
	v35 =	vld.idx.msk [tilespmem:v5+s9+$0x0], $0xffff  }
0x78: {  	v5 =	vadd.s32 $0x2800, v4;
	v13 =	vand.u32 $0x3FFF, v24;
	v8 =	vshrl.u32 v24, $0xE;
	[tilespmem:v45+s11+$0x0] =	vst.idx.add.f32.msk $0xffff, v6  }
0x79: {  	v37 =	vand.u32 $0x3FFF, v25;
	v15 =	vand.u32 $0x7F, v25;
	v6 =	vand.u32 $0x7F, v8;
	[tilespmem:v16+s11+$0x0] =	vst.idx.add.f32.msk $0xffff, v17  }
0x7a: {  	v23 =	vand.u32 $0x3FFF, v12;
	v5 =	vand.u32 $0x7F80, v5;
	v16 =	vshrl.u32 v12, $0xE;
	v38 =	vld.idx.msk [tilespmem:v49+s9+$0x0], $0xffff  }
0x7b: {  	v43 =	vand.u32 $0x7F80, v18;
	v41 =	vor.u32 v3, v5;
	v42 =	vadd.s32 $0x2800, v37;
	v39 =	vld.idx.msk [tilespmem:v4+s9+$0x0], $0xffff  }
0x7c: {  	v44 =	vadd.s32 $0x2800, v23;
	v27 =	vand.u32 $0x3FFF, v26;
	v5 =	vand.u32 $0x7F, v24;
	v45 =	vld.idx.msk [tilespmem:v10+s9+$0x0], $0xffff  }
0x7d: {  	v21 =	vshrl.u32 v26, $0xE;
	v24 =	vadd.s32 $0x2800, v10;
	v17 =	vand.u32 $0x7F, v14;
	v46 =	vld.idx.msk [tilespmem:v30+s9+$0x0], $0xffff  }
0x7e: {  	v47 =	vadd.s32 $0x5000, v23;
	v48 =	vadd.s32 $0x2800, v30;
	v20 =	vand.u32 $0x7F, v21;
	[tilespmem:v11+s11+$0x0] =	vst.idx.add.f32.msk $0xffff, v29  }
0x7f: {  	v40 =	vshrl.u32 v25, $0xE;
	v25 =	vand.u32 $0x7F, v34;
	v11 =	vadd.s32 $0x2800, v14;
	v29 =	vld.idx.msk [tilespmem:v36+s9+$0x0], $0xffff  }
0x80: {  	v12 =	vand.u32 $0x7F, v12;
	v18 =	vand.u32 $0x7F, v40;
	v34 =	vand.u32 $0x7F80, v24;
	[tilespmem:v33+s11+$0x0] =	vst.idx.add.f32.msk $0xffff, v35  }
0x81: {  	v24 =	vadd.s32 $0x5000, v40;
	v35 =	vadd.s32 $0x2800, v21;
	v33 =	vadd.s32 $0x5000, v36;
	[tilespmem:v31+s11+$0x0] =	vst.idx.add.f32.msk $0xffff, v38  }
0x82: {  	v47 =	vand.u32 $0xFF80, v47;
	v24 =	vand.u32 $0x7FF80, v24;
	v38 =	vand.u32 $0x7F80, v48;
	v49 =	vld.idx.msk [tilespmem:v13+s9+$0x0], $0xffff  }
0x83: {  	v24 =	vor.u32 v18, v24;
	v31 =	vand.u32 $0x7F80, v44;
	v44 =	vand.u32 $0x7FF80, v11;
	v48 =	vld.idx.msk [tilespmem:v23+s9+$0x0], $0xffff  }
0x84: {  	v50 =	vadd.s32 $0x5000, v37;
	v34 =	vor.u32 v9, v34;
	v11 =	vand.u32 $0x7F, v7;
	v51 =	vld.idx.msk [tilespmem:v27+s9+$0x0], $0xffff  }
0x85: {  	v53 =	vadd.s32 $0x2800, v7;
	v26 =	vand.u32 $0x7F, v26;
	v52 =	vadd.s32 $0x2800, v27;
	[tilespmem:v14+s11+$0x0] =	vst.idx.add.f32.msk $0xffff, v46  }
0x86: {  	v46 =	vor.u32 v12, v31;
	v31 =	vand.u32 $0xFF80, v50;
	v50 =	vand.u32 $0x7F80, v52;
	[tilespmem:v7+s11+$0x0] =	vst.idx.add.f32.msk $0xffff, v45  }
0x87: {  	v54 =	vor.u32 v28, v38;
	v52 =	vadd.s32 $0x2800, v40;
	v31 =	vor.u32 v15, v31;
	v45 =	vld.idx.msk [tilespmem:v37+s9+$0x0], $0xffff  }
0x88: {  	v38 =	vand.u32 $0x7FF80, v52;
	v50 =	vor.u32 v26, v50;
	[tilespmem:v22+s11+$0x0] =	vst.idx.add.f32.msk $0xffff, v29;
	v29 =	vand.u32 $0xFF80, v33  }
0x89: {  	v35 =	vand.u32 $0x7FF80, v35;
	v52 =	vadd.s32 $0x2800, v13;
	v33 =	vor.u32 v18, v38;
	v56 =	vld.idx.msk [tilespmem:v34+s9+$0x0], $0xffff  }
0x8a: {  	v43 =	vor.u32 v25, v43;
	v34 =	vor.u32 v20, v35;
	v35 =	vadd.s32 $0x2800, v8;
	[tilespmem:v16+s11+$0x0] =	vst.idx.add.f32.msk $0xffff, v48  }
0x8b: {  	v38 =	vor.u32 v25, v29;
	v35 =	vand.u32 $0x7FF80, v35;
	[tilespmem:v2+s11+$0x0] =	vst.idx.add.f32.msk $0xffff, v39;
	v39 =	vand.u32 $0x7F80, v42  }
0x8c: {  	v57 =	vor.u32 v28, v32;
	v55 =	vor.u32 v17, v44;
	v42 =	vor.u32 v15, v39;
	v54 =	vld.idx.msk [tilespmem:v54+s9+$0x0], $0xffff  }
0x8d: {  	v29 =	vadd.s32 $0x2800, v22;
	v39 =	vor.u32 v6, v35;
	v35 =	vand.u32 $0x7FF80, v53;
	[tilespmem:v8+s11+$0x0] =	vst.idx.add.f32.msk $0xffff, v49  }
0x8e: {  	v32 =	vand.u32 $0x7F, v22;
	v29 =	vand.u32 $0x7FF80, v29;
	v58 =	vor.u32 v11, v35;
	[tilespmem:v40+s11+$0x0] =	vst.idx.add.f32.msk $0xffff, v45  }
0x8f: {  	v59 =	vadd.s32 $0x5000, v27;
	v35 =	vadd.s32 $0x2800, v16;
	v45 =	vor.u32 v32, v29;
	[tilespmem:v21+s11+$0x0] =	vst.idx.add.f32.msk $0xffff, v51  }
0x90: {  	v60 =	vadd.s32 $0x5000, v7;
	v49 =	vand.u32 $0x7FF80, v35;
	v51 =	vadd.s32 $0x5000, v14;
	v29 =	vld.idx.msk [tilespmem:v41+s9+$0x0], $0xffff  }
0x91: {  	v30 =	vadd.s32 $0x7800, v30;
	v35 =	vor.u32 v12, v47;
	v41 =	vand.u32 $0x7F80, v52;
	v48 =	vld.idx.msk [tilespmem:v46+s9+$0x0], $0xffff  }
0x92: {  	v30 =	vand.u32 $0xFF80, v30;
	v44 =	vadd.s32 $0x5000, v13;
	v46 =	vor.u32 v5, v41;
	[tilespmem:v55+s11+$0x0] =	vst.idx.add.f32.msk $0xffff, v54  }
0x93: {  	v47 =	vand.u32 $0x7FF80, v51;
	v51 =	vor.u32 v28, v30;
	v41 =	vadd.s32 $0x5000, v22;
	v57 =	vld.idx.msk [tilespmem:v57+s9+$0x0], $0xffff  }
0x94: {  	v28 =	vand.u32 $0x7F, v16;
	v30 =	vand.u32 $0x7FF80, v60;
	v60 =	vor.u32 v17, v47;
	v53 =	vld.idx.msk [tilespmem:v43+s9+$0x0], $0xffff  }
.Ltmp1:
0x95: {  	v30 =	vor.u32 v11, v30;
	v54 =	vor.u32 v28, v49;
	v43 =	vadd.s32 $0x5000, v10;
	v50 =	vld.idx.msk [tilespmem:v50+s9+$0x0], $0xffff;
	(pc) =	sbr.rel @p0 .LBB2_5-.Ltmp1, $4  }
0x96: {  	v47 =	vadd.s32 $0x5000, v21;
	v43 =	vand.u32 $0xFF80, v43;
	v49 =	vld.idx.msk [tilespmem:v42+s9+$0x0], $0xffff;
	v42 =	vand.u32 $0xFF80, v59  }
0x97: {  	v47 =	vand.u32 $0x7FF80, v47;
	v43 =	vor.u32 v9, v43;
	v42 =	vor.u32 v26, v42;
	v55 =	vld.idx.msk [tilespmem:v46+s9+$0x0], $0xffff  }
0x98: {  	v52 =	vadd.s32 $0x7800, v36;
	v59 =	vadd.s32 $0x7800, v37;
	v37 =	vor.u32 v20, v47;
	[tilespmem:v58+s11+$0x0] =	vst.idx.add.f32.msk $0xffff, v56  }
0x99: {  	s17 =	sadd.s32 $0x80, s17;
	v36 =	vadd.s32 $0x7800, v40;
	v46 =	vadd.s32 $0x5000, v16;
	v47 =	vand.u32 $0xFF80, v59;
	[tilespmem:v60+s11+$0x0] =	vst.idx.add.f32.msk $0xffff, v57  }
0x9a: {  	_ =	sdelay $0x3  }
0x9b: {  	[tilespmem:v45+s11+$0x0] =	vst.idx.add.f32.msk $0xffff, v53  }
0x9c: {  	[tilespmem:v54+s11+$0x0] =	vst.idx.add.f32.msk $0xffff, v48  }
0x9d: {  	v59 =	vld.idx.msk [tilespmem:v51+s9+$0x0], $0xffff  }
0x9e: {  	[tilespmem:v34+s11+$0x0] =	vst.idx.add.f32.msk $0xffff, v50  }
0x9f: {  	v45 =	vld.idx.msk [tilespmem:v43+s9+$0x0], $0xffff  }
0xa0: {  	v38 =	vld.idx.msk [tilespmem:v38+s9+$0x0], $0xffff  }
0xa1: {  	v40 =	vand.u32 $0xFF80, v44;
	[tilespmem:v33+s11+$0x0] =	vst.idx.add.f32.msk $0xffff, v49  }
0xa2: {  	v60 =	vand.u32 $0x7FF80, v41;
	v40 =	vor.u32 v5, v40;
	v63 =	vld.idx.msk [tilespmem:v42+s9+$0x0], $0xffff  }
0xa3: {  	v46 =	vand.u32 $0x7FF80, v46;
	v61 =	vor.u32 v32, v60;
	v35 =	vld.idx.msk [tilespmem:v35+s9+$0x0], $0xffff  }
0xa4: {  	v41 =	vor.u32 v28, v46;
	[tilespmem:v39+s11+$0x0] =	vst.idx.add.f32.msk $0xffff, v55  }
0xa5: {  	v19 =	vand.u32 $0x7FF80, v19;
	v31 =	vld.idx.msk [tilespmem:v31+s9+$0x0], $0xffff  }
0xa6: {  	v62 =	vand.u32 $0xFF80, v52;
	v19 =	vor.u32 v1, v19;
	[tilespmem:v30+s11+$0x0] =	vst.idx.add.f32.msk $0xffff, v45  }
0xa7: {  	v14 =	vadd.s32 $0x7800, v14;
	v25 =	vor.u32 v25, v62;
	v39 =	vld.idx.msk [tilespmem:v40+s9+$0x0], $0xffff  }
0xa8: {  	v15 =	vor.u32 v15, v47;
	v27 =	vadd.s32 $0x7800, v27;
	v14 =	vand.u32 $0x7FF80, v14;
	[tilespmem:v61+s11+$0x0] =	vst.idx.add.f32.msk $0xffff, v38  }
0xa9: {  	v23 =	vadd.s32 $0x7800, v23;
	v27 =	vand.u32 $0xFF80, v27;
	v14 =	vor.u32 v17, v14;
	[tilespmem:v41+s11+$0x0] =	vst.idx.add.f32.msk $0xffff, v35  }
0xaa: {  	v10 =	vadd.s32 $0x7800, v10;
	v23 =	vand.u32 $0xFF80, v23;
	v47 =	vor.u32 v26, v27;
	[tilespmem:v37+s11+$0x0] =	vst.idx.add.f32.msk $0xffff, v63  }
0xab: {  	v10 =	vand.u32 $0xFF80, v10;
	v12 =	vor.u32 v12, v23;
	[tilespmem:v19+s11+$0x0] =	vst.idx.add.f32.msk $0xffff, v29  }
0xac: {  	v51 =	vadd.s32 $0x5000, v4;
	v9 =	vor.u32 v9, v10;
	v25 =	vld.idx.msk [tilespmem:v25+s9+$0x0], $0xffff  }
0xad: {  	v22 =	vadd.s32 $0x7800, v22;
	v26 =	vand.u32 $0xFF80, v51;
	[tilespmem:v24+s11+$0x0] =	vst.idx.add.f32.msk $0xffff, v31  }
0xae: {  	v22 =	vand.u32 $0x7FF80, v22;
	v49 =	vadd.s32 $0x5000, v8;
	v52 =	vor.u32 v3, v26;
	[tilespmem:v14+s11+$0x0] =	vst.idx.add.f32.msk $0xffff, v59  }
0xaf: {  	v58 =	vadd.s32 $0x7800, v21;
	v22 =	vor.u32 v32, v22;
	v50 =	vand.u32 $0x7FF80, v49;
	v17 =	vld.idx.msk [tilespmem:v47+s9+$0x0], $0xffff  }
0xb0: {  	v13 =	vadd.s32 $0x7800, v13;
	v10 =	vand.u32 $0x7FF80, v58;
	v24 =	vor.u32 v6, v50;
	v60 =	vld.idx.msk [tilespmem:v12+s9+$0x0], $0xffff  }
0xb1: {  	v53 =	vadd.s32 $0x5000, v2;
	v54 =	vand.u32 $0xFF80, v13;
	v10 =	vor.u32 v20, v10;
	v9 =	vld.idx.msk [tilespmem:v9+s9+$0x0], $0xffff  }
0xb2: {  	v56 =	vand.u32 $0x7FF80, v53;
	v55 =	vadd.s32 $0x7800, v4;
	v57 =	vor.u32 v5, v54;
	v15 =	vld.idx.msk [tilespmem:v15+s9+$0x0], $0xffff  }
0xb3: {  	v7 =	vadd.s32 $0x7800, v7;
	v13 =	vor.u32 v1, v56;
	v4 =	vand.u32 $0xFF80, v55;
	v14 =	vld.idx.msk [tilespmem:v52+s9+$0x0], $0xffff  }
0xb4: {  	v7 =	vand.u32 $0x7FF80, v7;
	v3 =	vor.u32 v3, v4;
	[tilespmem:v22+s11+$0x0] =	vst.idx.add.f32.msk $0xffff, v25  }
0xb5: {  	v48 =	vand.u32 $0x7FF80, v36;
	v7 =	vor.u32 v11, v7;
	v59 =	vadd.s32 $0x7800, v16;
	[tilespmem:v24+s11+$0x0] =	vst.idx.add.f32.msk $0xffff, v39  }
0xb6: {  	v18 =	vor.u32 v18, v48;
	v62 =	vadd.s32 $0x7800, v8;
	v61 =	vand.u32 $0x7FF80, v59;
	[tilespmem:v10+s11+$0x0] =	vst.idx.add.f32.msk $0xffff, v17  }
0xb7: {  	v2 =	vadd.s32 $0x7800, v2;
	v8 =	vand.u32 $0x7FF80, v62;
	v12 =	vor.u32 v28, v61;
	v5 =	vld.idx.msk [tilespmem:v57+s9+$0x0], $0xffff  }
0xb8: {  	v2 =	vand.u32 $0x7FF80, v2;
	v63 =	vor.u32 v6, v8;
	[tilespmem:v13+s11+$0x0] =	vst.idx.add.f32.msk $0xffff, v14  }
0xb9: {  	v1 =	vor.u32 v1, v2;
	v2 =	vld.idx.msk [tilespmem:v3+s9+$0x0], $0xffff  }
0xba: {  	[tilespmem:v7+s11+$0x0] =	vst.idx.add.f32.msk $0xffff, v9  }
0xbb: {  	[tilespmem:v18+s11+$0x0] =	vst.idx.add.f32.msk $0xffff, v15  }
0xbc: {  	[tilespmem:v12+s11+$0x0] =	vst.idx.add.f32.msk $0xffff, v60  }
0xbd: {  	[tilespmem:v63+s11+$0x0] =	vst.idx.add.f32.msk $0xffff, v5  }
0xbe: {  	s16 =	simm.s32 $0x0;
	[tilespmem:v1+s11+$0x0] =	vst.idx.add.f32.msk $0xffff, v2  }
.LBB2_7:
0xbf: {  	s17 =	sshra.s32 s16, $0x2  }
0xc0: {  	v1 =	vld [tilespmem:s17+$0x9C00];
	_ =	sdelay $0x4  }
0xc1: {  	v2 =	vand.u32 $0x3FFF, v1;
	_ =	sdelay $0x3  }
0xc2: {  	v3 =	vadd.s32 $0x2800, v2  }
0xc3: {  	v4 =	vshrl.u32 v1, $0xE;
	v1 =	vand.u32 $0x7F, v1;
	v3 =	vand.u32 $0x7F80, v3;
	v5 =	vld.idx.msk [tilespmem:v2+s9+$0x0], $0xffff  }
0xc4: {  	v3 =	vor.u32 v1, v3;
	_ =	sdelay $0x2  }
0xc5: {  	v6 =	vadd.s32 $0x2800, v4  }
0xc6: {  	v7 =	vand.u32 $0x7F, v4;
	v63 =	vadd.s32 $0x5000, v2;
	v62 =	vand.u32 $0x7FF80, v6;
	[tilespmem:v4+s11+$0x0] =	vst.idx.add.f32.msk $0xffff, v5  }
0xc7: {  	v6 =	vand.u32 $0xFF80, v63;
	v5 =	vor.u32 v7, v62;
	v3 =	vld.idx.msk [tilespmem:v3+s9+$0x0], $0xffff  }
0xc8: {  	v6 =	vor.u32 v1, v6;
	_ =	sdelay $0x2  }
0xc9: {  	v8 =	vadd.s32 $0x5000, v4  }
0xca: {  	v2 =	vadd.s32 $0x7800, v2;
	[tilespmem:v5+s11+$0x0] =	vst.idx.add.f32.msk $0xffff, v3;
	v3 =	vand.u32 $0x7FF80, v8  }
0xcb: {  	v2 =	vand.u32 $0xFF80, v2;
	v5 =	vld.idx.msk [tilespmem:v6+s9+$0x0], $0xffff;
	v3 =	vor.u32 v7, v3  }
0xcc: {  	v1 =	vor.u32 v1, v2;
	_ =	sdelay $0x2  }
0xcd: {  	v2 =	vadd.s32 $0x7800, v4  }
0xce: {  	v2 =	vand.u32 $0x7FF80, v2;
	[tilespmem:v3+s11+$0x0] =	vst.idx.add.f32.msk $0xffff, v5  }
0xcf: {  	p0 =	sne.s32 s16, $0xC0;
	v2 =	vor.u32 v7, v2;
	v1 =	vld.idx.msk [tilespmem:v1+s9+$0x0], $0xffff  }
.Ltmp2:
0xd0: {  	_ = 	snop;
	(pc) =	sbr.rel @p0 .LBB2_7-.Ltmp2, $2  }
0xd1: {  	_ =	sdelay $0x2  }
0xd2: {  	s16 =	sadd.s32 $0x40, s16;
	[tilespmem:v2+s11+$0x0] =	vst.idx.add.f32.msk $0xffff, v1  }
0xd3: {  	s14 =	sadd.s32 $0x1, s14  }
0xd4: {  	p0 =	sne.s32 s14, $0x15  }
.Ltmp3:
0xd5: {  	_ = 	snop;
	(pc) =	sbr.rel @p0 .LBB2_2-.Ltmp3, $3  }
0xd6: {  	_ =	sdelay $0x1  }
0xd7: {  	s15 =	sadd.s32 s5, s15  }
0xd8: {  	[hbm4b:s15+s1] =	stream.linear.scatter [tilespmem:s11], [sflag:$0x2], $0xA000, $0x38;
	[tilespmem:$0x1DC80] =	vst v63  }
0xd9: {  	s13 =	sadd.s32 $0x1, s13  }
0xda: {  	p0 =	sne.s32 s13, s7  }
.Ltmp4:
0xdb: {  	_ = 	snop;
	(pc) =	sbr.rel @p0 .LBB2_1-.Ltmp4, $4  }
0xdc: {  	_ = 	snop  }
0xdd: {  	_ =	swait.ge [sflag:s12], $0xA000  }
0xde: {  	[sflag:s12] =	ssyncset.done $0x0  }
0xdf: {  	[sflag:s12] =	ssyncadd.s32 $0xFFFF6000  }
0xe0: {  	_ =	sfence.sel $0x180000  }
0xe1: {  	[bflag:$0x0] =	sbarrier.arrive $0xFFFF  }
0xe2: {  	p0 =	sne.s32 s2, $0x0;
	_ =	strace $0x90000053  }
0xe3: {  	s0 =	sadd.s32 @!p0 $0x100000, s0;
	[bflag:$0x2] =	sbarrier.arrive $0xFFFF  }
0xe4: {  	[sflag:s0] =	ssyncadd.tile.s32 @!p0 $0x1;
	_ =	shalt  }
.Lfunc_end2:
_tile_overlayer_lowered:
.L_overlay_start_2:
0xe5: {  	(tag) =	ssettag $0x2  }
0xe6: {  	s0 =	rddreg [dreg:$0x0];
	s2 =	stileid.u32  }
0xe7: {  	s1 =	rddreg [dreg:$0x1];
	p0 =	sne.s32 s2, $0x0  }
0xe8: {  	s3 =	rddreg [dreg:$0x2];
	[bflag:$0x3] =	sbarrier.arrive $0xFFFF;
	s2 =	simm.s32 @!p0 $0x1C03  }
0xe9: {  	[timem:s3], [sflag:s2] =	dma.local @!p0 [hbm:s0], s1  }
0xea: {  	s0 =	simm.s32 @!p0 $0x3  }
0xeb: {  	_ =	swait.ge @!p0 [sflag:s0], s1  }
0xec: {  	s1 =	ssub.s32 @!p0 $0x0, s1;
	[sflag:s0] =	ssyncset.done @!p0 $0x0  }
0xed: {  	[sflag:s0] =	ssyncadd.s32 @!p0 s1  }
0xee: {  	[bflag:$0x3] =	sbarrier.arrive $0xFFFF  }
0xef: {  	_ =	shalt  }

// kernel: kernel.8.cloned.1.call-start
scs
__scs_entry_jumppad:
0x0: {  	(pc) =	sbr.rel $0x88, $3  }
0x1: {  	(tag) =	ssettag $0x0;
	lr =	simm.s32 $0x1  }
0x2: {  	[smem:$0x3F99] =	sst lr;
	_ =	strace $0xD0000000  }
0x3: {  	_ = 	snop  }
0x4: {  	_ = 	snop  }
0x5: {  	_ = 	snop  }
0x6: {  	_ = 	snop  }
0x7: {  	_ = 	snop  }
__scs_overlays_trampoline_lowered:
0x8: {  	[smem:$0x3FA8] =	sst s0  }
0x9: {  	[smem:$0x3FA9] =	sst s1  }
0xa: {  	[smem:$0x3FAA] =	sst s2  }
0xb: {  	[smem:$0x3FAB] =	sst s3  }
0xc: {  	[smem:$0x3FAC] =	sst s4  }
0xd: {  	[smem:$0x3FAD] =	sst s5  }
0xe: {  	[smem:$0x3FAE] =	sst s6  }
0xf: {  	[smem:$0x3FAF] =	sst s7  }
0x10: {  	[smem:$0x3FB0] =	sst s8  }
0x11: {  	[smem:$0x3FB1] =	sst s9;
	s0 =	simm.s32 @!p0 $0x0  }
0x12: {  	s1 =	sld [smem:$0x3F97];
	s0 =	simm.s32 @p0 $0x1  }
0x13: {  	[smem:$0x3FB2] =	sst s0;
	s0 =	simm.s32 @!p1 $0x0  }
0x14: {  	s2 =	sld [smem:$0x3F96];
	s0 =	simm.s32 @p1 $0x1  }
0x15: {  	[smem:$0x3FB3] =	sst s0;
	s0 =	simm.s32 @!p2 $0x0  }
0x16: {  	s3 =	sld [smem:$0x3FDB];
	s0 =	simm.s32 @p2 $0x1  }
0x17: {  	s4 =	simm.s32 $0x1BF5;
	[smem:$0x3FB5] =	sst s0  }
0x18: {  	s0 =	sld [smem:$0x3F98];
	_ =	swait.ge [sflag:s4], $0x0  }
0x19: {  	s7 =	sld [smem:$0x3F99]  }
0x1a: {  	s8 =	sadd.s32 $0xFFFFE003, lr  }
0x1b: {  	s9 =	sadd.s32 $0xFFFFFEF7, lr;
	s5 =	simm.s32 $0xFFFFFFFF;
	p2 =	slt.u32 s8, $0xFFFFF086  }
0x1c: {  	p1 =	slt.u32 s9, $0xF7A;
	s5 =	simm.s32 @!p2 $0x0  }
0x1d: {  	s5 =	simm.s32 @p1 $0x1;
	p0 =	seq.s32 s7, s2  }
0x1e: {  	s7 =	smul.u32 @!p0 $0xF7A, s2;
	p2 =	seq.s32 @!p0 s5, $0x0  }
0x1f: {  	s9 =	smul.u32 $0xF7A, s1;
	s8 =	simm.s32 @!p0 $0x1BF5;
	p2 =	por !p2, p0  }
0x20: {  	[sflag:s8] =	ssyncset.s32 @!p0 $0xFFFFF086;
	s6 =	sadd.s32 @!p0 s3, s7;
	s7 =	simm.s32 @!p0 $0x108  }
0x21: {  	s3 =	sadd.s32 s3, s9;
	s6 =	sadd.s32 @!p0 $0x88, s6;
	s7 =	simm.s32 @p2 $0x1082  }
0x22: {  	[simem:s7], [sflag:s8] =	dma.local @!p0 [hbm:s6], $0xF7A  }
0x23: {  	s9 =	sor.u32 $0xD0000000, s2;
	s6 =	simm.s32 $0x108;
	_ =	swait.ge @!p0 [sflag:s8], $0x0  }
0x24: {  	s3 =	sadd.s32 $0x88, s3;
	s6 =	simm.s32 @!p1 $0x1082;
	[sflag:s4] =	ssyncset.s32 $0xFFFFF086  }
0x25: {  	[simem:s6], [sflag:s4] =	dma.local [hbm:s3], $0xF7A  }
0x26: {  	[smem:$0x3F99] =	sst s1;
	(tag) =	ssettag s2;
	_ =	strace s9  }
0x27: {  	s1 =	sld [smem:$0x3FA9]  }
0x28: {  	s2 =	sld [smem:$0x3FAA]  }
0x29: {  	s4 =	sld [smem:$0x3FAC]  }
0x2a: {  	p0 =	seq.s32 s5, $0x0;
	s5 =	sld [smem:$0x3FAD]  }
0x2b: {  	s6 =	sld [smem:$0x3FAE]  }
0x2c: {  	s7 =	sld [smem:$0x3FAF]  }
0x2d: {  	s3 =	simm.s32 $0x108;
	s8 =	sld [smem:$0x3FB0]  }
0x2e: {  	s3 =	simm.s32 @!p0 $0x1082;
	s9 =	sld [smem:$0x3FB1]  }
0x2f: {  	lr =	sadd.s32 s0, s3;
	s0 =	sld [smem:$0x3FA8]  }
0x30: {  	s3 =	sld [smem:$0x3FAB]  }
0x31: {  	[smem:$0x3FB4] =	sst s10  }
0x32: {  	s10 =	sld [smem:$0x3FB2];
	_ =	sdelay $0x3  }
0x33: {  	p0 =	seq.s32 s10, $0x1;
	s10 =	sld [smem:$0x3FB4];
	_ =	sdelay $0x3  }
0x34: {  	[smem:$0x3FB4] =	sst s10  }
0x35: {  	s10 =	sld [smem:$0x3FB3];
	_ =	sdelay $0x3  }
0x36: {  	p1 =	seq.s32 s10, $0x1;
	s10 =	sld [smem:$0x3FB4];
	_ =	sdelay $0x3  }
0x37: {  	[smem:$0x3FB4] =	sst s10  }
0x38: {  	s10 =	sld [smem:$0x3FB5]  }
0x39: {  	_ = 	snop;
	(pc) =	sbr.ind lr, $3  }
0x3a: {  	_ = 	snop  }
0x3b: {  	_ = 	snop  }
0x3c: {  	p2 =	seq.s32 s10, $0x1;
	s10 =	sld [smem:$0x3FB4]  }
0x3d: {  	_ =	shalt  }
0x3e: {  	_ =	shalt  }
0x3f: {  	_ =	shalt  }
0x40: {  	_ =	shalt  }
0x41: {  	_ =	shalt  }
0x42: {  	_ =	shalt  }
0x43: {  	_ =	shalt  }
0x44: {  	_ =	shalt  }
0x45: {  	_ =	shalt  }
0x46: {  	_ =	shalt  }
0x47: {  	_ =	shalt  }
0x48: {  	_ =	shalt  }
0x49: {  	_ =	shalt  }
0x4a: {  	_ =	shalt  }
0x4b: {  	_ =	shalt  }
0x4c: {  	_ =	shalt  }
0x4d: {  	_ =	shalt  }
0x4e: {  	_ =	shalt  }
0x4f: {  	_ =	shalt  }
0x50: {  	_ =	shalt  }
0x51: {  	_ =	shalt  }
0x52: {  	_ =	shalt  }
0x53: {  	_ =	shalt  }
0x54: {  	_ =	shalt  }
0x55: {  	_ =	shalt  }
0x56: {  	_ =	shalt  }
0x57: {  	_ =	shalt  }
0x58: {  	_ =	shalt  }
0x59: {  	_ =	shalt  }
0x5a: {  	_ =	shalt  }
0x5b: {  	_ =	shalt  }
0x5c: {  	_ =	shalt  }
0x5d: {  	_ =	shalt  }
0x5e: {  	_ =	shalt  }
0x5f: {  	_ =	shalt  }
0x60: {  	_ =	shalt  }
0x61: {  	_ =	shalt  }
0x62: {  	_ =	shalt  }
0x63: {  	_ =	shalt  }
0x64: {  	_ =	shalt  }
0x65: {  	_ =	shalt  }
0x66: {  	_ =	shalt  }
0x67: {  	_ =	shalt  }
0x68: {  	_ =	shalt  }
0x69: {  	_ =	shalt  }
0x6a: {  	_ =	shalt  }
0x6b: {  	_ =	shalt  }
0x6c: {  	_ =	shalt  }
0x6d: {  	_ =	shalt  }
0x6e: {  	_ =	shalt  }
0x6f: {  	_ =	shalt  }
0x70: {  	_ =	shalt  }
0x71: {  	_ =	shalt  }
0x72: {  	_ =	shalt  }
0x73: {  	_ =	shalt  }
0x74: {  	_ =	shalt  }
0x75: {  	_ =	shalt  }
0x76: {  	_ =	shalt  }
0x77: {  	_ =	shalt  }
0x78: {  	_ =	shalt  }
0x79: {  	_ =	shalt  }
0x7a: {  	_ =	shalt  }
0x7b: {  	_ =	shalt  }
0x7c: {  	_ =	shalt  }
0x7d: {  	_ =	shalt  }
0x7e: {  	_ =	shalt  }
0x7f: {  	_ =	shalt  }
0x80: {  	_ =	shalt  }
0x81: {  	_ =	shalt  }
0x82: {  	_ =	shalt  }
0x83: {  	_ =	shalt  }
0x84: {  	_ =	shalt  }
0x85: {  	_ =	shalt  }
0x86: {  	_ =	shalt  }
0x87: {  	_ =	shalt  }
.Lfunc_end0:
.L_simem_size_0:
called_computation.2_lowered:
.L_overlay_start_0:
0x88: {  	s2 =	sld [smem:$0x3FD9]  }
0x89: {  	s3 =	sld [smem:$0x3FFE];
	_ =	sdelay $0x1  }
0x8a: {  	s1 =	srdreg.scid  }
0x8b: {  	s0 =	sand.u32 $0x1, s1  }
0x8c: {  	s16 =	sshll.u32 s0, $0xA;
	s2 =	sadd.s32 s3, s2  }
0x8d: {  	s2 =	sadd.s32 s2, s16  }
0x8e: {  	[smem:$0x3FC0] =	sst s2  }
0x8f: {  	_ = 	snop  }
0x90: {  	(tm) =	ssettm $0x1  }
0x91: {  	s17 =	sld [smem:$0x3FFB];
	_ =	sdelay $0x3  }
0x92: {  	_ =	strace s17  }
0x93: {  	s2 =	sld [smem:$0x3FFC];
	_ =	sdelay $0x3  }
0x94: {  	_ =	strace s2  }
0x95: {  	s2 =	sld [smem:$0x3FFD];
	_ =	sdelay $0x3  }
0x96: {  	_ =	strace s2  }
0x97: {  	_ =	strace $0x8FFFFFFF  }
0x98: {  	s18 =	sld [smem:$0x3FDB];
	_ =	sdelay $0x1  }
0x99: {  	s19 =	simm.s32 $_scs_section_size  }
0x9a: {  	s4 =	simm.s32 $_size__tile_overlayer_lowered;
	s5 =	simm.s32 $_tile_overlayer_lowered  }
0x9b: {  	s22 =	simm.s32 $0x1BFF;
	s21 =	sshll.u32 s5, $0x1;
	s2 =	sadd.s32 s19, s18  }
0x9c: {  	s6 =	simm.s32 $0x0;
	s20 =	sshll.u32 s4, $0x1;
	s4 =	sadd.s32 s21, s2  }
0x9d: {  	[timem:s6], [sflag:s22] =	dma.local [hbm:s4], s20  }
0x9e: {  	_ =	swait.ge [sflag:s22], s20  }
0x9f: {  	s3 =	ssub.s32 $0x0, s20;
	[sflag:s22] =	ssyncset.done $0x0  }
0xa0: {  	[sflag:s22] =	ssyncadd.s32 s3;
	_ =	sdelay $0x1  }
0xa1: {  	s23 =	simm.s32 $0x1B8B  }
0xa2: {  	_ =	swait.ge [sflag:s23], $0x1  }
0xa3: {  	[sflag:s23] =	ssyncset.done $0x0  }
0xa4: {  	s25 =	simm.s32 $0x1B8E;
	s24 =	sld [smem:$0x3FFE];
	[sflag:s23] =	ssyncadd.s32 $0xFFFFFFFF  }
0xa5: {  	s26 =	simm.s32 $execute0_lowered;
	[smem:$0x3FD2] =	sst s25  }
0xa6: {  	s4 =	sshll.u32 s26, $0x1;
	_ =	strace $0x80000046;
	[dreg:$0x1] =	wrdreg $0xFFFFFFFF  }
0xa7: {  	s28 =	simm.s32 $_size_execute0_lowered;
	s2 =	sadd.s32 s2, s4;
	[dreg:$0x0] =	wrdreg $0x0  }
0xa8: {  	s4 =	sshll.u32 s28, $0x1;
	[dreg:$0x2] =	wrdreg s2  }
0xa9: {  	[dreg:$0x3] =	wrdreg s4  }
0xaa: {  	[dreg:$0x4] =	wrdreg $0xC0  }
0xab: {  	_ =	task [dreg:s6], $0x5FFFF  }
0xac: {  	[dreg:$0x1] =	wrdreg $0xFFFFFFFF  }
0xad: {  	[dreg:$0x0] =	wrdreg $0x60  }
0xae: {  	[dreg:$0x2] =	wrdreg s24  }
0xaf: {  	[dreg:$0x3] =	wrdreg $0x9  }
0xb0: {  	_ =	task.clear_ibuf [dreg:s6], $0x4FFFF;
	_ =	strace $0x90000046  }
0xb1: {  	s29 =	simm.s32 $0x9;
	_ =	strace $0x80000048  }
0xb2: {  	_ =	swait.ge [sflag:s29], $0x1  }
0xb3: {  	[sflag:s29] =	ssyncadd.s32 $0xFFFFFFFF  }
0xb4: {  	_ =	strace $0x90000048  }
0xb5: {  	_ =	sfence  }
0xb6: {  	s30 =	sld [smem:$0x0];
	_ =	sdelay $0x2  }
0xb7: {  	s31 =	sshll.u32 s1, $0xD;
	s1 =	sshrl.u32 s1, $0x2  }
0xb8: {  	s3 =	sand.u32 $0x4000, s31;
	s1 =	sadd.s32 s1, s30  }
0xb9: {  	s0 =	sor.u32 s3, s0;
	s1 =	sshll.u32 s1, $0x11  }
0xba: {  	s0 =	sor.u32 s1, s0  }
0xbb: {  	s0 =	sadd.s32 $0x8F2B, s0  }
0xbc: {  	[sflag:s0] =	ssyncadd.remote.s32 $0x1  }
0xbd: {  	_ =	sfence.sel $0xFFFF  }
0xbe: {  	[dreg:$0x0] =	wrdreg $0xFFFFFFFF;
	(pc) =	sbr.abs _section_cstart, $3  }
0xbf: {  	[dreg:$0x1] =	wrdreg $0xFFFFFFFF  }
0xc0: {  	_ =	task.clear_ibuf [dreg:s6], $0x2FFFF;
	_ =	strace $0x9FFFFFFF  }
0xc1: {  	(tm) =	ssettm $0x7FFFFFFF  }
tec
execute0_lowered:
.L_overlay_start_1:
0x0: {  	(tag) =	ssettag $0x1  }
0x1: {  	s1 =	srdreg.scid;
	s0 =	stileid.u32  }
0x2: {  	s6 =	rddreg [dreg:$0x0];
	s2 =	simm.s32 $0x0;
	s12 =	simm.s32 $0xB000  }
0x3: {  	s15 =	simm.s32 $0xA980;
	s5 =	sand.u32 $0x1, s1;
	s1 =	rddreg [dreg:$0x1]  }
0x4: {  	s16 =	simm.s32 $0x0;
	s29 =	sshll.u32 s0, $0x1;
	[smem:$0x7FF] =	sst s2  }
0x5: {  	s3 =	sadd.s32 $0x2C00, s6;
	s4 =	sadd.s32 $0x5400, s6;
	s13 =	sor.u32 s5, s29  }
0x6: {  	_ =	strace $0x80000047;
	s9 =	ssub.s32 $0x2, s5;
	s5 =	sadd.s32 $0x6E00, s6  }
0x7: {  	s7 =	smul.u32 $0x640, s13;
	s11 =	sshrl.u32 s9, $0x1;
	s14 =	sadd.s32 $0xFFFFFFFE, s13  }
0x8: {  	p0 =	seq.s32 s13, $0x1;
	p1 =	sne.s32 s13, $0x0;
	s13 =	simm.s32 $0x9C80  }
.Ltmp0:
0x9: {  	s11 =	ssub.s32 s9, s11;
	s8 =	sadd.s32 $0xFFFFF380, s7;
	(pc) =	sbr.rel .LBB2_1-.Ltmp0, $4  }
0xa: {  	p2 =	sgt.u32 s14, $0x18;
	s30 =	sshrl.u32 s7, $0x3;
	s8 =	sshrl.u32 s8, $0x3  }
0xb: {  	s14 =	simm.s32 $0xA300;
	s31 =	sadd.s32 s3, s30;
	s10 =	sadd.s32 s8, s6  }
0xc: {  	s6 =	sadd.s32 $0x3F88, s6;
	s7 =	sadd.s32 s3, s8;
	s8 =	sadd.s32 $0x11F8, s31  }
0xd: {  	v0 =	vimm.f32 $0.0e+00;
	v1 =	vimm.f32 $1.000000000e+00;
	s9 =	sadd.s32 $0x5A00, s10;
	s10 =	smax.u32 s11, $0x1;
	s11 =	simm.s32 $0x1  }
.LBB2_21:
0xe: {  	s16 =	sadd.s32 $0x1, s16  }
0xf: {  	p3 =	sne.s32 s16, s10  }
.Ltmp1:
0x10: {  	_ = 	snop;
	(pc) =	sbr.rel @!p3 .LBB2_22-.Ltmp1, $1  }
0x11: {  	_ =	sdelay $0x3  }
.LBB2_1:
.Ltmp2:
0x12: {  	(pc) =	sbr.rel @p0 .LBB2_10-.Ltmp2, $1  }
0x13: {  	_ =	sdelay $0x3  }
.Ltmp3:
0x14: {  	(pc) =	sbr.rel @p1 .LBB2_17-.Ltmp3, $1  }
0x15: {  	_ =	sdelay $0x3  }
0x16: {  	s17 =	simm.s32 $0x0  }
0x17: {  	[tilespmem:s17], [sflag:$0x1] =	stream.linear.gather [hbm4b:s3+s17], $0x9C40, $0x38;
	[tilespmem:$0xD800] =	vst v63  }
0x18: {  	_ =	swait.ge [sflag:s11], $0x9C40  }
0x19: {  	[sflag:s11] =	ssyncset.done $0x0  }
0x1a: {  	s18 =	simm.s32 $0x40;
	s19 =	simm.s32 $0x0;
	[sflag:s11] =	ssyncadd.s32 $0xFFFF63C0  }
.LBB2_4:
0x1b: {  	p3 =	sne.s32 s18, $0x9FC0;
	[tilespmem:s19+$0xB000] =	vst v0;
	s19 =	smov.u32 s18;
	s18 =	sadd.s32 $0x40, s18  }
.Ltmp4:
0x1c: {  	(pc) =	sbr.rel @p3 .LBB2_4-.Ltmp4, $2  }
0x1d: {  	_ =	sdelay $0x2  }
0x1e: {  	s19 =	sshra.s32 s19, $0x2  }
0x1f: {  	[tilespmem:s19+$0xB000] =	vst v0  }
.LBB2_6:
0x20: {  	s18 =	sshra.s32 s17, $0x2  }
0x21: {  	v2 =	vld [tilespmem:s18+$0x0];
	_ =	sdelay $0x2  }
0x22: {  	p3 =	sne.s32 s17, $0x270C0  }
.Ltmp5:
0x23: {  	_ = 	snop;
	(pc) =	sbr.rel @p3 .LBB2_6-.Ltmp5, $2  }
0x24: {  	_ =	sdelay $0x2  }
0x25: {  	s17 =	sadd.s32 $0x40, s17;
	[tilespmem:v2+s12+$0x0] =	vst.idx.add.f32.msk $0xffff, v1  }
0x26: {  	s17 =	simm.s32 $0x0;
	s18 =	simm.s32 $0x40  }
.LBB2_8:
0x27: {  	p3 =	sne.s32 s18, $0x9FC0;
	v2 =	vld [tilespmem:s17+$0xB000];
	_ =	sdelay $0x4  }
0x28: {  	v2 =	vmax.f32 v2, $1.000000000e+00  }
0x29: {  	v3 =	vshra.s32 v2, $0x1;
	v2 =	vmul.f32 $5.000000000e-01, v2  }
0x2a: {  	v3 =	vsub.s32 $0x5F3759DF, v3  }
0x2b: {  	v4 =	vmul.f32 v3, v2;
	_ =	sdelay $0x1  }
0x2c: {  	v4 =	vmul.f32 v3, v4;
	_ =	sdelay $0x1  }
0x2d: {  	v4 =	vsub.f32 $1.500000000e+00, v4;
	_ =	sdelay $0x1  }
0x2e: {  	v3 =	vmul.f32 v3, v4;
	_ =	sdelay $0x1  }
0x2f: {  	v4 =	vmul.f32 v3, v2;
	_ =	sdelay $0x1  }
0x30: {  	v4 =	vmul.f32 v4, v3;
	_ =	sdelay $0x1  }
0x31: {  	v4 =	vsub.f32 $1.500000000e+00, v4;
	_ =	sdelay $0x1  }
0x32: {  	v3 =	vmul.f32 v4, v3;
	_ =	sdelay $0x1  }
0x33: {  	v4 =	vmul.f32 v3, v2;
	_ =	sdelay $0x1  }
0x34: {  	v4 =	vmul.f32 v4, v3;
	_ =	sdelay $0x1  }
0x35: {  	v4 =	vsub.f32 $1.500000000e+00, v4;
	_ =	sdelay $0x1  }
0x36: {  	v3 =	vmul.f32 v4, v3;
	_ =	sdelay $0x1  }
0x37: {  	v2 =	vmul.f32 v3, v2;
	_ =	sdelay $0x1  }
0x38: {  	v2 =	vmul.f32 v2, v3;
	_ =	sdelay $0x1  }
.Ltmp6:
0x39: {  	v2 =	vsub.f32 $1.500000000e+00, v2;
	(pc) =	sbr.rel @p3 .LBB2_8-.Ltmp6, $3  }
0x3a: {  	_ = 	snop  }
0x3b: {  	v2 =	vmul.f32 v2, v3;
	_ =	sdelay $0x1  }
0x3c: {  	[tilespmem:s17+$0xB000] =	vst v2;
	s17 =	sshra.s32 s18, $0x2;
	s18 =	sadd.s32 $0x40, s18  }
0x3d: {  	v2 =	vld [tilespmem:s17+$0xB000];
	_ =	sdelay $0x4  }
0x3e: {  	v2 =	vmax.f32 v2, $1.000000000e+00  }
0x3f: {  	v3 =	vshra.s32 v2, $0x1;
	v2 =	vmul.f32 $5.000000000e-01, v2  }
0x40: {  	v3 =	vsub.s32 $0x5F3759DF, v3  }
0x41: {  	v4 =	vmul.f32 v3, v2;
	_ =	sdelay $0x1  }
0x42: {  	v4 =	vmul.f32 v3, v4;
	_ =	sdelay $0x1  }
0x43: {  	v4 =	vsub.f32 $1.500000000e+00, v4;
	_ =	sdelay $0x1  }
0x44: {  	v3 =	vmul.f32 v3, v4;
	_ =	sdelay $0x1  }
0x45: {  	v4 =	vmul.f32 v3, v2;
	_ =	sdelay $0x1  }
0x46: {  	v4 =	vmul.f32 v4, v3;
	_ =	sdelay $0x1  }
0x47: {  	v4 =	vsub.f32 $1.500000000e+00, v4;
	_ =	sdelay $0x1  }
0x48: {  	v3 =	vmul.f32 v4, v3;
	_ =	sdelay $0x1  }
0x49: {  	v4 =	vmul.f32 v3, v2;
	_ =	sdelay $0x1  }
0x4a: {  	v4 =	vmul.f32 v4, v3;
	_ =	sdelay $0x1  }
0x4b: {  	v4 =	vsub.f32 $1.500000000e+00, v4;
	_ =	sdelay $0x1  }
0x4c: {  	v3 =	vmul.f32 v4, v3;
	_ =	sdelay $0x1  }
0x4d: {  	v2 =	vmul.f32 v3, v2;
	_ =	sdelay $0x1  }
0x4e: {  	v2 =	vmul.f32 v2, v3;
	_ =	sdelay $0x1  }
0x4f: {  	v2 =	vsub.f32 $1.500000000e+00, v2;
	_ =	sdelay $0x1  }
0x50: {  	v2 =	vmul.f32 v2, v3;
	_ =	sdelay $0x1  }
.Ltmp7:
0x51: {  	[tilespmem:s17+$0xB000] =	vst v2;
	(pc) =	sbr.rel .LBB2_21-.Ltmp7, $4  }
0x52: {  	[hbm4b:s4+s2] =	stream.linear.scatter [tilespmem:s12], [sflag:$0x1], $0x2800, $0x38;
	[tilespmem:$0xD800] =	vst v63  }
0x53: {  	_ =	swait.ge [sflag:s11], $0x2800  }
0x54: {  	[sflag:s11] =	ssyncset.done $0x0  }
0x55: {  	[sflag:s11] =	ssyncadd.s32 $0xFFFFD800  }
.LBB2_10:
0x56: {  	s17 =	simm.s32 $0x0  }
0x57: {  	[tilespmem:s17], [sflag:$0x1] =	stream.linear.gather [hbm4b:s6+s17], $0x9C40, $0x38;
	[tilespmem:$0xD800] =	vst v63  }
0x58: {  	_ =	swait.ge [sflag:s11], $0x9C40  }
0x59: {  	[sflag:s11] =	ssyncset.done $0x0  }
0x5a: {  	s18 =	simm.s32 $0x40;
	s19 =	simm.s32 $0x0;
	[sflag:s11] =	ssyncadd.s32 $0xFFFF63C0  }
.LBB2_11:
0x5b: {  	p3 =	sne.s32 s18, $0x9FC0;
	[tilespmem:s19+$0xB000] =	vst v0;
	s19 =	smov.u32 s18;
	s18 =	sadd.s32 $0x40, s18  }
.Ltmp8:
0x5c: {  	(pc) =	sbr.rel @p3 .LBB2_11-.Ltmp8, $2  }
0x5d: {  	_ =	sdelay $0x2  }
0x5e: {  	s19 =	sshra.s32 s19, $0x2  }
0x5f: {  	[tilespmem:s19+$0xB000] =	vst v0  }
.LBB2_13:
0x60: {  	s18 =	sshra.s32 s17, $0x2  }
0x61: {  	v2 =	vld [tilespmem:s18+$0x0];
	_ =	sdelay $0x2  }
0x62: {  	p3 =	sne.s32 s17, $0x270C0  }
.Ltmp9:
0x63: {  	_ = 	snop;
	(pc) =	sbr.rel @p3 .LBB2_13-.Ltmp9, $2  }
0x64: {  	_ =	sdelay $0x2  }
0x65: {  	s17 =	sadd.s32 $0x40, s17;
	[tilespmem:v2+s12+$0x0] =	vst.idx.add.f32.msk $0xffff, v1  }
0x66: {  	s17 =	simm.s32 $0x0;
	s18 =	simm.s32 $0x40  }
.LBB2_15:
0x67: {  	p3 =	sne.s32 s18, $0x9FC0;
	v2 =	vld [tilespmem:s17+$0xB000];
	_ =	sdelay $0x4  }
0x68: {  	v2 =	vmax.f32 v2, $1.000000000e+00  }
0x69: {  	v3 =	vshra.s32 v2, $0x1;
	v2 =	vmul.f32 $5.000000000e-01, v2  }
0x6a: {  	v3 =	vsub.s32 $0x5F3759DF, v3  }
0x6b: {  	v4 =	vmul.f32 v3, v2;
	_ =	sdelay $0x1  }
0x6c: {  	v4 =	vmul.f32 v3, v4;
	_ =	sdelay $0x1  }
0x6d: {  	v4 =	vsub.f32 $1.500000000e+00, v4;
	_ =	sdelay $0x1  }
0x6e: {  	v3 =	vmul.f32 v3, v4;
	_ =	sdelay $0x1  }
0x6f: {  	v4 =	vmul.f32 v3, v2;
	_ =	sdelay $0x1  }
0x70: {  	v4 =	vmul.f32 v4, v3;
	_ =	sdelay $0x1  }
0x71: {  	v4 =	vsub.f32 $1.500000000e+00, v4;
	_ =	sdelay $0x1  }
0x72: {  	v3 =	vmul.f32 v4, v3;
	_ =	sdelay $0x1  }
0x73: {  	v4 =	vmul.f32 v3, v2;
	_ =	sdelay $0x1  }
0x74: {  	v4 =	vmul.f32 v4, v3;
	_ =	sdelay $0x1  }
0x75: {  	v4 =	vsub.f32 $1.500000000e+00, v4;
	_ =	sdelay $0x1  }
0x76: {  	v3 =	vmul.f32 v4, v3;
	_ =	sdelay $0x1  }
0x77: {  	v2 =	vmul.f32 v3, v2;
	_ =	sdelay $0x1  }
0x78: {  	v2 =	vmul.f32 v2, v3;
	_ =	sdelay $0x1  }
.Ltmp10:
0x79: {  	v2 =	vsub.f32 $1.500000000e+00, v2;
	(pc) =	sbr.rel @p3 .LBB2_15-.Ltmp10, $3  }
0x7a: {  	_ = 	snop  }
0x7b: {  	v2 =	vmul.f32 v2, v3;
	_ =	sdelay $0x1  }
0x7c: {  	[tilespmem:s17+$0xB000] =	vst v2;
	s17 =	sshra.s32 s18, $0x2;
	s18 =	sadd.s32 $0x40, s18  }
0x7d: {  	v2 =	vld [tilespmem:s17+$0xB000];
	_ =	sdelay $0x4  }
0x7e: {  	v2 =	vmax.f32 v2, $1.000000000e+00  }
0x7f: {  	v3 =	vshra.s32 v2, $0x1;
	v2 =	vmul.f32 $5.000000000e-01, v2  }
0x80: {  	v3 =	vsub.s32 $0x5F3759DF, v3  }
0x81: {  	v4 =	vmul.f32 v3, v2;
	_ =	sdelay $0x1  }
0x82: {  	v4 =	vmul.f32 v3, v4;
	_ =	sdelay $0x1  }
0x83: {  	v4 =	vsub.f32 $1.500000000e+00, v4;
	_ =	sdelay $0x1  }
0x84: {  	v3 =	vmul.f32 v3, v4;
	_ =	sdelay $0x1  }
0x85: {  	v4 =	vmul.f32 v3, v2;
	_ =	sdelay $0x1  }
0x86: {  	v4 =	vmul.f32 v4, v3;
	_ =	sdelay $0x1  }
0x87: {  	v4 =	vsub.f32 $1.500000000e+00, v4;
	_ =	sdelay $0x1  }
0x88: {  	v3 =	vmul.f32 v4, v3;
	_ =	sdelay $0x1  }
0x89: {  	v4 =	vmul.f32 v3, v2;
	_ =	sdelay $0x1  }
0x8a: {  	v4 =	vmul.f32 v4, v3;
	_ =	sdelay $0x1  }
0x8b: {  	v4 =	vsub.f32 $1.500000000e+00, v4;
	_ =	sdelay $0x1  }
0x8c: {  	v3 =	vmul.f32 v4, v3;
	_ =	sdelay $0x1  }
0x8d: {  	v2 =	vmul.f32 v3, v2;
	_ =	sdelay $0x1  }
0x8e: {  	v2 =	vmul.f32 v2, v3;
	_ =	sdelay $0x1  }
0x8f: {  	v2 =	vsub.f32 $1.500000000e+00, v2;
	_ =	sdelay $0x1  }
0x90: {  	v2 =	vmul.f32 v2, v3;
	_ =	sdelay $0x1  }
.Ltmp11:
0x91: {  	[tilespmem:s17+$0xB000] =	vst v2;
	(pc) =	sbr.rel .LBB2_21-.Ltmp11, $4  }
0x92: {  	[hbm4b:s5+s2] =	stream.linear.scatter [tilespmem:s12], [sflag:$0x1], $0x2800, $0x38;
	[tilespmem:$0xD800] =	vst v63  }
0x93: {  	_ =	swait.ge [sflag:s11], $0x2800  }
0x94: {  	[sflag:s11] =	ssyncset.done $0x0  }
0x95: {  	[sflag:s11] =	ssyncadd.s32 $0xFFFFD800  }
.LBB2_17:
.Ltmp12:
0x96: {  	(pc) =	sbr.rel @p2 .LBB2_21-.Ltmp12, $1  }
0x97: {  	_ =	sdelay $0x3  }
0x98: {  	s17 =	simm.s32 $0x0  }
0x99: {  	[tilespmem:s13], [sflag:$0x1] =	stream.linear.gather [hbm4b:s7+s17], $0x640, $0x38;
	[tilespmem:$0xD800] =	vst v63  }
0x9a: {  	_ =	swait.ge [sflag:s11], $0x640  }
0x9b: {  	[sflag:s11] =	ssyncset.done $0x0  }
0x9c: {  	[sflag:s11] =	ssyncadd.s32 $0xFFFFF9C0  }
0x9d: {  	[tilespmem:s14], [sflag:$0x1] =	stream.linear.gather [hbm4b:s8+s17], $0x640, $0x38;
	[tilespmem:$0xD800] =	vst v63  }
0x9e: {  	_ =	swait.ge [sflag:s11], $0x640  }
0x9f: {  	[sflag:s11] =	ssyncset.done $0x0  }
0xa0: {  	s17 =	simm.s32 $0x0;
	[sflag:s11] =	ssyncadd.s32 $0xFFFFF9C0  }
0xa1: {  	v2 =	vld [tilespmem:s17+$0xA300]  }
0xa2: {  	s18 =	simm.s32 $0x40;
	v3 =	vld [tilespmem:s17+$0x9C80]  }
.LBB2_19:
0xa3: {  	p3 =	sne.s32 s18, $0x18C0  }
.Ltmp13:
0xa4: {  	_ = 	snop;
	(pc) =	sbr.rel @p3 .LBB2_19-.Ltmp13, $4  }
0xa5: {  	_ = 	snop  }
0xa6: {  	s19 =	sshra.s32 s18, $0x2;
	s18 =	sadd.s32 $0x40, s18;
	v4 =	vshll.u32 v2, $0xE  }
0xa7: {  	v2 =	vld [tilespmem:s19+$0xA300];
	v4 =	vor.u32 v3, v4  }
0xa8: {  	v3 =	vld [tilespmem:s19+$0x9C80];
	[tilespmem:s17+$0xA980] =	vst v4;
	s17 =	smov.u32 s19  }
0xa9: {  	_ =	sdelay $0x2  }
0xaa: {  	v2 =	vshll.u32 v2, $0xE  }
0xab: {  	v2 =	vor.u32 v3, v2  }
.Ltmp14:
0xac: {  	[tilespmem:s17+$0xA980] =	vst v2;
	(pc) =	sbr.rel .LBB2_21-.Ltmp14, $4  }
0xad: {  	[hbm4b:s9+s2] =	stream.linear.scatter [tilespmem:s15], [sflag:$0x1], $0x640, $0x38;
	[tilespmem:$0xD800] =	vst v63  }
0xae: {  	_ =	swait.ge [sflag:s11], $0x640  }
0xaf: {  	[sflag:s11] =	ssyncset.done $0x0  }
0xb0: {  	[sflag:s11] =	ssyncadd.s32 $0xFFFFF9C0  }
.LBB2_22:
0xb1: {  	_ =	sfence.sel $0x180000  }
0xb2: {  	[bflag:$0x0] =	sbarrier.arrive $0xFFFF  }
0xb3: {  	p0 =	sne.s32 s0, $0x0;
	_ =	strace $0x90000047  }
0xb4: {  	s0 =	sadd.s32 @!p0 $0x100000, s1;
	[bflag:$0x2] =	sbarrier.arrive $0xFFFF  }
0xb5: {  	[sflag:s0] =	ssyncadd.tile.s32 @!p0 $0x1;
	_ =	shalt  }
.Lfunc_end2:
_tile_overlayer_lowered:
.L_overlay_start_2:
0xb6: {  	(tag) =	ssettag $0x2  }
0xb7: {  	s0 =	rddreg [dreg:$0x0];
	s2 =	stileid.u32  }
0xb8: {  	s1 =	rddreg [dreg:$0x1];
	p0 =	sne.s32 s2, $0x0  }
0xb9: {  	s3 =	rddreg [dreg:$0x2];
	[bflag:$0x3] =	sbarrier.arrive $0xFFFF;
	s2 =	simm.s32 @!p0 $0x1C01  }
0xba: {  	[timem:s3], [sflag:s2] =	dma.local @!p0 [hbm:s0], s1  }
0xbb: {  	s0 =	simm.s32 @!p0 $0x1  }
0xbc: {  	_ =	swait.ge @!p0 [sflag:s0], s1  }
0xbd: {  	s1 =	ssub.s32 @!p0 $0x0, s1;
	[sflag:s0] =	ssyncset.done @!p0 $0x0  }
0xbe: {  	[sflag:s0] =	ssyncadd.s32 @!p0 s1  }
0xbf: {  	[bflag:$0x3] =	sbarrier.arrive $0xFFFF  }
0xc0: {  	_ =	shalt  }

// kernel: sparse-core-data-format-call.1.cloned.1.call-start
scs
called_computation.1_lowered:
.L_overlay_start_0:
0x0: {  	s1 =	sld [smem:$0x3FD9]  }
0x1: {  	s2 =	sld [smem:$0x3FFE];
	_ =	sdelay $0x1  }
0x2: {  	s3 =	srdreg.scid  }
0x3: {  	s0 =	sand.u32 $0x1, s3  }
0x4: {  	s17 =	sshll.u32 s0, $0xA;
	s1 =	sadd.s32 s2, s1  }
0x5: {  	s1 =	sadd.s32 s1, s17  }
0x6: {  	[smem:$0x3FC0] =	sst s1  }
0x7: {  	_ = 	snop  }
0x8: {  	(tm) =	ssettm $0x1  }
0x9: {  	s18 =	sld [smem:$0x3FFB];
	_ =	sdelay $0x3  }
0xa: {  	_ =	strace s18  }
0xb: {  	s1 =	sld [smem:$0x3FFC];
	_ =	sdelay $0x3  }
0xc: {  	_ =	strace s1  }
0xd: {  	s1 =	sld [smem:$0x3FFD];
	_ =	sdelay $0x3  }
0xe: {  	_ =	strace s1  }
0xf: {  	_ =	strace $0x8FFFFFFF  }
0x10: {  	s19 =	sld [smem:$0x3FDB];
	_ =	sdelay $0x1  }
0x11: {  	s20 =	simm.s32 $_scs_section_size  }
0x12: {  	s4 =	simm.s32 $_size__tile_overlayer_lowered;
	s5 =	simm.s32 $_tile_overlayer_lowered  }
0x13: {  	s23 =	simm.s32 $0x1BFF;
	s22 =	sshll.u32 s5, $0x1;
	s1 =	sadd.s32 s20, s19  }
0x14: {  	s6 =	simm.s32 $0x0;
	s21 =	sshll.u32 s4, $0x1;
	s4 =	sadd.s32 s22, s1  }
0x15: {  	[timem:s6], [sflag:s23] =	dma.local [hbm:s4], s21  }
0x16: {  	_ =	swait.ge [sflag:s23], s21  }
0x17: {  	s2 =	ssub.s32 $0x0, s21;
	[sflag:s23] =	ssyncset.done $0x0  }
0x18: {  	[sflag:s23] =	ssyncadd.s32 s2;
	_ =	sdelay $0x1  }
0x19: {  	s24 =	simm.s32 $0x1B8B  }
0x1a: {  	_ =	swait.ge [sflag:s24], $0x1  }
0x1b: {  	[sflag:s24] =	ssyncset.done $0x0  }
0x1c: {  	s26 =	simm.s32 $0x1B8E;
	s25 =	sld [smem:$0x3FFE];
	[sflag:s24] =	ssyncadd.s32 $0xFFFFFFFF  }
0x1d: {  	s27 =	simm.s32 $execute0_lowered;
	[smem:$0x3FD2] =	sst s26  }
0x1e: {  	s4 =	sshll.u32 s27, $0x1;
	_ =	strace $0x80000049;
	[dreg:$0x1] =	wrdreg $0xFFFFFFFF  }
0x1f: {  	s28 =	simm.s32 $_size_execute0_lowered;
	s1 =	sadd.s32 s1, s4;
	[dreg:$0x0] =	wrdreg $0x0  }
0x20: {  	s4 =	sshll.u32 s28, $0x1;
	[dreg:$0x2] =	wrdreg s1  }
0x21: {  	[dreg:$0x3] =	wrdreg s4  }
0x22: {  	[dreg:$0x4] =	wrdreg $0xC0  }
0x23: {  	_ =	task [dreg:s6], $0x5FFFF  }
0x24: {  	[dreg:$0x1] =	wrdreg $0xFFFFFFFF  }
0x25: {  	[dreg:$0x0] =	wrdreg $0x60  }
0x26: {  	[dreg:$0x2] =	wrdreg s25  }
0x27: {  	[dreg:$0x3] =	wrdreg $0x9  }
0x28: {  	_ =	task.clear_ibuf [dreg:s6], $0x4FFFF;
	_ =	strace $0x90000049  }
0x29: {  	s29 =	simm.s32 $0x9;
	_ =	strace $0x8000004B  }
0x2a: {  	_ =	swait.ge [sflag:s29], $0x1  }
0x2b: {  	[sflag:s29] =	ssyncadd.s32 $0xFFFFFFFF  }
0x2c: {  	_ =	strace $0x9000004B  }
0x2d: {  	_ =	sfence  }
0x2e: {  	s30 =	sld [smem:$0x0];
	_ =	sdelay $0x2  }
0x2f: {  	s31 =	sshll.u32 s3, $0xD;
	s3 =	sshrl.u32 s3, $0x2  }
0x30: {  	s2 =	sand.u32 $0x4000, s31;
	s1 =	sadd.s32 s3, s30  }
0x31: {  	s0 =	sor.u32 s2, s0;
	s1 =	sshll.u32 s1, $0x11  }
0x32: {  	s0 =	sor.u32 s1, s0  }
0x33: {  	s0 =	sadd.s32 $0x8F2B, s0  }
0x34: {  	[sflag:s0] =	ssyncadd.remote.s32 $0x1  }
0x35: {  	_ =	sfence.sel $0xFFFF  }
0x36: {  	[dreg:$0x0] =	wrdreg $0xFFFFFFFF;
	(pc) =	sbr.abs _section_cstart, $3  }
0x37: {  	[dreg:$0x1] =	wrdreg $0xFFFFFFFF  }
0x38: {  	_ =	task.clear_ibuf [dreg:s6], $0x2FFFF;
	_ =	strace $0x9FFFFFFF  }
0x39: {  	(tm) =	ssettm $0x7FFFFFFF  }
tec
execute0_lowered:
.L_overlay_start_1:
0x0: {  	(tag) =	ssettag $0x1  }
0x1: {  	s0 =	srdreg.scid;
	s6 =	rddreg [dreg:$0x0];
	s4 =	simm.s32 $0x1  }
0x2: {  	s7 =	simm.s32 $0x2;
	s14 =	simm.s32 $0x0;
	s1 =	sshll.u32 s0, $0x4  }
0x3: {  	s8 =	simm.s32 $0x800;
	s0 =	stileid.u32;
	s1 =	sand.u32 $0x10, s1  }
0x4: {  	s9 =	simm.s32 $0x2800;
	s10 =	simm.s32 $0x0;
	s2 =	sor.u32 s0, s1  }
.Ltmp0:
0x5: {  	s15 =	simm.s32 $0x0;
	s3 =	ssub.s32 $0x16F, s2;
	(pc) =	sbr.rel .LBB1_1-.Ltmp0, $4  }
0x6: {  	s11 =	simm.s32 $0x0;
	s13 =	simm.s32 $0x0;
	s5 =	sshrl.u32 s3, $0x5  }
0x7: {  	s1 =	rddreg [dreg:$0x1];
	_ =	strace $0x8000004A;
	s5 =	smul.u32 $0x5, s5  }
0x8: {  	[sflag:s4] =	ssyncpa.u1 $0x0;
	s12 =	smov.u32 s2;
	s3 =	sadd.s32 $0x33BA00, s6  }
0x9: {  	s6 =	sadd.s32 $0x683A00, s6;
	[sflag:s7] =	ssyncpa.u1 $0x0;
	s7 =	sadd.s32 $0x1, s5  }
.LBB1_7:
0xa: {  	s16 =	sadd.s32 $0x10, s11  }
0xb: {  	s14 =	sadd.s32 $0x20, s12;
	s18 =	smov.u32 s12;
	p1 =	sgt.s32 s16, $0x4F  }
0xc: {  	s18 =	smov.u32 @p1 s14  }
0xd: {  	s16 =	simm.s32 @p1 $0x0;
	p1 =	sgt.s32 s18, $0x14F  }
0xe: {  	s18 =	smov.u32 @p1 s2;
	p1 =	sne.s32 s13, s7  }
.Ltmp1:
0xf: {  	p0 =	slt.u32 s13, $0x2;
	(pc) =	sbr.rel @!p1 .LBB1_8-.Ltmp1, $4  }
0x10: {  	s17 =	simm.s32 @!p0 $0x2  }
0x11: {  	s15 =	smov.u32 s12;
	s10 =	sadd.s32 $0x4000, s10;
	_ =	swait.ge @!p0 [sflag:s17], $0x4000  }
0x12: {  	s14 =	smov.u32 s11;
	[sflag:s17] =	ssyncset.done @!p0 $0x0;
	s11 =	smov.u32 s16  }
0x13: {  	s13 =	sadd.s32 $0x1, s13;
	[sflag:s17] =	ssyncadd.s32 @!p0 $0xFFFFC000;
	s12 =	smov.u32 s18  }
.LBB1_1:
0x14: {  	p0 =	sge.u32 s13, s5  }
0x15: {  	s16 =	smul.u32 @!p0 $0x2800, s12  }
0x16: {  	s31 =	sadd.s32 $0xFFFFFFFF, s13;
	s17 =	sxor.u32 @!p0 $0xFFFFFFFF, s13  }
0x17: {  	s18 =	sshll.u32 @!p0 s11, $0x7;
	s17 =	sshll.u32 @!p0 s17, $0xE;
	s16 =	sadd.s32 @!p0 s3, s16  }
0x18: {  	s17 =	sand.u32 @!p0 $0x4000, s17;
	s16 =	sadd.s32 @!p0 s18, s16;
	s18 =	simm.s32 @!p0 $0x0  }
0x19: {  	[tilespmem:s17], [sflag:$0x1] =	stream.linear.gather @!p0 [hbm4b:s16+s18], $0x4000, $0x38;
	[tilespmem:$0x10000] =	vst v63  }
0x1a: {  	p0 =	sge.u32 s31, s5  }
.Ltmp2:
0x1b: {  	_ = 	snop;
	(pc) =	sbr.rel @p0 .LBB1_7-.Ltmp2, $1  }
0x1c: {  	_ =	sdelay $0x3  }
0x1d: {  	s16 =	sand.u32 $0x4000, s10  }
0x1e: {  	_ =	swait.ge [sflag:s4], $0x4000;
	s19 =	sshll.u32 s13, $0xE;
	s17 =	sor.u32 $0x8040, s16  }
0x1f: {  	s18 =	sor.u32 $0x40, s16;
	[sflag:s4] =	ssyncset.done $0x0;
	s31 =	sand.u32 $0x4000, s19  }
0x20: {  	s19 =	simm.s32 $0x0;
	[sflag:s4] =	ssyncadd.s32 $0xFFFFC000;
	s16 =	sor.u32 $0x8000, s31  }
.LBB1_3:
0x21: {  	v0 =	vmov s18;
	_ =	sdelay $0x3  }
0x22: {  	s21 =	simm.s32 $0x0  }
0x23: {  	v6 =	vld.idx.msk [tilespmem:v0+s21+$0x30 ss:$0x1], $0xffff  }
0x24: {  	v7 =	vld.idx.msk [tilespmem:v0+s21+$0xFFFFFFC0 ss:$0x1], $0xffff  }
0x25: {  	v5 =	vld.idx.msk [tilespmem:v0+s21+$0xFFFFFFD0 ss:$0x1], $0xffff  }
0x26: {  	v4 =	vld.idx.msk [tilespmem:v0+s21+$0xFFFFFFE0 ss:$0x1], $0xffff  }
0x27: {  	v3 =	vld.idx.msk [tilespmem:v0+s21+$0xFFFFFFF0 ss:$0x1], $0xffff  }
0x28: {  	v1 =	vld.idx.msk [tilespmem:v0+s21+$0x0 ss:$0x1], $0xffff  }
0x29: {  	v2 =	vld.idx.msk [tilespmem:v0+s21+$0x10 ss:$0x1], $0xffff;
	[tilespmem:s17+$0x30] =	vst v6  }
0x2a: {  	s20 =	simm.s32 $0x80;
	s22 =	simm.s32 $0x400;
	[tilespmem:s17+$0xFFFFFFC0] =	vst v7;
	v6 =	vld.idx.msk [tilespmem:v0+s21+$0x20 ss:$0x1], $0xffff;
	s21 =	smov.u32 s17  }
.LBB1_4:
0x2b: {  	p0 =	sne.s32 s22, $0xE00;
	v7 =	vld.idx.msk [tilespmem:v0+s20+$0x30 ss:$0x1], $0xffff;
	[tilespmem:s21+$0xFFFFFFD0] =	vst v5  }
0x2c: {  	v8 =	vld.idx.msk [tilespmem:v0+s20+$0xFFFFFFC0 ss:$0x1], $0xffff;
	[tilespmem:s21+$0xFFFFFFE0] =	vst v4  }
0x2d: {  	v5 =	vld.idx.msk [tilespmem:v0+s20+$0xFFFFFFD0 ss:$0x1], $0xffff;
	[tilespmem:s21+$0xFFFFFFF0] =	vst v3  }
.Ltmp3:
0x2e: {  	v4 =	vld.idx.msk [tilespmem:v0+s20+$0xFFFFFFE0 ss:$0x1], $0xffff;
	[tilespmem:s21+$0x0] =	vst v1;
	(pc) =	sbr.rel @p0 .LBB1_4-.Ltmp3, $4  }
0x2f: {  	v3 =	vld.idx.msk [tilespmem:v0+s20+$0xFFFFFFF0 ss:$0x1], $0xffff;
	[tilespmem:s21+$0x10] =	vst v2  }
0x30: {  	v1 =	vld.idx.msk [tilespmem:v0+s20+$0x0 ss:$0x1], $0xffff;
	[tilespmem:s21+$0x20] =	vst v6;
	s21 =	sadd.s32 $0x800, s21  }
0x31: {  	v2 =	vld.idx.msk [tilespmem:v0+s20+$0x10 ss:$0x1], $0xffff;
	[tilespmem:s21+$0x30] =	vst v7  }
0x32: {  	[tilespmem:s21+$0xFFFFFFC0] =	vst v8;
	v6 =	vld.idx.msk [tilespmem:v0+s20+$0x20 ss:$0x1], $0xffff;
	s20 =	sshra.s32 s22, $0x2;
	s22 =	sadd.s32 $0x200, s22  }
0x33: {  	_ =	sdelay $0x2  }
0x34: {  	[tilespmem:s21+$0xFFFFFFD0] =	vst v5  }
0x35: {  	v56 =	vld.idx.msk [tilespmem:v0+s20+$0x30 ss:$0x1], $0xffff;
	[tilespmem:s21+$0xFFFFFFE0] =	vst v4  }
0x36: {  	v57 =	vld.idx.msk [tilespmem:v0+s20+$0xFFFFFFC0 ss:$0x1], $0xffff;
	[tilespmem:s21+$0xFFFFFFF0] =	vst v3  }
0x37: {  	v58 =	vld.idx.msk [tilespmem:v0+s20+$0xFFFFFFD0 ss:$0x1], $0xffff;
	[tilespmem:s21+$0x0] =	vst v1  }
0x38: {  	v59 =	vld.idx.msk [tilespmem:v0+s20+$0xFFFFFFE0 ss:$0x1], $0xffff;
	[tilespmem:s21+$0x10] =	vst v2  }
0x39: {  	v60 =	vld.idx.msk [tilespmem:v0+s20+$0xFFFFFFF0 ss:$0x1], $0xffff;
	s31 =	sadd.s32 $0x800, s21;
	[tilespmem:s21+$0x20] =	vst v6  }
0x3a: {  	v61 =	vld.idx.msk [tilespmem:v0+s20+$0x0 ss:$0x1], $0xffff;
	[tilespmem:s31+$0x30] =	vst v56  }
0x3b: {  	v62 =	vld.idx.msk [tilespmem:v0+s20+$0x10 ss:$0x1], $0xffff;
	s19 =	sadd.s32 $0x1, s19;
	[tilespmem:s31+$0xFFFFFFC0] =	vst v57  }
0x3c: {  	v63 =	vld.idx.msk [tilespmem:v0+s20+$0x20 ss:$0x1], $0xffff;
	p0 =	sne.s32 s19, $0x10;
	[tilespmem:s31+$0xFFFFFFD0] =	vst v58  }
.Ltmp4:
0x3d: {  	[tilespmem:s31+$0xFFFFFFE0] =	vst v59;
	(pc) =	sbr.rel @p0 .LBB1_3-.Ltmp4, $4  }
0x3e: {  	[tilespmem:s31+$0xFFFFFFF0] =	vst v60  }
0x3f: {  	[tilespmem:s31+$0x0] =	vst v61  }
0x40: {  	[tilespmem:s31+$0x10] =	vst v62  }
0x41: {  	s17 =	sadd.s32 $0x80, s17;
	s18 =	sadd.s32 $0x400, s18;
	[tilespmem:s31+$0x20] =	vst v63  }
0x42: {  	s14 =	sand.u32 $0x1FFFFFF, s14  }
0x43: {  	s17 =	smulhi.u32 $0x3333334, s14  }
0x44: {  	s15 =	smul.u32 $0x2800, s15  }
0x45: {  	s17 =	smul.u32 $0x50, s17  }
.Ltmp5:
0x46: {  	_ = 	snop;
	(pc) =	sbr.rel .LBB1_7-.Ltmp5, $4  }
0x47: {  	s14 =	ssub.s32 s14, s17  }
0x48: {  	s15 =	sadd.s32 s6, s15;
	s14 =	sshll.u32 s14, $0x4  }
0x49: {  	s14 =	sadd.s32 s14, s15  }
0x4a: {  	[hbm4b:s14+s8] =	stream.strided.scatter [tilespmem:s16], [sflag:$0x2], $0x4000, s9, s8, $0x38;
	[tilespmem:$0x10000] =	vst v63  }
.LBB1_8:
0x4b: {  	_ =	sfence.sel $0x180000  }
0x4c: {  	s2 =	simm.s32 $0x1;
	[bflag:$0x0] =	sbarrier.arrive $0xFFFF  }
0x4d: {  	s31 =	simm.s32 $0x2;
	[sflag:s2] =	ssyncpa.u1 $0x1  }
0x4e: {  	[sflag:s31] =	ssyncpa.u1 $0x1  }
0x4f: {  	p0 =	sne.s32 s0, $0x0;
	_ =	strace $0x9000004A  }
0x50: {  	s0 =	sadd.s32 @!p0 $0x100000, s1;
	[bflag:$0x2] =	sbarrier.arrive $0xFFFF  }
0x51: {  	[sflag:s0] =	ssyncadd.tile.s32 @!p0 $0x1;
	_ =	shalt  }
.Lfunc_end1:
_tile_overlayer_lowered:
.L_overlay_start_2:
0x52: {  	(tag) =	ssettag $0x2  }
0x53: {  	s0 =	rddreg [dreg:$0x0];
	s2 =	stileid.u32  }
0x54: {  	s1 =	rddreg [dreg:$0x1];
	p0 =	sne.s32 s2, $0x0  }
0x55: {  	s3 =	rddreg [dreg:$0x2];
	[bflag:$0x3] =	sbarrier.arrive $0xFFFF;
	s2 =	simm.s32 @!p0 $0x1C01  }
0x56: {  	[timem:s3], [sflag:s2] =	dma.local @!p0 [hbm:s0], s1  }
0x57: {  	s0 =	simm.s32 @!p0 $0x1  }
0x58: {  	_ =	swait.ge @!p0 [sflag:s0], s1  }
0x59: {  	s1 =	ssub.s32 @!p0 $0x0, s1;
	[sflag:s0] =	ssyncset.done @!p0 $0x0  }
0x5a: {  	[sflag:s0] =	ssyncadd.s32 @!p0 s1  }
0x5b: {  	[bflag:$0x3] =	sbarrier.arrive $0xFFFF  }
0x5c: {  	_ =	shalt  }

// kernel: sparse-core-data-format-call.cloned.1.call-start
scs
called_computation_lowered:
.L_overlay_start_0:
0x0: {  	s1 =	sld [smem:$0x3FD9]  }
0x1: {  	s2 =	sld [smem:$0x3FFE];
	_ =	sdelay $0x1  }
0x2: {  	s3 =	srdreg.scid  }
0x3: {  	s0 =	sand.u32 $0x1, s3  }
0x4: {  	s17 =	sshll.u32 s0, $0xA;
	s1 =	sadd.s32 s2, s1  }
0x5: {  	s1 =	sadd.s32 s1, s17  }
0x6: {  	[smem:$0x3FC0] =	sst s1  }
0x7: {  	_ = 	snop  }
0x8: {  	(tm) =	ssettm $0x1  }
0x9: {  	s18 =	sld [smem:$0x3FFB];
	_ =	sdelay $0x3  }
0xa: {  	_ =	strace s18  }
0xb: {  	s1 =	sld [smem:$0x3FFC];
	_ =	sdelay $0x3  }
0xc: {  	_ =	strace s1  }
0xd: {  	s1 =	sld [smem:$0x3FFD];
	_ =	sdelay $0x3  }
0xe: {  	_ =	strace s1  }
0xf: {  	_ =	strace $0x8FFFFFFF  }
0x10: {  	s19 =	sld [smem:$0x3FDB];
	_ =	sdelay $0x1  }
0x11: {  	s20 =	simm.s32 $_scs_section_size  }
0x12: {  	s4 =	simm.s32 $_size__tile_overlayer_lowered;
	s5 =	simm.s32 $_tile_overlayer_lowered  }
0x13: {  	s23 =	simm.s32 $0x1BFF;
	s22 =	sshll.u32 s5, $0x1;
	s1 =	sadd.s32 s20, s19  }
0x14: {  	s6 =	simm.s32 $0x0;
	s21 =	sshll.u32 s4, $0x1;
	s4 =	sadd.s32 s22, s1  }
0x15: {  	[timem:s6], [sflag:s23] =	dma.local [hbm:s4], s21  }
0x16: {  	_ =	swait.ge [sflag:s23], s21  }
0x17: {  	s2 =	ssub.s32 $0x0, s21;
	[sflag:s23] =	ssyncset.done $0x0  }
0x18: {  	[sflag:s23] =	ssyncadd.s32 s2;
	_ =	sdelay $0x1  }
0x19: {  	s24 =	simm.s32 $0x1B8B  }
0x1a: {  	_ =	swait.ge [sflag:s24], $0x1  }
0x1b: {  	[sflag:s24] =	ssyncset.done $0x0  }
0x1c: {  	s26 =	simm.s32 $0x1B8E;
	s25 =	sld [smem:$0x3FFE];
	[sflag:s24] =	ssyncadd.s32 $0xFFFFFFFF  }
0x1d: {  	s27 =	simm.s32 $execute0_lowered;
	[smem:$0x3FD2] =	sst s26  }
0x1e: {  	s4 =	sshll.u32 s27, $0x1;
	_ =	strace $0x8000004F;
	[dreg:$0x1] =	wrdreg $0xFFFFFFFF  }
0x1f: {  	s28 =	simm.s32 $_size_execute0_lowered;
	s1 =	sadd.s32 s1, s4;
	[dreg:$0x0] =	wrdreg $0x0  }
0x20: {  	s4 =	sshll.u32 s28, $0x1;
	[dreg:$0x2] =	wrdreg s1  }
0x21: {  	[dreg:$0x3] =	wrdreg s4  }
0x22: {  	[dreg:$0x4] =	wrdreg $0xC0  }
0x23: {  	_ =	task [dreg:s6], $0x5FFFF  }
0x24: {  	[dreg:$0x1] =	wrdreg $0xFFFFFFFF  }
0x25: {  	[dreg:$0x0] =	wrdreg $0x60  }
0x26: {  	[dreg:$0x2] =	wrdreg s25  }
0x27: {  	[dreg:$0x3] =	wrdreg $0x9  }
0x28: {  	_ =	task.clear_ibuf [dreg:s6], $0x4FFFF;
	_ =	strace $0x9000004F  }
0x29: {  	s29 =	simm.s32 $0x9;
	_ =	strace $0x80000051  }
0x2a: {  	_ =	swait.ge [sflag:s29], $0x1  }
0x2b: {  	[sflag:s29] =	ssyncadd.s32 $0xFFFFFFFF  }
0x2c: {  	_ =	strace $0x90000051  }
0x2d: {  	_ =	sfence  }
0x2e: {  	s30 =	sld [smem:$0x0];
	_ =	sdelay $0x2  }
0x2f: {  	s31 =	sshll.u32 s3, $0xD;
	s3 =	sshrl.u32 s3, $0x2  }
0x30: {  	s2 =	sand.u32 $0x4000, s31;
	s1 =	sadd.s32 s3, s30  }
0x31: {  	s0 =	sor.u32 s2, s0;
	s1 =	sshll.u32 s1, $0x11  }
0x32: {  	s0 =	sor.u32 s1, s0  }
0x33: {  	s0 =	sadd.s32 $0x8F2B, s0  }
0x34: {  	[sflag:s0] =	ssyncadd.remote.s32 $0x1  }
0x35: {  	_ =	sfence.sel $0xFFFF  }
0x36: {  	[dreg:$0x0] =	wrdreg $0xFFFFFFFF;
	(pc) =	sbr.abs _section_cstart, $3  }
0x37: {  	[dreg:$0x1] =	wrdreg $0xFFFFFFFF  }
0x38: {  	_ =	task.clear_ibuf [dreg:s6], $0x2FFFF;
	_ =	strace $0x9FFFFFFF  }
0x39: {  	(tm) =	ssettm $0x7FFFFFFF  }
tec
execute0_lowered:
.L_overlay_start_1:
0x0: {  	(tag) =	ssettag $0x1  }
0x1: {  	s0 =	srdreg.scid;
	s6 =	rddreg [dreg:$0x0];
	s4 =	simm.s32 $0x1  }
0x2: {  	s7 =	simm.s32 $0x2;
	s14 =	simm.s32 $0x0;
	s1 =	sshll.u32 s0, $0x4  }
0x3: {  	s8 =	simm.s32 $0x800;
	s0 =	stileid.u32;
	s1 =	sand.u32 $0x10, s1  }
0x4: {  	s9 =	simm.s32 $0x2800;
	s10 =	simm.s32 $0x0;
	s2 =	sor.u32 s0, s1  }
.Ltmp0:
0x5: {  	s15 =	simm.s32 $0x0;
	s3 =	ssub.s32 $0x16F, s2;
	(pc) =	sbr.rel .LBB1_1-.Ltmp0, $4  }
0x6: {  	s11 =	simm.s32 $0x0;
	s13 =	simm.s32 $0x0;
	s5 =	sshrl.u32 s3, $0x5  }
0x7: {  	s1 =	rddreg [dreg:$0x1];
	_ =	strace $0x80000050;
	s5 =	smul.u32 $0x5, s5  }
0x8: {  	[sflag:s4] =	ssyncpa.u1 $0x0;
	s12 =	smov.u32 s2;
	s3 =	sadd.s32 $0x7400, s6  }
0x9: {  	s6 =	sadd.s32 $0x34F400, s6;
	[sflag:s7] =	ssyncpa.u1 $0x0;
	s7 =	sadd.s32 $0x1, s5  }
.LBB1_7:
0xa: {  	s16 =	sadd.s32 $0x10, s11  }
0xb: {  	s14 =	sadd.s32 $0x20, s12;
	s18 =	smov.u32 s12;
	p1 =	sgt.s32 s16, $0x4F  }
0xc: {  	s18 =	smov.u32 @p1 s14  }
0xd: {  	s16 =	simm.s32 @p1 $0x0;
	p1 =	sgt.s32 s18, $0x14F  }
0xe: {  	s18 =	smov.u32 @p1 s2;
	p1 =	sne.s32 s13, s7  }
.Ltmp1:
0xf: {  	p0 =	slt.u32 s13, $0x2;
	(pc) =	sbr.rel @!p1 .LBB1_8-.Ltmp1, $4  }
0x10: {  	s17 =	simm.s32 @!p0 $0x2  }
0x11: {  	s15 =	smov.u32 s12;
	s10 =	sadd.s32 $0x4000, s10;
	_ =	swait.ge @!p0 [sflag:s17], $0x4000  }
0x12: {  	s14 =	smov.u32 s11;
	[sflag:s17] =	ssyncset.done @!p0 $0x0;
	s11 =	smov.u32 s16  }
0x13: {  	s13 =	sadd.s32 $0x1, s13;
	[sflag:s17] =	ssyncadd.s32 @!p0 $0xFFFFC000;
	s12 =	smov.u32 s18  }
.LBB1_1:
0x14: {  	p0 =	sge.u32 s13, s5  }
0x15: {  	s16 =	smul.u32 @!p0 $0x2800, s12  }
0x16: {  	s31 =	sadd.s32 $0xFFFFFFFF, s13;
	s17 =	sxor.u32 @!p0 $0xFFFFFFFF, s13  }
0x17: {  	s18 =	sshll.u32 @!p0 s11, $0x7;
	s17 =	sshll.u32 @!p0 s17, $0xE;
	s16 =	sadd.s32 @!p0 s3, s16  }
0x18: {  	s17 =	sand.u32 @!p0 $0x4000, s17;
	s16 =	sadd.s32 @!p0 s18, s16;
	s18 =	simm.s32 @!p0 $0x0  }
0x19: {  	[tilespmem:s17], [sflag:$0x1] =	stream.linear.gather @!p0 [hbm4b:s16+s18], $0x4000, $0x38;
	[tilespmem:$0x10000] =	vst v63  }
0x1a: {  	p0 =	sge.u32 s31, s5  }
.Ltmp2:
0x1b: {  	_ = 	snop;
	(pc) =	sbr.rel @p0 .LBB1_7-.Ltmp2, $1  }
0x1c: {  	_ =	sdelay $0x3  }
0x1d: {  	s16 =	sand.u32 $0x4000, s10  }
0x1e: {  	_ =	swait.ge [sflag:s4], $0x4000;
	s19 =	sshll.u32 s13, $0xE;
	s17 =	sor.u32 $0x8040, s16  }
0x1f: {  	s18 =	sor.u32 $0x40, s16;
	[sflag:s4] =	ssyncset.done $0x0;
	s31 =	sand.u32 $0x4000, s19  }
0x20: {  	s19 =	simm.s32 $0x0;
	[sflag:s4] =	ssyncadd.s32 $0xFFFFC000;
	s16 =	sor.u32 $0x8000, s31  }
.LBB1_3:
0x21: {  	v0 =	vmov s18;
	_ =	sdelay $0x3  }
0x22: {  	s21 =	simm.s32 $0x0  }
0x23: {  	v6 =	vld.idx.msk [tilespmem:v0+s21+$0x30 ss:$0x1], $0xffff  }
0x24: {  	v7 =	vld.idx.msk [tilespmem:v0+s21+$0xFFFFFFC0 ss:$0x1], $0xffff  }
0x25: {  	v5 =	vld.idx.msk [tilespmem:v0+s21+$0xFFFFFFD0 ss:$0x1], $0xffff  }
0x26: {  	v4 =	vld.idx.msk [tilespmem:v0+s21+$0xFFFFFFE0 ss:$0x1], $0xffff  }
0x27: {  	v3 =	vld.idx.msk [tilespmem:v0+s21+$0xFFFFFFF0 ss:$0x1], $0xffff  }
0x28: {  	v1 =	vld.idx.msk [tilespmem:v0+s21+$0x0 ss:$0x1], $0xffff  }
0x29: {  	v2 =	vld.idx.msk [tilespmem:v0+s21+$0x10 ss:$0x1], $0xffff;
	[tilespmem:s17+$0x30] =	vst v6  }
0x2a: {  	s20 =	simm.s32 $0x80;
	s22 =	simm.s32 $0x400;
	[tilespmem:s17+$0xFFFFFFC0] =	vst v7;
	v6 =	vld.idx.msk [tilespmem:v0+s21+$0x20 ss:$0x1], $0xffff;
	s21 =	smov.u32 s17  }
.LBB1_4:
0x2b: {  	p0 =	sne.s32 s22, $0xE00;
	v7 =	vld.idx.msk [tilespmem:v0+s20+$0x30 ss:$0x1], $0xffff;
	[tilespmem:s21+$0xFFFFFFD0] =	vst v5  }
0x2c: {  	v8 =	vld.idx.msk [tilespmem:v0+s20+$0xFFFFFFC0 ss:$0x1], $0xffff;
	[tilespmem:s21+$0xFFFFFFE0] =	vst v4  }
0x2d: {  	v5 =	vld.idx.msk [tilespmem:v0+s20+$0xFFFFFFD0 ss:$0x1], $0xffff;
	[tilespmem:s21+$0xFFFFFFF0] =	vst v3  }
.Ltmp3:
0x2e: {  	v4 =	vld.idx.msk [tilespmem:v0+s20+$0xFFFFFFE0 ss:$0x1], $0xffff;
	[tilespmem:s21+$0x0] =	vst v1;
	(pc) =	sbr.rel @p0 .LBB1_4-.Ltmp3, $4  }
0x2f: {  	v3 =	vld.idx.msk [tilespmem:v0+s20+$0xFFFFFFF0 ss:$0x1], $0xffff;
	[tilespmem:s21+$0x10] =	vst v2  }
0x30: {  	v1 =	vld.idx.msk [tilespmem:v0+s20+$0x0 ss:$0x1], $0xffff;
	[tilespmem:s21+$0x20] =	vst v6;
	s21 =	sadd.s32 $0x800, s21  }
0x31: {  	v2 =	vld.idx.msk [tilespmem:v0+s20+$0x10 ss:$0x1], $0xffff;
	[tilespmem:s21+$0x30] =	vst v7  }
0x32: {  	[tilespmem:s21+$0xFFFFFFC0] =	vst v8;
	v6 =	vld.idx.msk [tilespmem:v0+s20+$0x20 ss:$0x1], $0xffff;
	s20 =	sshra.s32 s22, $0x2;
	s22 =	sadd.s32 $0x200, s22  }
0x33: {  	_ =	sdelay $0x2  }
0x34: {  	[tilespmem:s21+$0xFFFFFFD0] =	vst v5  }
0x35: {  	v56 =	vld.idx.msk [tilespmem:v0+s20+$0x30 ss:$0x1], $0xffff;
	[tilespmem:s21+$0xFFFFFFE0] =	vst v4  }
0x36: {  	v57 =	vld.idx.msk [tilespmem:v0+s20+$0xFFFFFFC0 ss:$0x1], $0xffff;
	[tilespmem:s21+$0xFFFFFFF0] =	vst v3  }
0x37: {  	v58 =	vld.idx.msk [tilespmem:v0+s20+$0xFFFFFFD0 ss:$0x1], $0xffff;
	[tilespmem:s21+$0x0] =	vst v1  }
0x38: {  	v59 =	vld.idx.msk [tilespmem:v0+s20+$0xFFFFFFE0 ss:$0x1], $0xffff;
	[tilespmem:s21+$0x10] =	vst v2  }
0x39: {  	v60 =	vld.idx.msk [tilespmem:v0+s20+$0xFFFFFFF0 ss:$0x1], $0xffff;
	s31 =	sadd.s32 $0x800, s21;
	[tilespmem:s21+$0x20] =	vst v6  }
0x3a: {  	v61 =	vld.idx.msk [tilespmem:v0+s20+$0x0 ss:$0x1], $0xffff;
	[tilespmem:s31+$0x30] =	vst v56  }
0x3b: {  	v62 =	vld.idx.msk [tilespmem:v0+s20+$0x10 ss:$0x1], $0xffff;
	s19 =	sadd.s32 $0x1, s19;
	[tilespmem:s31+$0xFFFFFFC0] =	vst v57  }
0x3c: {  	v63 =	vld.idx.msk [tilespmem:v0+s20+$0x20 ss:$0x1], $0xffff;
	p0 =	sne.s32 s19, $0x10;
	[tilespmem:s31+$0xFFFFFFD0] =	vst v58  }
.Ltmp4:
0x3d: {  	[tilespmem:s31+$0xFFFFFFE0] =	vst v59;
	(pc) =	sbr.rel @p0 .LBB1_3-.Ltmp4, $4  }
0x3e: {  	[tilespmem:s31+$0xFFFFFFF0] =	vst v60  }
0x3f: {  	[tilespmem:s31+$0x0] =	vst v61  }
0x40: {  	[tilespmem:s31+$0x10] =	vst v62  }
0x41: {  	s17 =	sadd.s32 $0x80, s17;
	s18 =	sadd.s32 $0x400, s18;
	[tilespmem:s31+$0x20] =	vst v63  }
0x42: {  	s14 =	sand.u32 $0x1FFFFFF, s14  }
0x43: {  	s17 =	smulhi.u32 $0x3333334, s14  }
0x44: {  	s15 =	smul.u32 $0x2800, s15  }
0x45: {  	s17 =	smul.u32 $0x50, s17  }
.Ltmp5:
0x46: {  	_ = 	snop;
	(pc) =	sbr.rel .LBB1_7-.Ltmp5, $4  }
0x47: {  	s14 =	ssub.s32 s14, s17  }
0x48: {  	s15 =	sadd.s32 s6, s15;
	s14 =	sshll.u32 s14, $0x4  }
0x49: {  	s14 =	sadd.s32 s14, s15  }
0x4a: {  	[hbm4b:s14+s8] =	stream.strided.scatter [tilespmem:s16], [sflag:$0x2], $0x4000, s9, s8, $0x38;
	[tilespmem:$0x10000] =	vst v63  }
.LBB1_8:
0x4b: {  	_ =	sfence.sel $0x180000  }
0x4c: {  	s2 =	simm.s32 $0x1;
	[bflag:$0x0] =	sbarrier.arrive $0xFFFF  }
0x4d: {  	s31 =	simm.s32 $0x2;
	[sflag:s2] =	ssyncpa.u1 $0x1  }
0x4e: {  	[sflag:s31] =	ssyncpa.u1 $0x1  }
0x4f: {  	p0 =	sne.s32 s0, $0x0;
	_ =	strace $0x90000050  }
0x50: {  	s0 =	sadd.s32 @!p0 $0x100000, s1;
	[bflag:$0x2] =	sbarrier.arrive $0xFFFF  }
0x51: {  	[sflag:s0] =	ssyncadd.tile.s32 @!p0 $0x1;
	_ =	shalt  }
.Lfunc_end1:
_tile_overlayer_lowered:
.L_overlay_start_2:
0x52: {  	(tag) =	ssettag $0x2  }
0x53: {  	s0 =	rddreg [dreg:$0x0];
	s2 =	stileid.u32  }
0x54: {  	s1 =	rddreg [dreg:$0x1];
	p0 =	sne.s32 s2, $0x0  }
0x55: {  	s3 =	rddreg [dreg:$0x2];
	[bflag:$0x3] =	sbarrier.arrive $0xFFFF;
	s2 =	simm.s32 @!p0 $0x1C01  }
0x56: {  	[timem:s3], [sflag:s2] =	dma.local @!p0 [hbm:s0], s1  }
0x57: {  	s0 =	simm.s32 @!p0 $0x1  }
0x58: {  	_ =	swait.ge @!p0 [sflag:s0], s1  }
0x59: {  	s1 =	ssub.s32 @!p0 $0x0, s1;
	[sflag:s0] =	ssyncset.done @!p0 $0x0  }
0x5a: {  	[sflag:s0] =	ssyncadd.s32 @!p0 s1  }
0x5b: {  	[bflag:$0x3] =	sbarrier.arrive $0xFFFF  }
0x5c: {  	_ =	shalt  }

</sc_bundles>
